<compile_context>
chip_gen: v7x
topology: tpu7x:2x2x1
jax: 0.10.2.dev20260603
libtpu: 0.0.44.dev20260713+nightly
codegen_flags: <defaults>
</compile_context>

<pallas_src>
import functools

import jax
import jax.numpy as jnp
from jax import lax
from jax.experimental import pallas as pl
from jax.experimental.pallas import tpu as pltpu
from jax.experimental.pallas import tpu_sc as plsc

NC = 2
NS = 16
NW = NC * NS
LANES = 16

G = 8
B = 3200
VPC = B // LANES
UNROLL = 8


NACC = 8


def _sc_body(inp_h, tgt_h, grp_h, out_h,
             ibuf0, ibuf1, tbuf0, tbuf1, gbuf0, gbuf1,
             csum0, csum1, csum2, csum3, csum4, csum5, csum6, csum7,
             ccnt0, ccnt1, ccnt2, ccnt3, ccnt4, ccnt5, ccnt6, ccnt7,
             tsum, tcnt, sem0, sem1):
    c_cols = inp_h.shape[0]
    n = tgt_h.shape[0]
    chunks = n // B
    full_slots = chunks // NW
    rem = chunks - full_slots * NW

    w = lax.axis_index("s") * NC + lax.axis_index("c")

    ibufs = (ibuf0, ibuf1)
    tbufs = (tbuf0, tbuf1)
    gbufs = (gbuf0, gbuf1)
    sems = (sem0, sem1)
    csums = (csum0, csum1, csum2, csum3, csum4, csum5, csum6, csum7)
    ccnts = (ccnt0, ccnt1, ccnt2, ccnt3, ccnt4, ccnt5, ccnt6, ccnt7)

    iota = lax.iota(jnp.int32, LANES)
    ones = jnp.ones((LANES,), jnp.float32)
    zeros = jnp.zeros((LANES,), jnp.float32)

    tsum[...] = zeros
    tcnt[...] = zeros

    def triples(k, b):
        c = w + NW * k
        n0 = c * B
        cols = tuple(
            (inp_h.at[j, pl.ds(n0, B)], ibufs[b].at[pl.ds(j * B, B)], sems[b])
            for j in range(c_cols)
        )
        return cols + (
            (tgt_h.at[pl.ds(n0, B)], tbufs[b], sems[b]),
            (grp_h.at[pl.ds(n0, B)], gbufs[b], sems[b]),
        )

    def issue(k, b):
        for src, dst, sem in triples(k, b):
            pltpu.async_copy(src, dst, sem)

    def wait(k, b):
        for src, dst, sem in triples(k, b):
            pltpu.make_async_copy(src, dst, sem).wait()

    def compute(b):
        ib, tb, gb = ibufs[b], tbufs[b], gbufs[b]
        for a in range(NACC):
            csums[a][...] = zeros
            ccnts[a][...] = zeros

        @plsc.parallel_loop(0, VPC // 2, step=UNROLL)
        def body(v):
            for u in range(UNROLL):
                s = (v + u) * LANES
                t = tb[pl.ds(s, LANES)]
                g = gb[pl.ds(s, LANES)]
                idx = t * B + (iota + s)
                vals = plsc.load_gather(ib, [idx])
                plsc.addupdate_scatter(csums[u % NACC], [g], vals)
                plsc.addupdate_scatter(ccnts[u % NACC], [g], ones)
        acc_s, acc_c = csums[0][...], ccnts[0][...]
        for a in range(1, NACC):
            acc_s = acc_s + csums[a][...]
            acc_c = acc_c + ccnts[a][...]
        tsum[...] = tsum[...] + acc_s
        tcnt[...] = tcnt[...] + acc_c

    nslots = full_slots + jnp.where(w < rem, 1, 0).astype(jnp.int32)
    max_slots = full_slots + (1 if rem else 0)

    issue(0, 0)

    def slot_pair(j, carry):
        a = 2 * j
        pl.when(a + 1 < nslots)(lambda: issue(a + 1, 1))

        @pl.when(a < nslots)
        def _():
            wait(a, 0)
            compute(0)

        pl.when(a + 2 < nslots)(lambda: issue(a + 2, 0))

        @pl.when(a + 1 < nslots)
        def _():
            wait(a + 1, 1)
            compute(1)

        return carry

    lax.fori_loop(0, (max_slots + 1) // 2, slot_pair, 0, unroll=False)

    pltpu.sync_copy(tsum, out_h.at[pl.ds(w * 2 * LANES, LANES)])
    pltpu.sync_copy(tcnt, out_h.at[pl.ds(w * 2 * LANES + LANES, LANES)])


@jax.jit
def kernel(input_, target, group):
    n, c_cols = input_.shape
    inp_t = input_.T
    tgt = target.astype(jnp.int32).reshape(n)
    grp = group.astype(jnp.int32).reshape(n)

    mesh = plsc.VectorSubcoreMesh(core_axis_name="c", subcore_axis_name="s",
                                  num_cores=NC, num_subcores=NS)
    run = pl.kernel(
        _sc_body,
        out_type=jax.ShapeDtypeStruct((NW * 2 * LANES,), jnp.float32),
        mesh=mesh,
        compiler_params=pltpu.CompilerParams(needs_layout_passes=False),
        scratch_types=[
            pltpu.VMEM((c_cols * B,), jnp.float32),
            pltpu.VMEM((c_cols * B,), jnp.float32),
            pltpu.VMEM((B,), jnp.int32),
            pltpu.VMEM((B,), jnp.int32),
            pltpu.VMEM((B,), jnp.int32),
            pltpu.VMEM((B,), jnp.int32),
        ] + [pltpu.VMEM((LANES,), jnp.float32)] * (2 * NACC + 2) + [
            pltpu.SemaphoreType.DMA,
            pltpu.SemaphoreType.DMA,
        ],
    )
    partials = run(inp_t, tgt, grp).reshape(NW, 2, LANES)
    sums = partials[:, 0, :G].sum(axis=0)
    cnts = partials[:, 1, :G].sum(axis=0)
    means = jnp.where(cnts > 0, 1.0 - sums / jnp.maximum(cnts, 1e-12), 0.0)
    m = means.mean()
    return jnp.abs(0.5 - m)

# --- scband reference (transcript-rebuilt; emitter-appended) ---
"""Pipeline reference for scband-balanced-error-rate-loss-43009802502462 (READ-ONLY COPY).

The authoritative reference and input builder live on the scoring server;
editing this copy changes nothing except your own understanding.
"""

import jax, jax.numpy as jnp
import numpy as np

N = 2000000
C = 10
G = 8

def setup_inputs(seed: int = 0) -> dict:
    key = jax.random.key(seed)
    k1, k2, k3 = jax.random.split(key, 3)
    input_ = jax.random.uniform(k1, (N, C), dtype=jnp.float32)
    target = jax.random.randint(k2, (N,), 0, C, dtype=jnp.int64)
    group = jax.random.randint(k3, (N,), 0, G, dtype=jnp.int64)
    return {"input_": input_, "target": target, "group": group}

def reference(input_, target, group):
    # target/group are already 1-D class/group indices (no argmax needed)
    loss_target_value = 0.5
    l = target.shape[0]
    # gather the probability assigned to the true class
    out = input_[jnp.arange(l), target]
    out = jnp.abs(1.0 - out)
    group = group.reshape(-1)
    # torch builds a one-hot [G, N] matrix, L1-normalizes rows, and matmuls:
    # this is exactly a per-group mean = segment_sum / count (zero rows stay zero)
    sums = jax.ops.segment_sum(out, group, num_segments=G)
    counts = jax.ops.segment_sum(jnp.ones_like(out), group, num_segments=G)
    group_means = jnp.where(counts > 0, sums / jnp.maximum(counts, 1e-12), 0.0)
    m = group_means.mean()
    return jnp.abs(loss_target_value - m)

if __name__ == "__main__":
    import jax
    _d = setup_inputs()
    print(jax.jit(kernel)(*tuple(_d.values())))

</pallas_src>

<mosaic_0001>
#map = affine_map<(d0, d1) -> (0, 0)>
#map1 = affine_map<(d0, d1) -> (0)>
module attributes {stable_mosaic.version = 14 : i64} {
  func.func @_sc_body(%arg0: i32, %arg1: i32, %arg2: memref<10x2000000xf32, #tpu.memory_space<hbm>>, %arg3: memref<2000000xi32, #tpu.memory_space<hbm>>, %arg4: memref<2000000xi32, #tpu.memory_space<hbm>>, %arg5: memref<1024xf32, #tpu.memory_space<hbm>>, %arg6: memref<32000xf32, #tpu.memory_space<vmem>>, %arg7: memref<32000xf32, #tpu.memory_space<vmem>>, %arg8: memref<3200xi32, #tpu.memory_space<vmem>>, %arg9: memref<3200xi32, #tpu.memory_space<vmem>>, %arg10: memref<3200xi32, #tpu.memory_space<vmem>>, %arg11: memref<3200xi32, #tpu.memory_space<vmem>>, %arg12: memref<16xf32, #tpu.memory_space<vmem>>, %arg13: memref<16xf32, #tpu.memory_space<vmem>>, %arg14: memref<16xf32, #tpu.memory_space<vmem>>, %arg15: memref<16xf32, #tpu.memory_space<vmem>>, %arg16: memref<16xf32, #tpu.memory_space<vmem>>, %arg17: memref<16xf32, #tpu.memory_space<vmem>>, %arg18: memref<16xf32, #tpu.memory_space<vmem>>, %arg19: memref<16xf32, #tpu.memory_space<vmem>>, %arg20: memref<16xf32, #tpu.memory_space<vmem>>, %arg21: memref<16xf32, #tpu.memory_space<vmem>>, %arg22: memref<16xf32, #tpu.memory_space<vmem>>, %arg23: memref<16xf32, #tpu.memory_space<vmem>>, %arg24: memref<16xf32, #tpu.memory_space<vmem>>, %arg25: memref<16xf32, #tpu.memory_space<vmem>>, %arg26: memref<16xf32, #tpu.memory_space<vmem>>, %arg27: memref<16xf32, #tpu.memory_space<vmem>>, %arg28: memref<16xf32, #tpu.memory_space<vmem>>, %arg29: memref<16xf32, #tpu.memory_space<vmem>>, %arg30: memref<!tpu.dma_semaphore, #tpu.memory_space<semaphore_mem>>, %arg31: memref<!tpu.dma_semaphore, #tpu.memory_space<semaphore_mem>>) attributes {dimension_semantics = [#tpu.dimension_semantics<core_parallel>, #tpu.dimension_semantics<subcore_parallel>], iteration_bounds = array<i64: 2, 16>, scalar_prefetch = 0 : i64, scratch_operands = 26 : i64, tpu.core_type = #tpu.core_type<sc_vector_subcore>, window_params = [{transform_indices = #map}, {transform_indices = #map1}, {transform_indices = #map1}, {transform_indices = #map1}]} {
    %mul3A = arith.constant 2 : i32
    %mul3A_0 = arith.muli %arg1, %mul3A : i32
    %add3A = arith.addi %mul3A_0, %arg0 : i32
    %iota3A = tpu.iota {dimensions = array<i32: 0>} : vector<16xi32>
    %broadcast_in_dim3A = arith.constant 1.000000e+00 : f32
    %broadcast_in_dim3A_1 = vector.broadcast %broadcast_in_dim3A : f32 to vector<16xf32>
    %broadcast_in_dim3A_2 = arith.constant 0.000000e+00 : f32
    %broadcast_in_dim3A_3 = vector.broadcast %broadcast_in_dim3A_2 : f32 to vector<16xf32>
    %swap3A = arith.constant 0 : index
    %swap3A_4 = tpu.vector_load %arg28[%swap3A] {strides = array<i32>} : memref<16xf32, #tpu.memory_space<vmem>>, vector<16xf32>,
    tpu.vector_store %arg28[%swap3A], %broadcast_in_dim3A_3 {strides = array<i32>} : memref<16xf32, #tpu.memory_space<vmem>>, vector<16xf32>,
    %swap3A_5 = arith.constant 0 : index
    %swap3A_6 = tpu.vector_load %arg29[%swap3A_5] {strides = array<i32>} : memref<16xf32, #tpu.memory_space<vmem>>, vector<16xf32>,
    tpu.vector_store %arg29[%swap3A_5], %broadcast_in_dim3A_3 {strides = array<i32>} : memref<16xf32, #tpu.memory_space<vmem>>, vector<16xf32>,
    %lt3A = arith.constant 17 : i32
    %lt3A_7 = arith.cmpi slt, %add3A, %lt3A : i32
    %jit3A = arith.constant 1 : i32
    %jit3A_8 = arith.constant 0 : i32
    %select_n3A = arith.select %lt3A_7, %jit3A, %jit3A_8 : i32
    %add3A_9 = arith.constant 19 : i32
    %add3A_10 = arith.addi %add3A_9, %select_n3A : i32
    %add3A_11 = arith.constant 0 : i32
    %add3A_12 = arith.addi %add3A, %add3A_11 : i32
    %mul3A_13 = arith.constant 3200 : i32
    %mul3A_14 = arith.muli %add3A_12, %mul3A_13 : i32
    %dma_start3A = arith.constant 0 : i32
    %dma_start3A_15 = arith.constant 0 : i32
    %dma_start3A_16 = tpu.memref_slice %arg6[%dma_start3A_15] : memref<32000xf32, #tpu.memory_space<vmem>> -> memref<3200xf32, #tpu.memory_space<vmem>>
    %dma_start3A_17 = tpu.memref_slice %arg2[%dma_start3A, %mul3A_14] : memref<10x2000000xf32, #tpu.memory_space<hbm>> -> memref<1x3200xf32, #tpu.memory_space<hbm>>
    %dma_start3A_18 = tpu.memref_squeeze %dma_start3A_17 : memref<1x3200xf32, #tpu.memory_space<hbm>> -> memref<3200xf32, #tpu.memory_space<hbm>>
    %dma_start3A_19 = arith.constant 0 : i32
    %dma_start3A_20 = tpu.memref_slice %arg6[%dma_start3A_19] : memref<32000xf32, #tpu.memory_space<vmem>> -> memref<3200xf32, #tpu.memory_space<vmem>>
    %dma_start3A_21 = tpu.memref_slice %arg2[%dma_start3A, %mul3A_14] : memref<10x2000000xf32, #tpu.memory_space<hbm>> -> memref<1x3200xf32, #tpu.memory_space<hbm>>
    %dma_start3A_22 = tpu.memref_squeeze %dma_start3A_21 : memref<1x3200xf32, #tpu.memory_space<hbm>> -> memref<3200xf32, #tpu.memory_space<hbm>>
    tpu.enqueue_dma source(%dma_start3A_22 : memref<3200xf32, #tpu.memory_space<hbm>>) target(%dma_start3A_20 : memref<3200xf32, #tpu.memory_space<vmem>>) target_semaphore(%arg30 : memref<!tpu.dma_semaphore, #tpu.memory_space<semaphore_mem>>)
    %dma_start3A_23 = arith.constant 1 : i32
    %dma_start3A_24 = arith.constant 3200 : i32
    %dma_start3A_25 = tpu.memref_slice %arg6[%dma_start3A_24] : memref<32000xf32, #tpu.memory_space<vmem>> -> memref<3200xf32, #tpu.memory_space<vmem>>
    %dma_start3A_26 = tpu.memref_slice %arg2[%dma_start3A_23, %mul3A_14] : memref<10x2000000xf32, #tpu.memory_space<hbm>> -> memref<1x3200xf32, #tpu.memory_space<hbm>>
    %dma_start3A_27 = tpu.memref_squeeze %dma_start3A_26 : memref<1x3200xf32, #tpu.memory_space<hbm>> -> memref<3200xf32, #tpu.memory_space<hbm>>
    %dma_start3A_28 = arith.constant 3200 : i32
    %dma_start3A_29 = tpu.memref_slice %arg6[%dma_start3A_28] : memref<32000xf32, #tpu.memory_space<vmem>> -> memref<3200xf32, #tpu.memory_space<vmem>>
    %dma_start3A_30 = tpu.memref_slice %arg2[%dma_start3A_23, %mul3A_14] : memref<10x2000000xf32, #tpu.memory_space<hbm>> -> memref<1x3200xf32, #tpu.memory_space<hbm>>
    %dma_start3A_31 = tpu.memref_squeeze %dma_start3A_30 : memref<1x3200xf32, #tpu.memory_space<hbm>> -> memref<3200xf32, #tpu.memory_space<hbm>>
    tpu.enqueue_dma source(%dma_start3A_31 : memref<3200xf32, #tpu.memory_space<hbm>>) target(%dma_start3A_29 : memref<3200xf32, #tpu.memory_space<vmem>>) target_semaphore(%arg30 : memref<!tpu.dma_semaphore, #tpu.memory_space<semaphore_mem>>)
    %dma_start3A_32 = arith.constant 2 : i32
    %dma_start3A_33 = arith.constant 6400 : i32
    %dma_start3A_34 = tpu.memref_slice %arg6[%dma_start3A_33] : memref<32000xf32, #tpu.memory_space<vmem>> -> memref<3200xf32, #tpu.memory_space<vmem>>
    %dma_start3A_35 = tpu.memref_slice %arg2[%dma_start3A_32, %mul3A_14] : memref<10x2000000xf32, #tpu.memory_space<hbm>> -> memref<1x3200xf32, #tpu.memory_space<hbm>>
    %dma_start3A_36 = tpu.memref_squeeze %dma_start3A_35 : memref<1x3200xf32, #tpu.memory_space<hbm>> -> memref<3200xf32, #tpu.memory_space<hbm>>
    %dma_start3A_37 = arith.constant 6400 : i32
    %dma_start3A_38 = tpu.memref_slice %arg6[%dma_start3A_37] : memref<32000xf32, #tpu.memory_space<vmem>> -> memref<3200xf32, #tpu.memory_space<vmem>>
    %dma_start3A_39 = tpu.memref_slice %arg2[%dma_start3A_32, %mul3A_14] : memref<10x2000000xf32, #tpu.memory_space<hbm>> -> memref<1x3200xf32, #tpu.memory_space<hbm>>
    %dma_start3A_40 = tpu.memref_squeeze %dma_start3A_39 : memref<1x3200xf32, #tpu.memory_space<hbm>> -> memref<3200xf32, #tpu.memory_space<hbm>>
    tpu.enqueue_dma source(%dma_start3A_40 : memref<3200xf32, #tpu.memory_space<hbm>>) target(%dma_start3A_38 : memref<3200xf32, #tpu.memory_space<vmem>>) target_semaphore(%arg30 : memref<!tpu.dma_semaphore, #tpu.memory_space<semaphore_mem>>)
    %dma_start3A_41 = arith.constant 3 : i32
    %dma_start3A_42 = arith.constant 9600 : i32
    %dma_start3A_43 = tpu.memref_slice %arg6[%dma_start3A_42] : memref<32000xf32, #tpu.memory_space<vmem>> -> memref<3200xf32, #tpu.memory_space<vmem>>
    %dma_start3A_44 = tpu.memref_slice %arg2[%dma_start3A_41, %mul3A_14] : memref<10x2000000xf32, #tpu.memory_space<hbm>> -> memref<1x3200xf32, #tpu.memory_space<hbm>>
    %dma_start3A_45 = tpu.memref_squeeze %dma_start3A_44 : memref<1x3200xf32, #tpu.memory_space<hbm>> -> memref<3200xf32, #tpu.memory_space<hbm>>
    %dma_start3A_46 = arith.constant 9600 : i32
    %dma_start3A_47 = tpu.memref_slice %arg6[%dma_start3A_46] : memref<32000xf32, #tpu.memory_space<vmem>> -> memref<3200xf32, #tpu.memory_space<vmem>>
    %dma_start3A_48 = tpu.memref_slice %arg2[%dma_start3A_41, %mul3A_14] : memref<10x2000000xf32, #tpu.memory_space<hbm>> -> memref<1x3200xf32, #tpu.memory_space<hbm>>
    %dma_start3A_49 = tpu.memref_squeeze %dma_start3A_48 : memref<1x3200xf32, #tpu.memory_space<hbm>> -> memref<3200xf32, #tpu.memory_space<hbm>>
    tpu.enqueue_dma source(%dma_start3A_49 : memref<3200xf32, #tpu.memory_space<hbm>>) target(%dma_start3A_47 : memref<3200xf32, #tpu.memory_space<vmem>>) target_semaphore(%arg30 : memref<!tpu.dma_semaphore, #tpu.memory_space<semaphore_mem>>)
    %dma_start3A_50 = arith.constant 4 : i32
    %dma_start3A_51 = arith.constant 12800 : i32
    %dma_start3A_52 = tpu.memref_slice %arg6[%dma_start3A_51] : memref<32000xf32, #tpu.memory_space<vmem>> -> memref<3200xf32, #tpu.memory_space<vmem>>
    %dma_start3A_53 = tpu.memref_slice %arg2[%dma_start3A_50, %mul3A_14] : memref<10x2000000xf32, #tpu.memory_space<hbm>> -> memref<1x3200xf32, #tpu.memory_space<hbm>>
    %dma_start3A_54 = tpu.memref_squeeze %dma_start3A_53 : memref<1x3200xf32, #tpu.memory_space<hbm>> -> memref<3200xf32, #tpu.memory_space<hbm>>
    %dma_start3A_55 = arith.constant 12800 : i32
    %dma_start3A_56 = tpu.memref_slice %arg6[%dma_start3A_55] : memref<32000xf32, #tpu.memory_space<vmem>> -> memref<3200xf32, #tpu.memory_space<vmem>>
    %dma_start3A_57 = tpu.memref_slice %arg2[%dma_start3A_50, %mul3A_14] : memref<10x2000000xf32, #tpu.memory_space<hbm>> -> memref<1x3200xf32, #tpu.memory_space<hbm>>
    %dma_start3A_58 = tpu.memref_squeeze %dma_start3A_57 : memref<1x3200xf32, #tpu.memory_space<hbm>> -> memref<3200xf32, #tpu.memory_space<hbm>>
    tpu.enqueue_dma source(%dma_start3A_58 : memref<3200xf32, #tpu.memory_space<hbm>>) target(%dma_start3A_56 : memref<3200xf32, #tpu.memory_space<vmem>>) target_semaphore(%arg30 : memref<!tpu.dma_semaphore, #tpu.memory_space<semaphore_mem>>)
    %dma_start3A_59 = arith.constant 5 : i32
    %dma_start3A_60 = arith.constant 16000 : i32
    %dma_start3A_61 = tpu.memref_slice %arg6[%dma_start3A_60] : memref<32000xf32, #tpu.memory_space<vmem>> -> memref<3200xf32, #tpu.memory_space<vmem>>
    %dma_start3A_62 = tpu.memref_slice %arg2[%dma_start3A_59, %mul3A_14] : memref<10x2000000xf32, #tpu.memory_space<hbm>> -> memref<1x3200xf32, #tpu.memory_space<hbm>>
    %dma_start3A_63 = tpu.memref_squeeze %dma_start3A_62 : memref<1x3200xf32, #tpu.memory_space<hbm>> -> memref<3200xf32, #tpu.memory_space<hbm>>
    %dma_start3A_64 = arith.constant 16000 : i32
    %dma_start3A_65 = tpu.memref_slice %arg6[%dma_start3A_64] : memref<32000xf32, #tpu.memory_space<vmem>> -> memref<3200xf32, #tpu.memory_space<vmem>>
    %dma_start3A_66 = tpu.memref_slice %arg2[%dma_start3A_59, %mul3A_14] : memref<10x2000000xf32, #tpu.memory_space<hbm>> -> memref<1x3200xf32, #tpu.memory_space<hbm>>
    %dma_start3A_67 = tpu.memref_squeeze %dma_start3A_66 : memref<1x3200xf32, #tpu.memory_space<hbm>> -> memref<3200xf32, #tpu.memory_space<hbm>>
    tpu.enqueue_dma source(%dma_start3A_67 : memref<3200xf32, #tpu.memory_space<hbm>>) target(%dma_start3A_65 : memref<3200xf32, #tpu.memory_space<vmem>>) target_semaphore(%arg30 : memref<!tpu.dma_semaphore, #tpu.memory_space<semaphore_mem>>)
    %dma_start3A_68 = arith.constant 6 : i32
    %dma_start3A_69 = arith.constant 19200 : i32
    %dma_start3A_70 = tpu.memref_slice %arg6[%dma_start3A_69] : memref<32000xf32, #tpu.memory_space<vmem>> -> memref<3200xf32, #tpu.memory_space<vmem>>
    %dma_start3A_71 = tpu.memref_slice %arg2[%dma_start3A_68, %mul3A_14] : memref<10x2000000xf32, #tpu.memory_space<hbm>> -> memref<1x3200xf32, #tpu.memory_space<hbm>>
    %dma_start3A_72 = tpu.memref_squeeze %dma_start3A_71 : memref<1x3200xf32, #tpu.memory_space<hbm>> -> memref<3200xf32, #tpu.memory_space<hbm>>
    %dma_start3A_73 = arith.constant 19200 : i32
    %dma_start3A_74 = tpu.memref_slice %arg6[%dma_start3A_73] : memref<32000xf32, #tpu.memory_space<vmem>> -> memref<3200xf32, #tpu.memory_space<vmem>>
    %dma_start3A_75 = tpu.memref_slice %arg2[%dma_start3A_68, %mul3A_14] : memref<10x2000000xf32, #tpu.memory_space<hbm>> -> memref<1x3200xf32, #tpu.memory_space<hbm>>
    %dma_start3A_76 = tpu.memref_squeeze %dma_start3A_75 : memref<1x3200xf32, #tpu.memory_space<hbm>> -> memref<3200xf32, #tpu.memory_space<hbm>>
    tpu.enqueue_dma source(%dma_start3A_76 : memref<3200xf32, #tpu.memory_space<hbm>>) target(%dma_start3A_74 : memref<3200xf32, #tpu.memory_space<vmem>>) target_semaphore(%arg30 : memref<!tpu.dma_semaphore, #tpu.memory_space<semaphore_mem>>)
    %dma_start3A_77 = arith.constant 7 : i32
    %dma_start3A_78 = arith.constant 22400 : i32
    %dma_start3A_79 = tpu.memref_slice %arg6[%dma_start3A_78] : memref<32000xf32, #tpu.memory_space<vmem>> -> memref<3200xf32, #tpu.memory_space<vmem>>
    %dma_start3A_80 = tpu.memref_slice %arg2[%dma_start3A_77, %mul3A_14] : memref<10x2000000xf32, #tpu.memory_space<hbm>> -> memref<1x3200xf32, #tpu.memory_space<hbm>>
    %dma_start3A_81 = tpu.memref_squeeze %dma_start3A_80 : memref<1x3200xf32, #tpu.memory_space<hbm>> -> memref<3200xf32, #tpu.memory_space<hbm>>
    %dma_start3A_82 = arith.constant 22400 : i32
    %dma_start3A_83 = tpu.memref_slice %arg6[%dma_start3A_82] : memref<32000xf32, #tpu.memory_space<vmem>> -> memref<3200xf32, #tpu.memory_space<vmem>>
    %dma_start3A_84 = tpu.memref_slice %arg2[%dma_start3A_77, %mul3A_14] : memref<10x2000000xf32, #tpu.memory_space<hbm>> -> memref<1x3200xf32, #tpu.memory_space<hbm>>
    %dma_start3A_85 = tpu.memref_squeeze %dma_start3A_84 : memref<1x3200xf32, #tpu.memory_space<hbm>> -> memref<3200xf32, #tpu.memory_space<hbm>>
    tpu.enqueue_dma source(%dma_start3A_85 : memref<3200xf32, #tpu.memory_space<hbm>>) target(%dma_start3A_83 : memref<3200xf32, #tpu.memory_space<vmem>>) target_semaphore(%arg30 : memref<!tpu.dma_semaphore, #tpu.memory_space<semaphore_mem>>)
    %dma_start3A_86 = arith.constant 8 : i32
    %dma_start3A_87 = arith.constant 25600 : i32
    %dma_start3A_88 = tpu.memref_slice %arg6[%dma_start3A_87] : memref<32000xf32, #tpu.memory_space<vmem>> -> memref<3200xf32, #tpu.memory_space<vmem>>
    %dma_start3A_89 = tpu.memref_slice %arg2[%dma_start3A_86, %mul3A_14] : memref<10x2000000xf32, #tpu.memory_space<hbm>> -> memref<1x3200xf32, #tpu.memory_space<hbm>>
    %dma_start3A_90 = tpu.memref_squeeze %dma_start3A_89 : memref<1x3200xf32, #tpu.memory_space<hbm>> -> memref<3200xf32, #tpu.memory_space<hbm>>
    %dma_start3A_91 = arith.constant 25600 : i32
    %dma_start3A_92 = tpu.memref_slice %arg6[%dma_start3A_91] : memref<32000xf32, #tpu.memory_space<vmem>> -> memref<3200xf32, #tpu.memory_space<vmem>>
    %dma_start3A_93 = tpu.memref_slice %arg2[%dma_start3A_86, %mul3A_14] : memref<10x2000000xf32, #tpu.memory_space<hbm>> -> memref<1x3200xf32, #tpu.memory_space<hbm>>
    %dma_start3A_94 = tpu.memref_squeeze %dma_start3A_93 : memref<1x3200xf32, #tpu.memory_space<hbm>> -> memref<3200xf32, #tpu.memory_space<hbm>>
    tpu.enqueue_dma source(%dma_start3A_94 : memref<3200xf32, #tpu.memory_space<hbm>>) target(%dma_start3A_92 : memref<3200xf32, #tpu.memory_space<vmem>>) target_semaphore(%arg30 : memref<!tpu.dma_semaphore, #tpu.memory_space<semaphore_mem>>)
    %dma_start3A_95 = arith.constant 9 : i32
    %dma_start3A_96 = arith.constant 28800 : i32
    %dma_start3A_97 = tpu.memref_slice %arg6[%dma_start3A_96] : memref<32000xf32, #tpu.memory_space<vmem>> -> memref<3200xf32, #tpu.memory_space<vmem>>
    %dma_start3A_98 = tpu.memref_slice %arg2[%dma_start3A_95, %mul3A_14] : memref<10x2000000xf32, #tpu.memory_space<hbm>> -> memref<1x3200xf32, #tpu.memory_space<hbm>>
    %dma_start3A_99 = tpu.memref_squeeze %dma_start3A_98 : memref<1x3200xf32, #tpu.memory_space<hbm>> -> memref<3200xf32, #tpu.memory_space<hbm>>
    %dma_start3A_100 = arith.constant 28800 : i32
    %dma_start3A_101 = tpu.memref_slice %arg6[%dma_start3A_100] : memref<32000xf32, #tpu.memory_space<vmem>> -> memref<3200xf32, #tpu.memory_space<vmem>>
    %dma_start3A_102 = tpu.memref_slice %arg2[%dma_start3A_95, %mul3A_14] : memref<10x2000000xf32, #tpu.memory_space<hbm>> -> memref<1x3200xf32, #tpu.memory_space<hbm>>
    %dma_start3A_103 = tpu.memref_squeeze %dma_start3A_102 : memref<1x3200xf32, #tpu.memory_space<hbm>> -> memref<3200xf32, #tpu.memory_space<hbm>>
    tpu.enqueue_dma source(%dma_start3A_103 : memref<3200xf32, #tpu.memory_space<hbm>>) target(%dma_start3A_101 : memref<3200xf32, #tpu.memory_space<vmem>>) target_semaphore(%arg30 : memref<!tpu.dma_semaphore, #tpu.memory_space<semaphore_mem>>)
    %dma_start3A_104 = tpu.memref_slice %arg3[%mul3A_14] : memref<2000000xi32, #tpu.memory_space<hbm>> -> memref<3200xi32, #tpu.memory_space<hbm>>
    %dma_start3A_105 = tpu.memref_slice %arg3[%mul3A_14] : memref<2000000xi32, #tpu.memory_space<hbm>> -> memref<3200xi32, #tpu.memory_space<hbm>>
    tpu.enqueue_dma source(%dma_start3A_105 : memref<3200xi32, #tpu.memory_space<hbm>>) target(%arg8 : memref<3200xi32, #tpu.memory_space<vmem>>) target_semaphore(%arg30 : memref<!tpu.dma_semaphore, #tpu.memory_space<semaphore_mem>>)
    %dma_start3A_106 = tpu.memref_slice %arg4[%mul3A_14] : memref<2000000xi32, #tpu.memory_space<hbm>> -> memref<3200xi32, #tpu.memory_space<hbm>>
    %dma_start3A_107 = tpu.memref_slice %arg4[%mul3A_14] : memref<2000000xi32, #tpu.memory_space<hbm>> -> memref<3200xi32, #tpu.memory_space<hbm>>
    tpu.enqueue_dma source(%dma_start3A_107 : memref<3200xi32, #tpu.memory_space<hbm>>) target(%arg10 : memref<3200xi32, #tpu.memory_space<vmem>>) target_semaphore(%arg30 : memref<!tpu.dma_semaphore, #tpu.memory_space<semaphore_mem>>)
    %scan3A = arith.constant 0 : i32
    %scan3A_108 = arith.constant 0 : i32
    %scan3A_109 = arith.constant 10 : i32
    %scan3A_110 = arith.addi %scan3A_108, %scan3A_109 : i32
    %scan3A_111 = arith.constant 1 : i32
    scf.for %scan3A_123 = %scan3A_108 to %scan3A_110 step %scan3A_111  : i32 {
      %mul3A_124 = arith.constant 2 : i32
      %mul3A_125 = arith.muli %mul3A_124, %scan3A_123 : i32
      %add3A_126 = arith.constant 1 : i32
      %add3A_127 = arith.addi %mul3A_125, %add3A_126 : i32
      %lt3A_128 = arith.cmpi slt, %add3A_127, %add3A_10 : i32
      %convert_element_type3A = arith.extui %lt3A_128 : i1 to i32
      %cond3A = arith.constant 0 : i32
      %cond3A_129 = arith.cmpi ne, %convert_element_type3A, %cond3A : i32
      scf.if %cond3A_129 {
        %add3A_146 = arith.constant 1 : i32
        %add3A_147 = arith.addi %mul3A_125, %add3A_146 : i32
        %mul3A_148 = arith.constant 32 : i32
        %mul3A_149 = arith.muli %mul3A_148, %add3A_147 : i32
        %add3A_150 = arith.addi %add3A, %mul3A_149 : i32
        %mul3A_151 = arith.constant 3200 : i32
        %mul3A_152 = arith.muli %add3A_150, %mul3A_151 : i32
        %dma_start3A_153 = arith.constant 0 : i32
        %dma_start3A_154 = arith.constant 0 : i32
        %dma_start3A_155 = tpu.memref_slice %arg7[%dma_start3A_154] : memref<32000xf32, #tpu.memory_space<vmem>> -> memref<3200xf32, #tpu.memory_space<vmem>>
        %dma_start3A_156 = tpu.memref_slice %arg2[%dma_start3A_153, %mul3A_152] : memref<10x2000000xf32, #tpu.memory_space<hbm>> -> memref<1x3200xf32, #tpu.memory_space<hbm>>
        %dma_start3A_157 = tpu.memref_squeeze %dma_start3A_156 : memref<1x3200xf32, #tpu.memory_space<hbm>> -> memref<3200xf32, #tpu.memory_space<hbm>>
        %dma_start3A_158 = arith.constant 0 : i32
        %dma_start3A_159 = tpu.memref_slice %arg7[%dma_start3A_158] : memref<32000xf32, #tpu.memory_space<vmem>> -> memref<3200xf32, #tpu.memory_space<vmem>>
        %dma_start3A_160 = tpu.memref_slice %arg2[%dma_start3A_153, %mul3A_152] : memref<10x2000000xf32, #tpu.memory_space<hbm>> -> memref<1x3200xf32, #tpu.memory_space<hbm>>
        %dma_start3A_161 = tpu.memref_squeeze %dma_start3A_160 : memref<1x3200xf32, #tpu.memory_space<hbm>> -> memref<3200xf32, #tpu.memory_space<hbm>>
        tpu.enqueue_dma source(%dma_start3A_161 : memref<3200xf32, #tpu.memory_space<hbm>>) target(%dma_start3A_159 : memref<3200xf32, #tpu.memory_space<vmem>>) target_semaphore(%arg31 : memref<!tpu.dma_semaphore, #tpu.memory_space<semaphore_mem>>)
        %dma_start3A_162 = arith.constant 1 : i32
        %dma_start3A_163 = arith.constant 3200 : i32
        %dma_start3A_164 = tpu.memref_slice %arg7[%dma_start3A_163] : memref<32000xf32, #tpu.memory_space<vmem>> -> memref<3200xf32, #tpu.memory_space<vmem>>
        %dma_start3A_165 = tpu.memref_slice %arg2[%dma_start3A_162, %mul3A_152] : memref<10x2000000xf32, #tpu.memory_space<hbm>> -> memref<1x3200xf32, #tpu.memory_space<hbm>>
        %dma_start3A_166 = tpu.memref_squeeze %dma_start3A_165 : memref<1x3200xf32, #tpu.memory_space<hbm>> -> memref<3200xf32, #tpu.memory_space<hbm>>
        %dma_start3A_167 = arith.constant 3200 : i32
        %dma_start3A_168 = tpu.memref_slice %arg7[%dma_start3A_167] : memref<32000xf32, #tpu.memory_space<vmem>> -> memref<3200xf32, #tpu.memory_space<vmem>>
        %dma_start3A_169 = tpu.memref_slice %arg2[%dma_start3A_162, %mul3A_152] : memref<10x2000000xf32, #tpu.memory_space<hbm>> -> memref<1x3200xf32, #tpu.memory_space<hbm>>
        %dma_start3A_170 = tpu.memref_squeeze %dma_start3A_169 : memref<1x3200xf32, #tpu.memory_space<hbm>> -> memref<3200xf32, #tpu.memory_space<hbm>>
        tpu.enqueue_dma source(%dma_start3A_170 : memref<3200xf32, #tpu.memory_space<hbm>>) target(%dma_start3A_168 : memref<3200xf32, #tpu.memory_space<vmem>>) target_semaphore(%arg31 : memref<!tpu.dma_semaphore, #tpu.memory_space<semaphore_mem>>)
        %dma_start3A_171 = arith.constant 2 : i32
        %dma_start3A_172 = arith.constant 6400 : i32
        %dma_start3A_173 = tpu.memref_slice %arg7[%dma_start3A_172] : memref<32000xf32, #tpu.memory_space<vmem>> -> memref<3200xf32, #tpu.memory_space<vmem>>
        %dma_start3A_174 = tpu.memref_slice %arg2[%dma_start3A_171, %mul3A_152] : memref<10x2000000xf32, #tpu.memory_space<hbm>> -> memref<1x3200xf32, #tpu.memory_space<hbm>>
        %dma_start3A_175 = tpu.memref_squeeze %dma_start3A_174 : memref<1x3200xf32, #tpu.memory_space<hbm>> -> memref<3200xf32, #tpu.memory_space<hbm>>
        %dma_start3A_176 = arith.constant 6400 : i32
        %dma_start3A_177 = tpu.memref_slice %arg7[%dma_start3A_176] : memref<32000xf32, #tpu.memory_space<vmem>> -> memref<3200xf32, #tpu.memory_space<vmem>>
        %dma_start3A_178 = tpu.memref_slice %arg2[%dma_start3A_171, %mul3A_152] : memref<10x2000000xf32, #tpu.memory_space<hbm>> -> memref<1x3200xf32, #tpu.memory_space<hbm>>
        %dma_start3A_179 = tpu.memref_squeeze %dma_start3A_178 : memref<1x3200xf32, #tpu.memory_space<hbm>> -> memref<3200xf32, #tpu.memory_space<hbm>>
        tpu.enqueue_dma source(%dma_start3A_179 : memref<3200xf32, #tpu.memory_space<hbm>>) target(%dma_start3A_177 : memref<3200xf32, #tpu.memory_space<vmem>>) target_semaphore(%arg31 : memref<!tpu.dma_semaphore, #tpu.memory_space<semaphore_mem>>)
        %dma_start3A_180 = arith.constant 3 : i32
        %dma_start3A_181 = arith.constant 9600 : i32
        %dma_start3A_182 = tpu.memref_slice %arg7[%dma_start3A_181] : memref<32000xf32, #tpu.memory_space<vmem>> -> memref<3200xf32, #tpu.memory_space<vmem>>
        %dma_start3A_183 = tpu.memref_slice %arg2[%dma_start3A_180, %mul3A_152] : memref<10x2000000xf32, #tpu.memory_space<hbm>> -> memref<1x3200xf32, #tpu.memory_space<hbm>>
        %dma_start3A_184 = tpu.memref_squeeze %dma_start3A_183 : memref<1x3200xf32, #tpu.memory_space<hbm>> -> memref<3200xf32, #tpu.memory_space<hbm>>
        %dma_start3A_185 = arith.constant 9600 : i32
        %dma_start3A_186 = tpu.memref_slice %arg7[%dma_start3A_185] : memref<32000xf32, #tpu.memory_space<vmem>> -> memref<3200xf32, #tpu.memory_space<vmem>>
        %dma_start3A_187 = tpu.memref_slice %arg2[%dma_start3A_180, %mul3A_152] : memref<10x2000000xf32, #tpu.memory_space<hbm>> -> memref<1x3200xf32, #tpu.memory_space<hbm>>
        %dma_start3A_188 = tpu.memref_squeeze %dma_start3A_187 : memref<1x3200xf32, #tpu.memory_space<hbm>> -> memref<3200xf32, #tpu.memory_space<hbm>>
        tpu.enqueue_dma source(%dma_start3A_188 : memref<3200xf32, #tpu.memory_space<hbm>>) target(%dma_start3A_186 : memref<3200xf32, #tpu.memory_space<vmem>>) target_semaphore(%arg31 : memref<!tpu.dma_semaphore, #tpu.memory_space<semaphore_mem>>)
        %dma_start3A_189 = arith.constant 4 : i32
        %dma_start3A_190 = arith.constant 12800 : i32
        %dma_start3A_191 = tpu.memref_slice %arg7[%dma_start3A_190] : memref<32000xf32, #tpu.memory_space<vmem>> -> memref<3200xf32, #tpu.memory_space<vmem>>
        %dma_start3A_192 = tpu.memref_slice %arg2[%dma_start3A_189, %mul3A_152] : memref<10x2000000xf32, #tpu.memory_space<hbm>> -> memref<1x3200xf32, #tpu.memory_space<hbm>>
        %dma_start3A_193 = tpu.memref_squeeze %dma_start3A_192 : memref<1x3200xf32, #tpu.memory_space<hbm>> -> memref<3200xf32, #tpu.memory_space<hbm>>
        %dma_start3A_194 = arith.constant 12800 : i32
        %dma_start3A_195 = tpu.memref_slice %arg7[%dma_start3A_194] : memref<32000xf32, #tpu.memory_space<vmem>> -> memref<3200xf32, #tpu.memory_space<vmem>>
        %dma_start3A_196 = tpu.memref_slice %arg2[%dma_start3A_189, %mul3A_152] : memref<10x2000000xf32, #tpu.memory_space<hbm>> -> memref<1x3200xf32, #tpu.memory_space<hbm>>
        %dma_start3A_197 = tpu.memref_squeeze %dma_start3A_196 : memref<1x3200xf32, #tpu.memory_space<hbm>> -> memref<3200xf32, #tpu.memory_space<hbm>>
        tpu.enqueue_dma source(%dma_start3A_197 : memref<3200xf32, #tpu.memory_space<hbm>>) target(%dma_start3A_195 : memref<3200xf32, #tpu.memory_space<vmem>>) target_semaphore(%arg31 : memref<!tpu.dma_semaphore, #tpu.memory_space<semaphore_mem>>)
        %dma_start3A_198 = arith.constant 5 : i32
        %dma_start3A_199 = arith.constant 16000 : i32
        %dma_start3A_200 = tpu.memref_slice %arg7[%dma_start3A_199] : memref<32000xf32, #tpu.memory_space<vmem>> -> memref<3200xf32, #tpu.memory_space<vmem>>
        %dma_start3A_201 = tpu.memref_slice %arg2[%dma_start3A_198, %mul3A_152] : memref<10x2000000xf32, #tpu.memory_space<hbm>> -> memref<1x3200xf32, #tpu.memory_space<hbm>>
        %dma_start3A_202 = tpu.memref_squeeze %dma_start3A_201 : memref<1x3200xf32, #tpu.memory_space<hbm>> -> memref<3200xf32, #tpu.memory_space<hbm>>
        %dma_start3A_203 = arith.constant 16000 : i32
        %dma_start3A_204 = tpu.memref_slice %arg7[%dma_start3A_203] : memref<32000xf32, #tpu.memory_space<vmem>> -> memref<3200xf32, #tpu.memory_space<vmem>>
        %dma_start3A_205 = tpu.memref_slice %arg2[%dma_start3A_198, %mul3A_152] : memref<10x2000000xf32, #tpu.memory_space<hbm>> -> memref<1x3200xf32, #tpu.memory_space<hbm>>
        %dma_start3A_206 = tpu.memref_squeeze %dma_start3A_205 : memref<1x3200xf32, #tpu.memory_space<hbm>> -> memref<3200xf32, #tpu.memory_space<hbm>>
        tpu.enqueue_dma source(%dma_start3A_206 : memref<3200xf32, #tpu.memory_space<hbm>>) target(%dma_start3A_204 : memref<3200xf32, #tpu.memory_space<vmem>>) target_semaphore(%arg31 : memref<!tpu.dma_semaphore, #tpu.memory_space<semaphore_mem>>)
        %dma_start3A_207 = arith.constant 6 : i32
        %dma_start3A_208 = arith.constant 19200 : i32
        %dma_start3A_209 = tpu.memref_slice %arg7[%dma_start3A_208] : memref<32000xf32, #tpu.memory_space<vmem>> -> memref<3200xf32, #tpu.memory_space<vmem>>
        %dma_start3A_210 = tpu.memref_slice %arg2[%dma_start3A_207, %mul3A_152] : memref<10x2000000xf32, #tpu.memory_space<hbm>> -> memref<1x3200xf32, #tpu.memory_space<hbm>>
        %dma_start3A_211 = tpu.memref_squeeze %dma_start3A_210 : memref<1x3200xf32, #tpu.memory_space<hbm>> -> memref<3200xf32, #tpu.memory_space<hbm>>
        %dma_start3A_212 = arith.constant 19200 : i32
        %dma_start3A_213 = tpu.memref_slice %arg7[%dma_start3A_212] : memref<32000xf32, #tpu.memory_space<vmem>> -> memref<3200xf32, #tpu.memory_space<vmem>>
        %dma_start3A_214 = tpu.memref_slice %arg2[%dma_start3A_207, %mul3A_152] : memref<10x2000000xf32, #tpu.memory_space<hbm>> -> memref<1x3200xf32, #tpu.memory_space<hbm>>
        %dma_start3A_215 = tpu.memref_squeeze %dma_start3A_214 : memref<1x3200xf32, #tpu.memory_space<hbm>> -> memref<3200xf32, #tpu.memory_space<hbm>>
        tpu.enqueue_dma source(%dma_start3A_215 : memref<3200xf32, #tpu.memory_space<hbm>>) target(%dma_start3A_213 : memref<3200xf32, #tpu.memory_space<vmem>>) target_semaphore(%arg31 : memref<!tpu.dma_semaphore, #tpu.memory_space<semaphore_mem>>)
        %dma_start3A_216 = arith.constant 7 : i32
        %dma_start3A_217 = arith.constant 22400 : i32
        %dma_start3A_218 = tpu.memref_slice %arg7[%dma_start3A_217] : memref<32000xf32, #tpu.memory_space<vmem>> -> memref<3200xf32, #tpu.memory_space<vmem>>
        %dma_start3A_219 = tpu.memref_slice %arg2[%dma_start3A_216, %mul3A_152] : memref<10x2000000xf32, #tpu.memory_space<hbm>> -> memref<1x3200xf32, #tpu.memory_space<hbm>>
        %dma_start3A_220 = tpu.memref_squeeze %dma_start3A_219 : memref<1x3200xf32, #tpu.memory_space<hbm>> -> memref<3200xf32, #tpu.memory_space<hbm>>
        %dma_start3A_221 = arith.constant 22400 : i32
        %dma_start3A_222 = tpu.memref_slice %arg7[%dma_start3A_221] : memref<32000xf32, #tpu.memory_space<vmem>> -> memref<3200xf32, #tpu.memory_space<vmem>>
        %dma_start3A_223 = tpu.memref_slice %arg2[%dma_start3A_216, %mul3A_152] : memref<10x2000000xf32, #tpu.memory_space<hbm>> -> memref<1x3200xf32, #tpu.memory_space<hbm>>
        %dma_start3A_224 = tpu.memref_squeeze %dma_start3A_223 : memref<1x3200xf32, #tpu.memory_space<hbm>> -> memref<3200xf32, #tpu.memory_space<hbm>>
        tpu.enqueue_dma source(%dma_start3A_224 : memref<3200xf32, #tpu.memory_space<hbm>>) target(%dma_start3A_222 : memref<3200xf32, #tpu.memory_space<vmem>>) target_semaphore(%arg31 : memref<!tpu.dma_semaphore, #tpu.memory_space<semaphore_mem>>)
        %dma_start3A_225 = arith.constant 8 : i32
        %dma_start3A_226 = arith.constant 25600 : i32
        %dma_start3A_227 = tpu.memref_slice %arg7[%dma_start3A_226] : memref<32000xf32, #tpu.memory_space<vmem>> -> memref<3200xf32, #tpu.memory_space<vmem>>
        %dma_start3A_228 = tpu.memref_slice %arg2[%dma_start3A_225, %mul3A_152] : memref<10x2000000xf32, #tpu.memory_space<hbm>> -> memref<1x3200xf32, #tpu.memory_space<hbm>>
        %dma_start3A_229 = tpu.memref_squeeze %dma_start3A_228 : memref<1x3200xf32, #tpu.memory_space<hbm>> -> memref<3200xf32, #tpu.memory_space<hbm>>
        %dma_start3A_230 = arith.constant 25600 : i32
        %dma_start3A_231 = tpu.memref_slice %arg7[%dma_start3A_230] : memref<32000xf32, #tpu.memory_space<vmem>> -> memref<3200xf32, #tpu.memory_space<vmem>>
        %dma_start3A_232 = tpu.memref_slice %arg2[%dma_start3A_225, %mul3A_152] : memref<10x2000000xf32, #tpu.memory_space<hbm>> -> memref<1x3200xf32, #tpu.memory_space<hbm>>
        %dma_start3A_233 = tpu.memref_squeeze %dma_start3A_232 : memref<1x3200xf32, #tpu.memory_space<hbm>> -> memref<3200xf32, #tpu.memory_space<hbm>>
        tpu.enqueue_dma source(%dma_start3A_233 : memref<3200xf32, #tpu.memory_space<hbm>>) target(%dma_start3A_231 : memref<3200xf32, #tpu.memory_space<vmem>>) target_semaphore(%arg31 : memref<!tpu.dma_semaphore, #tpu.memory_space<semaphore_mem>>)
        %dma_start3A_234 = arith.constant 9 : i32
        %dma_start3A_235 = arith.constant 28800 : i32
        %dma_start3A_236 = tpu.memref_slice %arg7[%dma_start3A_235] : memref<32000xf32, #tpu.memory_space<vmem>> -> memref<3200xf32, #tpu.memory_space<vmem>>
        %dma_start3A_237 = tpu.memref_slice %arg2[%dma_start3A_234, %mul3A_152] : memref<10x2000000xf32, #tpu.memory_space<hbm>> -> memref<1x3200xf32, #tpu.memory_space<hbm>>
        %dma_start3A_238 = tpu.memref_squeeze %dma_start3A_237 : memref<1x3200xf32, #tpu.memory_space<hbm>> -> memref<3200xf32, #tpu.memory_space<hbm>>
        %dma_start3A_239 = arith.constant 28800 : i32
        %dma_start3A_240 = tpu.memref_slice %arg7[%dma_start3A_239] : memref<32000xf32, #tpu.memory_space<vmem>> -> memref<3200xf32, #tpu.memory_space<vmem>>
        %dma_start3A_241 = tpu.memref_slice %arg2[%dma_start3A_234, %mul3A_152] : memref<10x2000000xf32, #tpu.memory_space<hbm>> -> memref<1x3200xf32, #tpu.memory_space<hbm>>
        %dma_start3A_242 = tpu.memref_squeeze %dma_start3A_241 : memref<1x3200xf32, #tpu.memory_space<hbm>> -> memref<3200xf32, #tpu.memory_space<hbm>>
        tpu.enqueue_dma source(%dma_start3A_242 : memref<3200xf32, #tpu.memory_space<hbm>>) target(%dma_start3A_240 : memref<3200xf32, #tpu.memory_space<vmem>>) target_semaphore(%arg31 : memref<!tpu.dma_semaphore, #tpu.memory_space<semaphore_mem>>)
        %dma_start3A_243 = tpu.memref_slice %arg3[%mul3A_152] : memref<2000000xi32, #tpu.memory_space<hbm>> -> memref<3200xi32, #tpu.memory_space<hbm>>
        %dma_start3A_244 = tpu.memref_slice %arg3[%mul3A_152] : memref<2000000xi32, #tpu.memory_space<hbm>> -> memref<3200xi32, #tpu.memory_space<hbm>>
        tpu.enqueue_dma source(%dma_start3A_244 : memref<3200xi32, #tpu.memory_space<hbm>>) target(%arg9 : memref<3200xi32, #tpu.memory_space<vmem>>) target_semaphore(%arg31 : memref<!tpu.dma_semaphore, #tpu.memory_space<semaphore_mem>>)
        %dma_start3A_245 = tpu.memref_slice %arg4[%mul3A_152] : memref<2000000xi32, #tpu.memory_space<hbm>> -> memref<3200xi32, #tpu.memory_space<hbm>>
        %dma_start3A_246 = tpu.memref_slice %arg4[%mul3A_152] : memref<2000000xi32, #tpu.memory_space<hbm>> -> memref<3200xi32, #tpu.memory_space<hbm>>
        tpu.enqueue_dma source(%dma_start3A_246 : memref<3200xi32, #tpu.memory_space<hbm>>) target(%arg11 : memref<3200xi32, #tpu.memory_space<vmem>>) target_semaphore(%arg31 : memref<!tpu.dma_semaphore, #tpu.memory_space<semaphore_mem>>)
      } else {
      }
      %lt3A_130 = arith.cmpi slt, %mul3A_125, %add3A_10 : i32
      %convert_element_type3A_131 = arith.extui %lt3A_130 : i1 to i32
      %cond3A_132 = arith.constant 0 : i32
      %cond3A_133 = arith.cmpi ne, %convert_element_type3A_131, %cond3A_132 : i32
      scf.if %cond3A_133 {
        %mul3A_146 = arith.constant 32 : i32
        %mul3A_147 = arith.muli %mul3A_146, %mul3A_125 : i32
        %add3A_148 = arith.addi %add3A, %mul3A_147 : i32
        %mul3A_149 = arith.constant 3200 : i32
        %mul3A_150 = arith.muli %add3A_148, %mul3A_149 : i32
        %dma_wait3A = arith.constant 0 : i32
        %dma_wait3A_151 = arith.constant 0 : i32
        %dma_wait3A_152 = tpu.memref_slice %arg6[%dma_wait3A_151] : memref<32000xf32, #tpu.memory_space<vmem>> -> memref<3200xf32, #tpu.memory_space<vmem>>
        %dma_wait3A_153 = tpu.memref_slice %arg2[%dma_wait3A, %mul3A_150] : memref<10x2000000xf32, #tpu.memory_space<hbm>> -> memref<1x3200xf32, #tpu.memory_space<hbm>>
        %dma_wait3A_154 = tpu.memref_squeeze %dma_wait3A_153 : memref<1x3200xf32, #tpu.memory_space<hbm>> -> memref<3200xf32, #tpu.memory_space<hbm>>
        %dma_wait3A_155 = arith.constant 0 : i32
        %dma_wait3A_156 = tpu.memref_slice %arg6[%dma_wait3A_155] : memref<32000xf32, #tpu.memory_space<vmem>> -> memref<3200xf32, #tpu.memory_space<vmem>>
        %dma_wait3A_157 = tpu.memref_slice %arg2[%dma_wait3A, %mul3A_150] : memref<10x2000000xf32, #tpu.memory_space<hbm>> -> memref<1x3200xf32, #tpu.memory_space<hbm>>
        %dma_wait3A_158 = tpu.memref_squeeze %dma_wait3A_157 : memref<1x3200xf32, #tpu.memory_space<hbm>> -> memref<3200xf32, #tpu.memory_space<hbm>>
        tpu.wait_dma2 semaphore(%arg30 : memref<!tpu.dma_semaphore, #tpu.memory_space<semaphore_mem>>) src(%dma_wait3A_158 : memref<3200xf32, #tpu.memory_space<hbm>>) dst(%dma_wait3A_156 : memref<3200xf32, #tpu.memory_space<vmem>>)
        %dma_wait3A_159 = arith.constant 1 : i32
        %dma_wait3A_160 = arith.constant 3200 : i32
        %dma_wait3A_161 = tpu.memref_slice %arg6[%dma_wait3A_160] : memref<32000xf32, #tpu.memory_space<vmem>> -> memref<3200xf32, #tpu.memory_space<vmem>>
        %dma_wait3A_162 = tpu.memref_slice %arg2[%dma_wait3A_159, %mul3A_150] : memref<10x2000000xf32, #tpu.memory_space<hbm>> -> memref<1x3200xf32, #tpu.memory_space<hbm>>
        %dma_wait3A_163 = tpu.memref_squeeze %dma_wait3A_162 : memref<1x3200xf32, #tpu.memory_space<hbm>> -> memref<3200xf32, #tpu.memory_space<hbm>>
        %dma_wait3A_164 = arith.constant 3200 : i32
        %dma_wait3A_165 = tpu.memref_slice %arg6[%dma_wait3A_164] : memref<32000xf32, #tpu.memory_space<vmem>> -> memref<3200xf32, #tpu.memory_space<vmem>>
        %dma_wait3A_166 = tpu.memref_slice %arg2[%dma_wait3A_159, %mul3A_150] : memref<10x2000000xf32, #tpu.memory_space<hbm>> -> memref<1x3200xf32, #tpu.memory_space<hbm>>
        %dma_wait3A_167 = tpu.memref_squeeze %dma_wait3A_166 : memref<1x3200xf32, #tpu.memory_space<hbm>> -> memref<3200xf32, #tpu.memory_space<hbm>>
        tpu.wait_dma2 semaphore(%arg30 : memref<!tpu.dma_semaphore, #tpu.memory_space<semaphore_mem>>) src(%dma_wait3A_167 : memref<3200xf32, #tpu.memory_space<hbm>>) dst(%dma_wait3A_165 : memref<3200xf32, #tpu.memory_space<vmem>>)
        %dma_wait3A_168 = arith.constant 2 : i32
        %dma_wait3A_169 = arith.constant 6400 : i32
        %dma_wait3A_170 = tpu.memref_slice %arg6[%dma_wait3A_169] : memref<32000xf32, #tpu.memory_space<vmem>> -> memref<3200xf32, #tpu.memory_space<vmem>>
        %dma_wait3A_171 = tpu.memref_slice %arg2[%dma_wait3A_168, %mul3A_150] : memref<10x2000000xf32, #tpu.memory_space<hbm>> -> memref<1x3200xf32, #tpu.memory_space<hbm>>
        %dma_wait3A_172 = tpu.memref_squeeze %dma_wait3A_171 : memref<1x3200xf32, #tpu.memory_space<hbm>> -> memref<3200xf32, #tpu.memory_space<hbm>>
        %dma_wait3A_173 = arith.constant 6400 : i32
        %dma_wait3A_174 = tpu.memref_slice %arg6[%dma_wait3A_173] : memref<32000xf32, #tpu.memory_space<vmem>> -> memref<3200xf32, #tpu.memory_space<vmem>>
        %dma_wait3A_175 = tpu.memref_slice %arg2[%dma_wait3A_168, %mul3A_150] : memref<10x2000000xf32, #tpu.memory_space<hbm>> -> memref<1x3200xf32, #tpu.memory_space<hbm>>
        %dma_wait3A_176 = tpu.memref_squeeze %dma_wait3A_175 : memref<1x3200xf32, #tpu.memory_space<hbm>> -> memref<3200xf32, #tpu.memory_space<hbm>>
        tpu.wait_dma2 semaphore(%arg30 : memref<!tpu.dma_semaphore, #tpu.memory_space<semaphore_mem>>) src(%dma_wait3A_176 : memref<3200xf32, #tpu.memory_space<hbm>>) dst(%dma_wait3A_174 : memref<3200xf32, #tpu.memory_space<vmem>>)
        %dma_wait3A_177 = arith.constant 3 : i32
        %dma_wait3A_178 = arith.constant 9600 : i32
        %dma_wait3A_179 = tpu.memref_slice %arg6[%dma_wait3A_178] : memref<32000xf32, #tpu.memory_space<vmem>> -> memref<3200xf32, #tpu.memory_space<vmem>>
        %dma_wait3A_180 = tpu.memref_slice %arg2[%dma_wait3A_177, %mul3A_150] : memref<10x2000000xf32, #tpu.memory_space<hbm>> -> memref<1x3200xf32, #tpu.memory_space<hbm>>
        %dma_wait3A_181 = tpu.memref_squeeze %dma_wait3A_180 : memref<1x3200xf32, #tpu.memory_space<hbm>> -> memref<3200xf32, #tpu.memory_space<hbm>>
        %dma_wait3A_182 = arith.constant 9600 : i32
        %dma_wait3A_183 = tpu.memref_slice %arg6[%dma_wait3A_182] : memref<32000xf32, #tpu.memory_space<vmem>> -> memref<3200xf32, #tpu.memory_space<vmem>>
        %dma_wait3A_184 = tpu.memref_slice %arg2[%dma_wait3A_177, %mul3A_150] : memref<10x2000000xf32, #tpu.memory_space<hbm>> -> memref<1x3200xf32, #tpu.memory_space<hbm>>
        %dma_wait3A_185 = tpu.memref_squeeze %dma_wait3A_184 : memref<1x3200xf32, #tpu.memory_space<hbm>> -> memref<3200xf32, #tpu.memory_space<hbm>>
        tpu.wait_dma2 semaphore(%arg30 : memref<!tpu.dma_semaphore, #tpu.memory_space<semaphore_mem>>) src(%dma_wait3A_185 : memref<3200xf32, #tpu.memory_space<hbm>>) dst(%dma_wait3A_183 : memref<3200xf32, #tpu.memory_space<vmem>>)
        %dma_wait3A_186 = arith.constant 4 : i32
        %dma_wait3A_187 = arith.constant 12800 : i32
        %dma_wait3A_188 = tpu.memref_slice %arg6[%dma_wait3A_187] : memref<32000xf32, #tpu.memory_space<vmem>> -> memref<3200xf32, #tpu.memory_space<vmem>>
        %dma_wait3A_189 = tpu.memref_slice %arg2[%dma_wait3A_186, %mul3A_150] : memref<10x2000000xf32, #tpu.memory_space<hbm>> -> memref<1x3200xf32, #tpu.memory_space<hbm>>
        %dma_wait3A_190 = tpu.memref_squeeze %dma_wait3A_189 : memref<1x3200xf32, #tpu.memory_space<hbm>> -> memref<3200xf32, #tpu.memory_space<hbm>>
        %dma_wait3A_191 = arith.constant 12800 : i32
        %dma_wait3A_192 = tpu.memref_slice %arg6[%dma_wait3A_191] : memref<32000xf32, #tpu.memory_space<vmem>> -> memref<3200xf32, #tpu.memory_space<vmem>>
        %dma_wait3A_193 = tpu.memref_slice %arg2[%dma_wait3A_186, %mul3A_150] : memref<10x2000000xf32, #tpu.memory_space<hbm>> -> memref<1x3200xf32, #tpu.memory_space<hbm>>
        %dma_wait3A_194 = tpu.memref_squeeze %dma_wait3A_193 : memref<1x3200xf32, #tpu.memory_space<hbm>> -> memref<3200xf32, #tpu.memory_space<hbm>>
        tpu.wait_dma2 semaphore(%arg30 : memref<!tpu.dma_semaphore, #tpu.memory_space<semaphore_mem>>) src(%dma_wait3A_194 : memref<3200xf32, #tpu.memory_space<hbm>>) dst(%dma_wait3A_192 : memref<3200xf32, #tpu.memory_space<vmem>>)
        %dma_wait3A_195 = arith.constant 5 : i32
        %dma_wait3A_196 = arith.constant 16000 : i32
        %dma_wait3A_197 = tpu.memref_slice %arg6[%dma_wait3A_196] : memref<32000xf32, #tpu.memory_space<vmem>> -> memref<3200xf32, #tpu.memory_space<vmem>>
        %dma_wait3A_198 = tpu.memref_slice %arg2[%dma_wait3A_195, %mul3A_150] : memref<10x2000000xf32, #tpu.memory_space<hbm>> -> memref<1x3200xf32, #tpu.memory_space<hbm>>
        %dma_wait3A_199 = tpu.memref_squeeze %dma_wait3A_198 : memref<1x3200xf32, #tpu.memory_space<hbm>> -> memref<3200xf32, #tpu.memory_space<hbm>>
        %dma_wait3A_200 = arith.constant 16000 : i32
        %dma_wait3A_201 = tpu.memref_slice %arg6[%dma_wait3A_200] : memref<32000xf32, #tpu.memory_space<vmem>> -> memref<3200xf32, #tpu.memory_space<vmem>>
        %dma_wait3A_202 = tpu.memref_slice %arg2[%dma_wait3A_195, %mul3A_150] : memref<10x2000000xf32, #tpu.memory_space<hbm>> -> memref<1x3200xf32, #tpu.memory_space<hbm>>
        %dma_wait3A_203 = tpu.memref_squeeze %dma_wait3A_202 : memref<1x3200xf32, #tpu.memory_space<hbm>> -> memref<3200xf32, #tpu.memory_space<hbm>>
        tpu.wait_dma2 semaphore(%arg30 : memref<!tpu.dma_semaphore, #tpu.memory_space<semaphore_mem>>) src(%dma_wait3A_203 : memref<3200xf32, #tpu.memory_space<hbm>>) dst(%dma_wait3A_201 : memref<3200xf32, #tpu.memory_space<vmem>>)
        %dma_wait3A_204 = arith.constant 6 : i32
        %dma_wait3A_205 = arith.constant 19200 : i32
        %dma_wait3A_206 = tpu.memref_slice %arg6[%dma_wait3A_205] : memref<32000xf32, #tpu.memory_space<vmem>> -> memref<3200xf32, #tpu.memory_space<vmem>>
        %dma_wait3A_207 = tpu.memref_slice %arg2[%dma_wait3A_204, %mul3A_150] : memref<10x2000000xf32, #tpu.memory_space<hbm>> -> memref<1x3200xf32, #tpu.memory_space<hbm>>
        %dma_wait3A_208 = tpu.memref_squeeze %dma_wait3A_207 : memref<1x3200xf32, #tpu.memory_space<hbm>> -> memref<3200xf32, #tpu.memory_space<hbm>>
        %dma_wait3A_209 = arith.constant 19200 : i32
        %dma_wait3A_210 = tpu.memref_slice %arg6[%dma_wait3A_209] : memref<32000xf32, #tpu.memory_space<vmem>> -> memref<3200xf32, #tpu.memory_space<vmem>>
        %dma_wait3A_211 = tpu.memref_slice %arg2[%dma_wait3A_204, %mul3A_150] : memref<10x2000000xf32, #tpu.memory_space<hbm>> -> memref<1x3200xf32, #tpu.memory_space<hbm>>
        %dma_wait3A_212 = tpu.memref_squeeze %dma_wait3A_211 : memref<1x3200xf32, #tpu.memory_space<hbm>> -> memref<3200xf32, #tpu.memory_space<hbm>>
        tpu.wait_dma2 semaphore(%arg30 : memref<!tpu.dma_semaphore, #tpu.memory_space<semaphore_mem>>) src(%dma_wait3A_212 : memref<3200xf32, #tpu.memory_space<hbm>>) dst(%dma_wait3A_210 : memref<3200xf32, #tpu.memory_space<vmem>>)
        %dma_wait3A_213 = arith.constant 7 : i32
        %dma_wait3A_214 = arith.constant 22400 : i32
        %dma_wait3A_215 = tpu.memref_slice %arg6[%dma_wait3A_214] : memref<32000xf32, #tpu.memory_space<vmem>> -> memref<3200xf32, #tpu.memory_space<vmem>>
        %dma_wait3A_216 = tpu.memref_slice %arg2[%dma_wait3A_213, %mul3A_150] : memref<10x2000000xf32, #tpu.memory_space<hbm>> -> memref<1x3200xf32, #tpu.memory_space<hbm>>
        %dma_wait3A_217 = tpu.memref_squeeze %dma_wait3A_216 : memref<1x3200xf32, #tpu.memory_space<hbm>> -> memref<3200xf32, #tpu.memory_space<hbm>>
        %dma_wait3A_218 = arith.constant 22400 : i32
        %dma_wait3A_219 = tpu.memref_slice %arg6[%dma_wait3A_218] : memref<32000xf32, #tpu.memory_space<vmem>> -> memref<3200xf32, #tpu.memory_space<vmem>>
        %dma_wait3A_220 = tpu.memref_slice %arg2[%dma_wait3A_213, %mul3A_150] : memref<10x2000000xf32, #tpu.memory_space<hbm>> -> memref<1x3200xf32, #tpu.memory_space<hbm>>
        %dma_wait3A_221 = tpu.memref_squeeze %dma_wait3A_220 : memref<1x3200xf32, #tpu.memory_space<hbm>> -> memref<3200xf32, #tpu.memory_space<hbm>>
        tpu.wait_dma2 semaphore(%arg30 : memref<!tpu.dma_semaphore, #tpu.memory_space<semaphore_mem>>) src(%dma_wait3A_221 : memref<3200xf32, #tpu.memory_space<hbm>>) dst(%dma_wait3A_219 : memref<3200xf32, #tpu.memory_space<vmem>>)
        %dma_wait3A_222 = arith.constant 8 : i32
        %dma_wait3A_223 = arith.constant 25600 : i32
        %dma_wait3A_224 = tpu.memref_slice %arg6[%dma_wait3A_223] : memref<32000xf32, #tpu.memory_space<vmem>> -> memref<3200xf32, #tpu.memory_space<vmem>>
        %dma_wait3A_225 = tpu.memref_slice %arg2[%dma_wait3A_222, %mul3A_150] : memref<10x2000000xf32, #tpu.memory_space<hbm>> -> memref<1x3200xf32, #tpu.memory_space<hbm>>
        %dma_wait3A_226 = tpu.memref_squeeze %dma_wait3A_225 : memref<1x3200xf32, #tpu.memory_space<hbm>> -> memref<3200xf32, #tpu.memory_space<hbm>>
        %dma_wait3A_227 = arith.constant 25600 : i32
        %dma_wait3A_228 = tpu.memref_slice %arg6[%dma_wait3A_227] : memref<32000xf32, #tpu.memory_space<vmem>> -> memref<3200xf32, #tpu.memory_space<vmem>>
        %dma_wait3A_229 = tpu.memref_slice %arg2[%dma_wait3A_222, %mul3A_150] : memref<10x2000000xf32, #tpu.memory_space<hbm>> -> memref<1x3200xf32, #tpu.memory_space<hbm>>
        %dma_wait3A_230 = tpu.memref_squeeze %dma_wait3A_229 : memref<1x3200xf32, #tpu.memory_space<hbm>> -> memref<3200xf32, #tpu.memory_space<hbm>>
        tpu.wait_dma2 semaphore(%arg30 : memref<!tpu.dma_semaphore, #tpu.memory_space<semaphore_mem>>) src(%dma_wait3A_230 : memref<3200xf32, #tpu.memory_space<hbm>>) dst(%dma_wait3A_228 : memref<3200xf32, #tpu.memory_space<vmem>>)
        %dma_wait3A_231 = arith.constant 9 : i32
        %dma_wait3A_232 = arith.constant 28800 : i32
        %dma_wait3A_233 = tpu.memref_slice %arg6[%dma_wait3A_232] : memref<32000xf32, #tpu.memory_space<vmem>> -> memref<3200xf32, #tpu.memory_space<vmem>>
        %dma_wait3A_234 = tpu.memref_slice %arg2[%dma_wait3A_231, %mul3A_150] : memref<10x2000000xf32, #tpu.memory_space<hbm>> -> memref<1x3200xf32, #tpu.memory_space<hbm>>
        %dma_wait3A_235 = tpu.memref_squeeze %dma_wait3A_234 : memref<1x3200xf32, #tpu.memory_space<hbm>> -> memref<3200xf32, #tpu.memory_space<hbm>>
        %dma_wait3A_236 = arith.constant 28800 : i32
        %dma_wait3A_237 = tpu.memref_slice %arg6[%dma_wait3A_236] : memref<32000xf32, #tpu.memory_space<vmem>> -> memref<3200xf32, #tpu.memory_space<vmem>>
        %dma_wait3A_238 = tpu.memref_slice %arg2[%dma_wait3A_231, %mul3A_150] : memref<10x2000000xf32, #tpu.memory_space<hbm>> -> memref<1x3200xf32, #tpu.memory_space<hbm>>
        %dma_wait3A_239 = tpu.memref_squeeze %dma_wait3A_238 : memref<1x3200xf32, #tpu.memory_space<hbm>> -> memref<3200xf32, #tpu.memory_space<hbm>>
        tpu.wait_dma2 semaphore(%arg30 : memref<!tpu.dma_semaphore, #tpu.memory_space<semaphore_mem>>) src(%dma_wait3A_239 : memref<3200xf32, #tpu.memory_space<hbm>>) dst(%dma_wait3A_237 : memref<3200xf32, #tpu.memory_space<vmem>>)
        %dma_wait3A_240 = tpu.memref_slice %arg3[%mul3A_150] : memref<2000000xi32, #tpu.memory_space<hbm>> -> memref<3200xi32, #tpu.memory_space<hbm>>
        %dma_wait3A_241 = tpu.memref_slice %arg3[%mul3A_150] : memref<2000000xi32, #tpu.memory_space<hbm>> -> memref<3200xi32, #tpu.memory_space<hbm>>
        tpu.wait_dma2 semaphore(%arg30 : memref<!tpu.dma_semaphore, #tpu.memory_space<semaphore_mem>>) src(%dma_wait3A_241 : memref<3200xi32, #tpu.memory_space<hbm>>) dst(%arg8 : memref<3200xi32, #tpu.memory_space<vmem>>)
        %dma_wait3A_242 = tpu.memref_slice %arg4[%mul3A_150] : memref<2000000xi32, #tpu.memory_space<hbm>> -> memref<3200xi32, #tpu.memory_space<hbm>>
        %dma_wait3A_243 = tpu.memref_slice %arg4[%mul3A_150] : memref<2000000xi32, #tpu.memory_space<hbm>> -> memref<3200xi32, #tpu.memory_space<hbm>>
        tpu.wait_dma2 semaphore(%arg30 : memref<!tpu.dma_semaphore, #tpu.memory_space<semaphore_mem>>) src(%dma_wait3A_243 : memref<3200xi32, #tpu.memory_space<hbm>>) dst(%arg10 : memref<3200xi32, #tpu.memory_space<vmem>>)
        %swap3A_244 = arith.constant 0 : index
        %swap3A_245 = tpu.vector_load %arg12[%swap3A_244] {strides = array<i32>} : memref<16xf32, #tpu.memory_space<vmem>>, vector<16xf32>,
        tpu.vector_store %arg12[%swap3A_244], %broadcast_in_dim3A_3 {strides = array<i32>} : memref<16xf32, #tpu.memory_space<vmem>>, vector<16xf32>,
        %swap3A_246 = arith.constant 0 : index
        %swap3A_247 = tpu.vector_load %arg20[%swap3A_246] {strides = array<i32>} : memref<16xf32, #tpu.memory_space<vmem>>, vector<16xf32>,
        tpu.vector_store %arg20[%swap3A_246], %broadcast_in_dim3A_3 {strides = array<i32>} : memref<16xf32, #tpu.memory_space<vmem>>, vector<16xf32>,
        %swap3A_248 = arith.constant 0 : index
        %swap3A_249 = tpu.vector_load %arg13[%swap3A_248] {strides = array<i32>} : memref<16xf32, #tpu.memory_space<vmem>>, vector<16xf32>,
        tpu.vector_store %arg13[%swap3A_248], %broadcast_in_dim3A_3 {strides = array<i32>} : memref<16xf32, #tpu.memory_space<vmem>>, vector<16xf32>,
        %swap3A_250 = arith.constant 0 : index
        %swap3A_251 = tpu.vector_load %arg21[%swap3A_250] {strides = array<i32>} : memref<16xf32, #tpu.memory_space<vmem>>, vector<16xf32>,
        tpu.vector_store %arg21[%swap3A_250], %broadcast_in_dim3A_3 {strides = array<i32>} : memref<16xf32, #tpu.memory_space<vmem>>, vector<16xf32>,
        %swap3A_252 = arith.constant 0 : index
        %swap3A_253 = tpu.vector_load %arg14[%swap3A_252] {strides = array<i32>} : memref<16xf32, #tpu.memory_space<vmem>>, vector<16xf32>,
        tpu.vector_store %arg14[%swap3A_252], %broadcast_in_dim3A_3 {strides = array<i32>} : memref<16xf32, #tpu.memory_space<vmem>>, vector<16xf32>,
        %swap3A_254 = arith.constant 0 : index
        %swap3A_255 = tpu.vector_load %arg22[%swap3A_254] {strides = array<i32>} : memref<16xf32, #tpu.memory_space<vmem>>, vector<16xf32>,
        tpu.vector_store %arg22[%swap3A_254], %broadcast_in_dim3A_3 {strides = array<i32>} : memref<16xf32, #tpu.memory_space<vmem>>, vector<16xf32>,
        %swap3A_256 = arith.constant 0 : index
        %swap3A_257 = tpu.vector_load %arg15[%swap3A_256] {strides = array<i32>} : memref<16xf32, #tpu.memory_space<vmem>>, vector<16xf32>,
        tpu.vector_store %arg15[%swap3A_256], %broadcast_in_dim3A_3 {strides = array<i32>} : memref<16xf32, #tpu.memory_space<vmem>>, vector<16xf32>,
        %swap3A_258 = arith.constant 0 : index
        %swap3A_259 = tpu.vector_load %arg23[%swap3A_258] {strides = array<i32>} : memref<16xf32, #tpu.memory_space<vmem>>, vector<16xf32>,
        tpu.vector_store %arg23[%swap3A_258], %broadcast_in_dim3A_3 {strides = array<i32>} : memref<16xf32, #tpu.memory_space<vmem>>, vector<16xf32>,
        %swap3A_260 = arith.constant 0 : index
        %swap3A_261 = tpu.vector_load %arg16[%swap3A_260] {strides = array<i32>} : memref<16xf32, #tpu.memory_space<vmem>>, vector<16xf32>,
        tpu.vector_store %arg16[%swap3A_260], %broadcast_in_dim3A_3 {strides = array<i32>} : memref<16xf32, #tpu.memory_space<vmem>>, vector<16xf32>,
        %swap3A_262 = arith.constant 0 : index
        %swap3A_263 = tpu.vector_load %arg24[%swap3A_262] {strides = array<i32>} : memref<16xf32, #tpu.memory_space<vmem>>, vector<16xf32>,
        tpu.vector_store %arg24[%swap3A_262], %broadcast_in_dim3A_3 {strides = array<i32>} : memref<16xf32, #tpu.memory_space<vmem>>, vector<16xf32>,
        %swap3A_264 = arith.constant 0 : index
        %swap3A_265 = tpu.vector_load %arg17[%swap3A_264] {strides = array<i32>} : memref<16xf32, #tpu.memory_space<vmem>>, vector<16xf32>,
        tpu.vector_store %arg17[%swap3A_264], %broadcast_in_dim3A_3 {strides = array<i32>} : memref<16xf32, #tpu.memory_space<vmem>>, vector<16xf32>,
        %swap3A_266 = arith.constant 0 : index
        %swap3A_267 = tpu.vector_load %arg25[%swap3A_266] {strides = array<i32>} : memref<16xf32, #tpu.memory_space<vmem>>, vector<16xf32>,
        tpu.vector_store %arg25[%swap3A_266], %broadcast_in_dim3A_3 {strides = array<i32>} : memref<16xf32, #tpu.memory_space<vmem>>, vector<16xf32>,
        %swap3A_268 = arith.constant 0 : index
        %swap3A_269 = tpu.vector_load %arg18[%swap3A_268] {strides = array<i32>} : memref<16xf32, #tpu.memory_space<vmem>>, vector<16xf32>,
        tpu.vector_store %arg18[%swap3A_268], %broadcast_in_dim3A_3 {strides = array<i32>} : memref<16xf32, #tpu.memory_space<vmem>>, vector<16xf32>,
        %swap3A_270 = arith.constant 0 : index
        %swap3A_271 = tpu.vector_load %arg26[%swap3A_270] {strides = array<i32>} : memref<16xf32, #tpu.memory_space<vmem>>, vector<16xf32>,
        tpu.vector_store %arg26[%swap3A_270], %broadcast_in_dim3A_3 {strides = array<i32>} : memref<16xf32, #tpu.memory_space<vmem>>, vector<16xf32>,
        %swap3A_272 = arith.constant 0 : index
        %swap3A_273 = tpu.vector_load %arg19[%swap3A_272] {strides = array<i32>} : memref<16xf32, #tpu.memory_space<vmem>>, vector<16xf32>,
        tpu.vector_store %arg19[%swap3A_272], %broadcast_in_dim3A_3 {strides = array<i32>} : memref<16xf32, #tpu.memory_space<vmem>>, vector<16xf32>,
        %swap3A_274 = arith.constant 0 : index
        %swap3A_275 = tpu.vector_load %arg27[%swap3A_274] {strides = array<i32>} : memref<16xf32, #tpu.memory_space<vmem>>, vector<16xf32>,
        tpu.vector_store %arg27[%swap3A_274], %broadcast_in_dim3A_3 {strides = array<i32>} : memref<16xf32, #tpu.memory_space<vmem>>, vector<16xf32>,
        %parallel_loop3A = arith.constant 0 : i32
        %parallel_loop3A_276 = arith.constant 100 : i32
        %parallel_loop3A_277 = arith.constant 8 : i32
        scf.for %parallel_loop3A_333 = %parallel_loop3A to %parallel_loop3A_276 step %parallel_loop3A_277  : i32 {
          %parallel_loop3A_334 = arith.constant 0 : i32
          %parallel_loop3A_335 = arith.addi %parallel_loop3A_333, %parallel_loop3A_334 : i32
          %parallel_loop3A_336 = arith.constant 16 : i32
          %parallel_loop3A_337 = arith.muli %parallel_loop3A_335, %parallel_loop3A_336 : i32
          %parallel_loop3A_338 = arith.index_cast %parallel_loop3A_337 : i32 to index
          %parallel_loop3A_339 = tpu.vector_load %arg8[%parallel_loop3A_338] {strides = array<i32>} : memref<3200xi32, #tpu.memory_space<vmem>>, vector<16xi32>,
          %parallel_loop3A_340 = arith.index_cast %parallel_loop3A_337 : i32 to index
          %parallel_loop3A_341 = tpu.vector_load %arg10[%parallel_loop3A_340] {strides = array<i32>} : memref<3200xi32, #tpu.memory_space<vmem>>, vector<16xi32>,
          %parallel_loop3A_342 = arith.constant 3200 : i32
          %parallel_loop3A_343 = vector.broadcast %parallel_loop3A_342 : i32 to vector<16xi32>
          %parallel_loop3A_344 = arith.muli %parallel_loop3A_339, %parallel_loop3A_343 : vector<16xi32>
          %parallel_loop3A_345 = vector.broadcast %parallel_loop3A_337 : i32 to vector<16xi32>
          %parallel_loop3A_346 = arith.addi %iota3A, %parallel_loop3A_345 : vector<16xi32>
          %parallel_loop3A_347 = arith.addi %parallel_loop3A_344, %parallel_loop3A_346 : vector<16xi32>
          %parallel_loop3A_348 = tpu.vector_load_idx %arg6[%parallel_loop3A_347] : memref<32000xf32, #tpu.memory_space<vmem>>[vector<16xi32>], vector<16xf32>,
          tpu.vector_store_idx %arg12[%parallel_loop3A_341], %parallel_loop3A_348 {add = true} : memref<16xf32, #tpu.memory_space<vmem>>[vector<16xi32>], vector<16xf32>,
          tpu.vector_store_idx %arg20[%parallel_loop3A_341], %broadcast_in_dim3A_1 {add = true} : memref<16xf32, #tpu.memory_space<vmem>>[vector<16xi32>], vector<16xf32>,
          %parallel_loop3A_349 = arith.constant 1 : i32
          %parallel_loop3A_350 = arith.addi %parallel_loop3A_333, %parallel_loop3A_349 : i32
          %parallel_loop3A_351 = arith.constant 16 : i32
          %parallel_loop3A_352 = arith.muli %parallel_loop3A_350, %parallel_loop3A_351 : i32
          %parallel_loop3A_353 = arith.index_cast %parallel_loop3A_352 : i32 to index
          %parallel_loop3A_354 = tpu.vector_load %arg8[%parallel_loop3A_353] {strides = array<i32>} : memref<3200xi32, #tpu.memory_space<vmem>>, vector<16xi32>,
          %parallel_loop3A_355 = arith.index_cast %parallel_loop3A_352 : i32 to index
          %parallel_loop3A_356 = tpu.vector_load %arg10[%parallel_loop3A_355] {strides = array<i32>} : memref<3200xi32, #tpu.memory_space<vmem>>, vector<16xi32>,
          %parallel_loop3A_357 = arith.constant 3200 : i32
          %parallel_loop3A_358 = vector.broadcast %parallel_loop3A_357 : i32 to vector<16xi32>
          %parallel_loop3A_359 = arith.muli %parallel_loop3A_354, %parallel_loop3A_358 : vector<16xi32>
          %parallel_loop3A_360 = vector.broadcast %parallel_loop3A_352 : i32 to vector<16xi32>
          %parallel_loop3A_361 = arith.addi %iota3A, %parallel_loop3A_360 : vector<16xi32>
          %parallel_loop3A_362 = arith.addi %parallel_loop3A_359, %parallel_loop3A_361 : vector<16xi32>
          %parallel_loop3A_363 = tpu.vector_load_idx %arg6[%parallel_loop3A_362] : memref<32000xf32, #tpu.memory_space<vmem>>[vector<16xi32>], vector<16xf32>,
          tpu.vector_store_idx %arg13[%parallel_loop3A_356], %parallel_loop3A_363 {add = true} : memref<16xf32, #tpu.memory_space<vmem>>[vector<16xi32>], vector<16xf32>,
          tpu.vector_store_idx %arg21[%parallel_loop3A_356], %broadcast_in_dim3A_1 {add = true} : memref<16xf32, #tpu.memory_space<vmem>>[vector<16xi32>], vector<16xf32>,
          %parallel_loop3A_364 = arith.constant 2 : i32
          %parallel_loop3A_365 = arith.addi %parallel_loop3A_333, %parallel_loop3A_364 : i32
          %parallel_loop3A_366 = arith.constant 16 : i32
          %parallel_loop3A_367 = arith.muli %parallel_loop3A_365, %parallel_loop3A_366 : i32
          %parallel_loop3A_368 = arith.index_cast %parallel_loop3A_367 : i32 to index
          %parallel_loop3A_369 = tpu.vector_load %arg8[%parallel_loop3A_368] {strides = array<i32>} : memref<3200xi32, #tpu.memory_space<vmem>>, vector<16xi32>,
          %parallel_loop3A_370 = arith.index_cast %parallel_loop3A_367 : i32 to index
          %parallel_loop3A_371 = tpu.vector_load %arg10[%parallel_loop3A_370] {strides = array<i32>} : memref<3200xi32, #tpu.memory_space<vmem>>, vector<16xi32>,
          %parallel_loop3A_372 = arith.constant 3200 : i32
          %parallel_loop3A_373 = vector.broadcast %parallel_loop3A_372 : i32 to vector<16xi32>
          %parallel_loop3A_374 = arith.muli %parallel_loop3A_369, %parallel_loop3A_373 : vector<16xi32>
          %parallel_loop3A_375 = vector.broadcast %parallel_loop3A_367 : i32 to vector<16xi32>
          %parallel_loop3A_376 = arith.addi %iota3A, %parallel_loop3A_375 : vector<16xi32>
          %parallel_loop3A_377 = arith.addi %parallel_loop3A_374, %parallel_loop3A_376 : vector<16xi32>
          %parallel_loop3A_378 = tpu.vector_load_idx %arg6[%parallel_loop3A_377] : memref<32000xf32, #tpu.memory_space<vmem>>[vector<16xi32>], vector<16xf32>,
          tpu.vector_store_idx %arg14[%parallel_loop3A_371], %parallel_loop3A_378 {add = true} : memref<16xf32, #tpu.memory_space<vmem>>[vector<16xi32>], vector<16xf32>,
          tpu.vector_store_idx %arg22[%parallel_loop3A_371], %broadcast_in_dim3A_1 {add = true} : memref<16xf32, #tpu.memory_space<vmem>>[vector<16xi32>], vector<16xf32>,
          %parallel_loop3A_379 = arith.constant 3 : i32
          %parallel_loop3A_380 = arith.addi %parallel_loop3A_333, %parallel_loop3A_379 : i32
          %parallel_loop3A_381 = arith.constant 16 : i32
          %parallel_loop3A_382 = arith.muli %parallel_loop3A_380, %parallel_loop3A_381 : i32
          %parallel_loop3A_383 = arith.index_cast %parallel_loop3A_382 : i32 to index
          %parallel_loop3A_384 = tpu.vector_load %arg8[%parallel_loop3A_383] {strides = array<i32>} : memref<3200xi32, #tpu.memory_space<vmem>>, vector<16xi32>,
          %parallel_loop3A_385 = arith.index_cast %parallel_loop3A_382 : i32 to index
          %parallel_loop3A_386 = tpu.vector_load %arg10[%parallel_loop3A_385] {strides = array<i32>} : memref<3200xi32, #tpu.memory_space<vmem>>, vector<16xi32>,
          %parallel_loop3A_387 = arith.constant 3200 : i32
          %parallel_loop3A_388 = vector.broadcast %parallel_loop3A_387 : i32 to vector<16xi32>
          %parallel_loop3A_389 = arith.muli %parallel_loop3A_384, %parallel_loop3A_388 : vector<16xi32>
          %parallel_loop3A_390 = vector.broadcast %parallel_loop3A_382 : i32 to vector<16xi32>
          %parallel_loop3A_391 = arith.addi %iota3A, %parallel_loop3A_390 : vector<16xi32>
          %parallel_loop3A_392 = arith.addi %parallel_loop3A_389, %parallel_loop3A_391 : vector<16xi32>
          %parallel_loop3A_393 = tpu.vector_load_idx %arg6[%parallel_loop3A_392] : memref<32000xf32, #tpu.memory_space<vmem>>[vector<16xi32>], vector<16xf32>,
          tpu.vector_store_idx %arg15[%parallel_loop3A_386], %parallel_loop3A_393 {add = true} : memref<16xf32, #tpu.memory_space<vmem>>[vector<16xi32>], vector<16xf32>,
          tpu.vector_store_idx %arg23[%parallel_loop3A_386], %broadcast_in_dim3A_1 {add = true} : memref<16xf32, #tpu.memory_space<vmem>>[vector<16xi32>], vector<16xf32>,
          %parallel_loop3A_394 = arith.constant 4 : i32
          %parallel_loop3A_395 = arith.addi %parallel_loop3A_333, %parallel_loop3A_394 : i32
          %parallel_loop3A_396 = arith.constant 16 : i32
          %parallel_loop3A_397 = arith.muli %parallel_loop3A_395, %parallel_loop3A_396 : i32
          %parallel_loop3A_398 = arith.index_cast %parallel_loop3A_397 : i32 to index
          %parallel_loop3A_399 = tpu.vector_load %arg8[%parallel_loop3A_398] {strides = array<i32>} : memref<3200xi32, #tpu.memory_space<vmem>>, vector<16xi32>,
          %parallel_loop3A_400 = arith.index_cast %parallel_loop3A_397 : i32 to index
          %parallel_loop3A_401 = tpu.vector_load %arg10[%parallel_loop3A_400] {strides = array<i32>} : memref<3200xi32, #tpu.memory_space<vmem>>, vector<16xi32>,
          %parallel_loop3A_402 = arith.constant 3200 : i32
          %parallel_loop3A_403 = vector.broadcast %parallel_loop3A_402 : i32 to vector<16xi32>
          %parallel_loop3A_404 = arith.muli %parallel_loop3A_399, %parallel_loop3A_403 : vector<16xi32>
          %parallel_loop3A_405 = vector.broadcast %parallel_loop3A_397 : i32 to vector<16xi32>
          %parallel_loop3A_406 = arith.addi %iota3A, %parallel_loop3A_405 : vector<16xi32>
          %parallel_loop3A_407 = arith.addi %parallel_loop3A_404, %parallel_loop3A_406 : vector<16xi32>
          %parallel_loop3A_408 = tpu.vector_load_idx %arg6[%parallel_loop3A_407] : memref<32000xf32, #tpu.memory_space<vmem>>[vector<16xi32>], vector<16xf32>,
          tpu.vector_store_idx %arg16[%parallel_loop3A_401], %parallel_loop3A_408 {add = true} : memref<16xf32, #tpu.memory_space<vmem>>[vector<16xi32>], vector<16xf32>,
          tpu.vector_store_idx %arg24[%parallel_loop3A_401], %broadcast_in_dim3A_1 {add = true} : memref<16xf32, #tpu.memory_space<vmem>>[vector<16xi32>], vector<16xf32>,
          %parallel_loop3A_409 = arith.constant 5 : i32
          %parallel_loop3A_410 = arith.addi %parallel_loop3A_333, %parallel_loop3A_409 : i32
          %parallel_loop3A_411 = arith.constant 16 : i32
          %parallel_loop3A_412 = arith.muli %parallel_loop3A_410, %parallel_loop3A_411 : i32
          %parallel_loop3A_413 = arith.index_cast %parallel_loop3A_412 : i32 to index
          %parallel_loop3A_414 = tpu.vector_load %arg8[%parallel_loop3A_413] {strides = array<i32>} : memref<3200xi32, #tpu.memory_space<vmem>>, vector<16xi32>,
          %parallel_loop3A_415 = arith.index_cast %parallel_loop3A_412 : i32 to index
          %parallel_loop3A_416 = tpu.vector_load %arg10[%parallel_loop3A_415] {strides = array<i32>} : memref<3200xi32, #tpu.memory_space<vmem>>, vector<16xi32>,
          %parallel_loop3A_417 = arith.constant 3200 : i32
          %parallel_loop3A_418 = vector.broadcast %parallel_loop3A_417 : i32 to vector<16xi32>
          %parallel_loop3A_419 = arith.muli %parallel_loop3A_414, %parallel_loop3A_418 : vector<16xi32>
          %parallel_loop3A_420 = vector.broadcast %parallel_loop3A_412 : i32 to vector<16xi32>
          %parallel_loop3A_421 = arith.addi %iota3A, %parallel_loop3A_420 : vector<16xi32>
          %parallel_loop3A_422 = arith.addi %parallel_loop3A_419, %parallel_loop3A_421 : vector<16xi32>
          %parallel_loop3A_423 = tpu.vector_load_idx %arg6[%parallel_loop3A_422] : memref<32000xf32, #tpu.memory_space<vmem>>[vector<16xi32>], vector<16xf32>,
          tpu.vector_store_idx %arg17[%parallel_loop3A_416], %parallel_loop3A_423 {add = true} : memref<16xf32, #tpu.memory_space<vmem>>[vector<16xi32>], vector<16xf32>,
          tpu.vector_store_idx %arg25[%parallel_loop3A_416], %broadcast_in_dim3A_1 {add = true} : memref<16xf32, #tpu.memory_space<vmem>>[vector<16xi32>], vector<16xf32>,
          %parallel_loop3A_424 = arith.constant 6 : i32
          %parallel_loop3A_425 = arith.addi %parallel_loop3A_333, %parallel_loop3A_424 : i32
          %parallel_loop3A_426 = arith.constant 16 : i32
          %parallel_loop3A_427 = arith.muli %parallel_loop3A_425, %parallel_loop3A_426 : i32
          %parallel_loop3A_428 = arith.index_cast %parallel_loop3A_427 : i32 to index
          %parallel_loop3A_429 = tpu.vector_load %arg8[%parallel_loop3A_428] {strides = array<i32>} : memref<3200xi32, #tpu.memory_space<vmem>>, vector<16xi32>,
          %parallel_loop3A_430 = arith.index_cast %parallel_loop3A_427 : i32 to index
          %parallel_loop3A_431 = tpu.vector_load %arg10[%parallel_loop3A_430] {strides = array<i32>} : memref<3200xi32, #tpu.memory_space<vmem>>, vector<16xi32>,
          %parallel_loop3A_432 = arith.constant 3200 : i32
          %parallel_loop3A_433 = vector.broadcast %parallel_loop3A_432 : i32 to vector<16xi32>
          %parallel_loop3A_434 = arith.muli %parallel_loop3A_429, %parallel_loop3A_433 : vector<16xi32>
          %parallel_loop3A_435 = vector.broadcast %parallel_loop3A_427 : i32 to vector<16xi32>
          %parallel_loop3A_436 = arith.addi %iota3A, %parallel_loop3A_435 : vector<16xi32>
          %parallel_loop3A_437 = arith.addi %parallel_loop3A_434, %parallel_loop3A_436 : vector<16xi32>
          %parallel_loop3A_438 = tpu.vector_load_idx %arg6[%parallel_loop3A_437] : memref<32000xf32, #tpu.memory_space<vmem>>[vector<16xi32>], vector<16xf32>,
          tpu.vector_store_idx %arg18[%parallel_loop3A_431], %parallel_loop3A_438 {add = true} : memref<16xf32, #tpu.memory_space<vmem>>[vector<16xi32>], vector<16xf32>,
          tpu.vector_store_idx %arg26[%parallel_loop3A_431], %broadcast_in_dim3A_1 {add = true} : memref<16xf32, #tpu.memory_space<vmem>>[vector<16xi32>], vector<16xf32>,
          %parallel_loop3A_439 = arith.constant 7 : i32
          %parallel_loop3A_440 = arith.addi %parallel_loop3A_333, %parallel_loop3A_439 : i32
          %parallel_loop3A_441 = arith.constant 16 : i32
          %parallel_loop3A_442 = arith.muli %parallel_loop3A_440, %parallel_loop3A_441 : i32
          %parallel_loop3A_443 = arith.index_cast %parallel_loop3A_442 : i32 to index
          %parallel_loop3A_444 = tpu.vector_load %arg8[%parallel_loop3A_443] {strides = array<i32>} : memref<3200xi32, #tpu.memory_space<vmem>>, vector<16xi32>,
          %parallel_loop3A_445 = arith.index_cast %parallel_loop3A_442 : i32 to index
          %parallel_loop3A_446 = tpu.vector_load %arg10[%parallel_loop3A_445] {strides = array<i32>} : memref<3200xi32, #tpu.memory_space<vmem>>, vector<16xi32>,
          %parallel_loop3A_447 = arith.constant 3200 : i32
          %parallel_loop3A_448 = vector.broadcast %parallel_loop3A_447 : i32 to vector<16xi32>
          %parallel_loop3A_449 = arith.muli %parallel_loop3A_444, %parallel_loop3A_448 : vector<16xi32>
          %parallel_loop3A_450 = vector.broadcast %parallel_loop3A_442 : i32 to vector<16xi32>
          %parallel_loop3A_451 = arith.addi %iota3A, %parallel_loop3A_450 : vector<16xi32>
          %parallel_loop3A_452 = arith.addi %parallel_loop3A_449, %parallel_loop3A_451 : vector<16xi32>
          %parallel_loop3A_453 = tpu.vector_load_idx %arg6[%parallel_loop3A_452] : memref<32000xf32, #tpu.memory_space<vmem>>[vector<16xi32>], vector<16xf32>,
          tpu.vector_store_idx %arg19[%parallel_loop3A_446], %parallel_loop3A_453 {add = true} : memref<16xf32, #tpu.memory_space<vmem>>[vector<16xi32>], vector<16xf32>,
          tpu.vector_store_idx %arg27[%parallel_loop3A_446], %broadcast_in_dim3A_1 {add = true} : memref<16xf32, #tpu.memory_space<vmem>>[vector<16xi32>], vector<16xf32>,
        } {sc.loop_unroll_factor = 1 : i64, sc.parallel_access}
        %get3A = arith.constant 0 : index
        %get3A_278 = tpu.vector_load %arg12[%get3A] {strides = array<i32>} : memref<16xf32, #tpu.memory_space<vmem>>, vector<16xf32>,
        %get3A_279 = arith.constant 0 : index
        %get3A_280 = tpu.vector_load %arg20[%get3A_279] {strides = array<i32>} : memref<16xf32, #tpu.memory_space<vmem>>, vector<16xf32>,
        %get3A_281 = arith.constant 0 : index
        %get3A_282 = tpu.vector_load %arg13[%get3A_281] {strides = array<i32>} : memref<16xf32, #tpu.memory_space<vmem>>, vector<16xf32>,
        %add3A_283 = arith.addf %get3A_278, %get3A_282 : vector<16xf32>
        %get3A_284 = arith.constant 0 : index
        %get3A_285 = tpu.vector_load %arg21[%get3A_284] {strides = array<i32>} : memref<16xf32, #tpu.memory_space<vmem>>, vector<16xf32>,
        %add3A_286 = arith.addf %get3A_280, %get3A_285 : vector<16xf32>
        %get3A_287 = arith.constant 0 : index
        %get3A_288 = tpu.vector_load %arg14[%get3A_287] {strides = array<i32>} : memref<16xf32, #tpu.memory_space<vmem>>, vector<16xf32>,
        %add3A_289 = arith.addf %add3A_283, %get3A_288 : vector<16xf32>
        %get3A_290 = arith.constant 0 : index
        %get3A_291 = tpu.vector_load %arg22[%get3A_290] {strides = array<i32>} : memref<16xf32, #tpu.memory_space<vmem>>, vector<16xf32>,
        %add3A_292 = arith.addf %add3A_286, %get3A_291 : vector<16xf32>
        %get3A_293 = arith.constant 0 : index
        %get3A_294 = tpu.vector_load %arg15[%get3A_293] {strides = array<i32>} : memref<16xf32, #tpu.memory_space<vmem>>, vector<16xf32>,
        %add3A_295 = arith.addf %add3A_289, %get3A_294 : vector<16xf32>
        %get3A_296 = arith.constant 0 : index
        %get3A_297 = tpu.vector_load %arg23[%get3A_296] {strides = array<i32>} : memref<16xf32, #tpu.memory_space<vmem>>, vector<16xf32>,
        %add3A_298 = arith.addf %add3A_292, %get3A_297 : vector<16xf32>
        %get3A_299 = arith.constant 0 : index
        %get3A_300 = tpu.vector_load %arg16[%get3A_299] {strides = array<i32>} : memref<16xf32, #tpu.memory_space<vmem>>, vector<16xf32>,
        %add3A_301 = arith.addf %add3A_295, %get3A_300 : vector<16xf32>
        %get3A_302 = arith.constant 0 : index
        %get3A_303 = tpu.vector_load %arg24[%get3A_302] {strides = array<i32>} : memref<16xf32, #tpu.memory_space<vmem>>, vector<16xf32>,
        %add3A_304 = arith.addf %add3A_298, %get3A_303 : vector<16xf32>
        %get3A_305 = arith.constant 0 : index
        %get3A_306 = tpu.vector_load %arg17[%get3A_305] {strides = array<i32>} : memref<16xf32, #tpu.memory_space<vmem>>, vector<16xf32>,
        %add3A_307 = arith.addf %add3A_301, %get3A_306 : vector<16xf32>
        %get3A_308 = arith.constant 0 : index
        %get3A_309 = tpu.vector_load %arg25[%get3A_308] {strides = array<i32>} : memref<16xf32, #tpu.memory_space<vmem>>, vector<16xf32>,
        %add3A_310 = arith.addf %add3A_304, %get3A_309 : vector<16xf32>
        %get3A_311 = arith.constant 0 : index
        %get3A_312 = tpu.vector_load %arg18[%get3A_311] {strides = array<i32>} : memref<16xf32, #tpu.memory_space<vmem>>, vector<16xf32>,
        %add3A_313 = arith.addf %add3A_307, %get3A_312 : vector<16xf32>
        %get3A_314 = arith.constant 0 : index
        %get3A_315 = tpu.vector_load %arg26[%get3A_314] {strides = array<i32>} : memref<16xf32, #tpu.memory_space<vmem>>, vector<16xf32>,
        %add3A_316 = arith.addf %add3A_310, %get3A_315 : vector<16xf32>
        %get3A_317 = arith.constant 0 : index
        %get3A_318 = tpu.vector_load %arg19[%get3A_317] {strides = array<i32>} : memref<16xf32, #tpu.memory_space<vmem>>, vector<16xf32>,
        %add3A_319 = arith.addf %add3A_313, %get3A_318 : vector<16xf32>
        %get3A_320 = arith.constant 0 : index
        %get3A_321 = tpu.vector_load %arg27[%get3A_320] {strides = array<i32>} : memref<16xf32, #tpu.memory_space<vmem>>, vector<16xf32>,
        %add3A_322 = arith.addf %add3A_316, %get3A_321 : vector<16xf32>
        %get3A_323 = arith.constant 0 : index
        %get3A_324 = tpu.vector_load %arg28[%get3A_323] {strides = array<i32>} : memref<16xf32, #tpu.memory_space<vmem>>, vector<16xf32>,
        %add3A_325 = arith.addf %get3A_324, %add3A_319 : vector<16xf32>
        %swap3A_326 = arith.constant 0 : index
        %swap3A_327 = tpu.vector_load %arg28[%swap3A_326] {strides = array<i32>} : memref<16xf32, #tpu.memory_space<vmem>>, vector<16xf32>,
        tpu.vector_store %arg28[%swap3A_326], %add3A_325 {strides = array<i32>} : memref<16xf32, #tpu.memory_space<vmem>>, vector<16xf32>,
        %get3A_328 = arith.constant 0 : index
        %get3A_329 = tpu.vector_load %arg29[%get3A_328] {strides = array<i32>} : memref<16xf32, #tpu.memory_space<vmem>>, vector<16xf32>,
        %add3A_330 = arith.addf %get3A_329, %add3A_322 : vector<16xf32>
        %swap3A_331 = arith.constant 0 : index
        %swap3A_332 = tpu.vector_load %arg29[%swap3A_331] {strides = array<i32>} : memref<16xf32, #tpu.memory_space<vmem>>, vector<16xf32>,
        tpu.vector_store %arg29[%swap3A_331], %add3A_330 {strides = array<i32>} : memref<16xf32, #tpu.memory_space<vmem>>, vector<16xf32>,
      } else {
      }
      %add3A_134 = arith.constant 2 : i32
      %add3A_135 = arith.addi %mul3A_125, %add3A_134 : i32
      %lt3A_136 = arith.cmpi slt, %add3A_135, %add3A_10 : i32
      %convert_element_type3A_137 = arith.extui %lt3A_136 : i1 to i32
      %cond3A_138 = arith.constant 0 : i32
      %cond3A_139 = arith.cmpi ne, %convert_element_type3A_137, %cond3A_138 : i32
      scf.if %cond3A_139 {
        %add3A_146 = arith.constant 2 : i32
        %add3A_147 = arith.addi %mul3A_125, %add3A_146 : i32
        %mul3A_148 = arith.constant 32 : i32
        %mul3A_149 = arith.muli %mul3A_148, %add3A_147 : i32
        %add3A_150 = arith.addi %add3A, %mul3A_149 : i32
        %mul3A_151 = arith.constant 3200 : i32
        %mul3A_152 = arith.muli %add3A_150, %mul3A_151 : i32
        %dma_start3A_153 = arith.constant 0 : i32
        %dma_start3A_154 = arith.constant 0 : i32
        %dma_start3A_155 = tpu.memref_slice %arg6[%dma_start3A_154] : memref<32000xf32, #tpu.memory_space<vmem>> -> memref<3200xf32, #tpu.memory_space<vmem>>
        %dma_start3A_156 = tpu.memref_slice %arg2[%dma_start3A_153, %mul3A_152] : memref<10x2000000xf32, #tpu.memory_space<hbm>> -> memref<1x3200xf32, #tpu.memory_space<hbm>>
        %dma_start3A_157 = tpu.memref_squeeze %dma_start3A_156 : memref<1x3200xf32, #tpu.memory_space<hbm>> -> memref<3200xf32, #tpu.memory_space<hbm>>
        %dma_start3A_158 = arith.constant 0 : i32
        %dma_start3A_159 = tpu.memref_slice %arg6[%dma_start3A_158] : memref<32000xf32, #tpu.memory_space<vmem>> -> memref<3200xf32, #tpu.memory_space<vmem>>
        %dma_start3A_160 = tpu.memref_slice %arg2[%dma_start3A_153, %mul3A_152] : memref<10x2000000xf32, #tpu.memory_space<hbm>> -> memref<1x3200xf32, #tpu.memory_space<hbm>>
        %dma_start3A_161 = tpu.memref_squeeze %dma_start3A_160 : memref<1x3200xf32, #tpu.memory_space<hbm>> -> memref<3200xf32, #tpu.memory_space<hbm>>
        tpu.enqueue_dma source(%dma_start3A_161 : memref<3200xf32, #tpu.memory_space<hbm>>) target(%dma_start3A_159 : memref<3200xf32, #tpu.memory_space<vmem>>) target_semaphore(%arg30 : memref<!tpu.dma_semaphore, #tpu.memory_space<semaphore_mem>>)
        %dma_start3A_162 = arith.constant 1 : i32
        %dma_start3A_163 = arith.constant 3200 : i32
        %dma_start3A_164 = tpu.memref_slice %arg6[%dma_start3A_163] : memref<32000xf32, #tpu.memory_space<vmem>> -> memref<3200xf32, #tpu.memory_space<vmem>>
        %dma_start3A_165 = tpu.memref_slice %arg2[%dma_start3A_162, %mul3A_152] : memref<10x2000000xf32, #tpu.memory_space<hbm>> -> memref<1x3200xf32, #tpu.memory_space<hbm>>
        %dma_start3A_166 = tpu.memref_squeeze %dma_start3A_165 : memref<1x3200xf32, #tpu.memory_space<hbm>> -> memref<3200xf32, #tpu.memory_space<hbm>>
        %dma_start3A_167 = arith.constant 3200 : i32
        %dma_start3A_168 = tpu.memref_slice %arg6[%dma_start3A_167] : memref<32000xf32, #tpu.memory_space<vmem>> -> memref<3200xf32, #tpu.memory_space<vmem>>
        %dma_start3A_169 = tpu.memref_slice %arg2[%dma_start3A_162, %mul3A_152] : memref<10x2000000xf32, #tpu.memory_space<hbm>> -> memref<1x3200xf32, #tpu.memory_space<hbm>>
        %dma_start3A_170 = tpu.memref_squeeze %dma_start3A_169 : memref<1x3200xf32, #tpu.memory_space<hbm>> -> memref<3200xf32, #tpu.memory_space<hbm>>
        tpu.enqueue_dma source(%dma_start3A_170 : memref<3200xf32, #tpu.memory_space<hbm>>) target(%dma_start3A_168 : memref<3200xf32, #tpu.memory_space<vmem>>) target_semaphore(%arg30 : memref<!tpu.dma_semaphore, #tpu.memory_space<semaphore_mem>>)
        %dma_start3A_171 = arith.constant 2 : i32
        %dma_start3A_172 = arith.constant 6400 : i32
        %dma_start3A_173 = tpu.memref_slice %arg6[%dma_start3A_172] : memref<32000xf32, #tpu.memory_space<vmem>> -> memref<3200xf32, #tpu.memory_space<vmem>>
        %dma_start3A_174 = tpu.memref_slice %arg2[%dma_start3A_171, %mul3A_152] : memref<10x2000000xf32, #tpu.memory_space<hbm>> -> memref<1x3200xf32, #tpu.memory_space<hbm>>
        %dma_start3A_175 = tpu.memref_squeeze %dma_start3A_174 : memref<1x3200xf32, #tpu.memory_space<hbm>> -> memref<3200xf32, #tpu.memory_space<hbm>>
        %dma_start3A_176 = arith.constant 6400 : i32
        %dma_start3A_177 = tpu.memref_slice %arg6[%dma_start3A_176] : memref<32000xf32, #tpu.memory_space<vmem>> -> memref<3200xf32, #tpu.memory_space<vmem>>
        %dma_start3A_178 = tpu.memref_slice %arg2[%dma_start3A_171, %mul3A_152] : memref<10x2000000xf32, #tpu.memory_space<hbm>> -> memref<1x3200xf32, #tpu.memory_space<hbm>>
        %dma_start3A_179 = tpu.memref_squeeze %dma_start3A_178 : memref<1x3200xf32, #tpu.memory_space<hbm>> -> memref<3200xf32, #tpu.memory_space<hbm>>
        tpu.enqueue_dma source(%dma_start3A_179 : memref<3200xf32, #tpu.memory_space<hbm>>) target(%dma_start3A_177 : memref<3200xf32, #tpu.memory_space<vmem>>) target_semaphore(%arg30 : memref<!tpu.dma_semaphore, #tpu.memory_space<semaphore_mem>>)
        %dma_start3A_180 = arith.constant 3 : i32
        %dma_start3A_181 = arith.constant 9600 : i32
        %dma_start3A_182 = tpu.memref_slice %arg6[%dma_start3A_181] : memref<32000xf32, #tpu.memory_space<vmem>> -> memref<3200xf32, #tpu.memory_space<vmem>>
        %dma_start3A_183 = tpu.memref_slice %arg2[%dma_start3A_180, %mul3A_152] : memref<10x2000000xf32, #tpu.memory_space<hbm>> -> memref<1x3200xf32, #tpu.memory_space<hbm>>
        %dma_start3A_184 = tpu.memref_squeeze %dma_start3A_183 : memref<1x3200xf32, #tpu.memory_space<hbm>> -> memref<3200xf32, #tpu.memory_space<hbm>>
        %dma_start3A_185 = arith.constant 9600 : i32
        %dma_start3A_186 = tpu.memref_slice %arg6[%dma_start3A_185] : memref<32000xf32, #tpu.memory_space<vmem>> -> memref<3200xf32, #tpu.memory_space<vmem>>
        %dma_start3A_187 = tpu.memref_slice %arg2[%dma_start3A_180, %mul3A_152] : memref<10x2000000xf32, #tpu.memory_space<hbm>> -> memref<1x3200xf32, #tpu.memory_space<hbm>>
        %dma_start3A_188 = tpu.memref_squeeze %dma_start3A_187 : memref<1x3200xf32, #tpu.memory_space<hbm>> -> memref<3200xf32, #tpu.memory_space<hbm>>
        tpu.enqueue_dma source(%dma_start3A_188 : memref<3200xf32, #tpu.memory_space<hbm>>) target(%dma_start3A_186 : memref<3200xf32, #tpu.memory_space<vmem>>) target_semaphore(%arg30 : memref<!tpu.dma_semaphore, #tpu.memory_space<semaphore_mem>>)
        %dma_start3A_189 = arith.constant 4 : i32
        %dma_start3A_190 = arith.constant 12800 : i32
        %dma_start3A_191 = tpu.memref_slice %arg6[%dma_start3A_190] : memref<32000xf32, #tpu.memory_space<vmem>> -> memref<3200xf32, #tpu.memory_space<vmem>>
        %dma_start3A_192 = tpu.memref_slice %arg2[%dma_start3A_189, %mul3A_152] : memref<10x2000000xf32, #tpu.memory_space<hbm>> -> memref<1x3200xf32, #tpu.memory_space<hbm>>
        %dma_start3A_193 = tpu.memref_squeeze %dma_start3A_192 : memref<1x3200xf32, #tpu.memory_space<hbm>> -> memref<3200xf32, #tpu.memory_space<hbm>>
        %dma_start3A_194 = arith.constant 12800 : i32
        %dma_start3A_195 = tpu.memref_slice %arg6[%dma_start3A_194] : memref<32000xf32, #tpu.memory_space<vmem>> -> memref<3200xf32, #tpu.memory_space<vmem>>
        %dma_start3A_196 = tpu.memref_slice %arg2[%dma_start3A_189, %mul3A_152] : memref<10x2000000xf32, #tpu.memory_space<hbm>> -> memref<1x3200xf32, #tpu.memory_space<hbm>>
        %dma_start3A_197 = tpu.memref_squeeze %dma_start3A_196 : memref<1x3200xf32, #tpu.memory_space<hbm>> -> memref<3200xf32, #tpu.memory_space<hbm>>
        tpu.enqueue_dma source(%dma_start3A_197 : memref<3200xf32, #tpu.memory_space<hbm>>) target(%dma_start3A_195 : memref<3200xf32, #tpu.memory_space<vmem>>) target_semaphore(%arg30 : memref<!tpu.dma_semaphore, #tpu.memory_space<semaphore_mem>>)
        %dma_start3A_198 = arith.constant 5 : i32
        %dma_start3A_199 = arith.constant 16000 : i32
        %dma_start3A_200 = tpu.memref_slice %arg6[%dma_start3A_199] : memref<32000xf32, #tpu.memory_space<vmem>> -> memref<3200xf32, #tpu.memory_space<vmem>>
        %dma_start3A_201 = tpu.memref_slice %arg2[%dma_start3A_198, %mul3A_152] : memref<10x2000000xf32, #tpu.memory_space<hbm>> -> memref<1x3200xf32, #tpu.memory_space<hbm>>
        %dma_start3A_202 = tpu.memref_squeeze %dma_start3A_201 : memref<1x3200xf32, #tpu.memory_space<hbm>> -> memref<3200xf32, #tpu.memory_space<hbm>>
        %dma_start3A_203 = arith.constant 16000 : i32
        %dma_start3A_204 = tpu.memref_slice %arg6[%dma_start3A_203] : memref<32000xf32, #tpu.memory_space<vmem>> -> memref<3200xf32, #tpu.memory_space<vmem>>
        %dma_start3A_205 = tpu.memref_slice %arg2[%dma_start3A_198, %mul3A_152] : memref<10x2000000xf32, #tpu.memory_space<hbm>> -> memref<1x3200xf32, #tpu.memory_space<hbm>>
        %dma_start3A_206 = tpu.memref_squeeze %dma_start3A_205 : memref<1x3200xf32, #tpu.memory_space<hbm>> -> memref<3200xf32, #tpu.memory_space<hbm>>
        tpu.enqueue_dma source(%dma_start3A_206 : memref<3200xf32, #tpu.memory_space<hbm>>) target(%dma_start3A_204 : memref<3200xf32, #tpu.memory_space<vmem>>) target_semaphore(%arg30 : memref<!tpu.dma_semaphore, #tpu.memory_space<semaphore_mem>>)
        %dma_start3A_207 = arith.constant 6 : i32
        %dma_start3A_208 = arith.constant 19200 : i32
        %dma_start3A_209 = tpu.memref_slice %arg6[%dma_start3A_208] : memref<32000xf32, #tpu.memory_space<vmem>> -> memref<3200xf32, #tpu.memory_space<vmem>>
        %dma_start3A_210 = tpu.memref_slice %arg2[%dma_start3A_207, %mul3A_152] : memref<10x2000000xf32, #tpu.memory_space<hbm>> -> memref<1x3200xf32, #tpu.memory_space<hbm>>
        %dma_start3A_211 = tpu.memref_squeeze %dma_start3A_210 : memref<1x3200xf32, #tpu.memory_space<hbm>> -> memref<3200xf32, #tpu.memory_space<hbm>>
        %dma_start3A_212 = arith.constant 19200 : i32
        %dma_start3A_213 = tpu.memref_slice %arg6[%dma_start3A_212] : memref<32000xf32, #tpu.memory_space<vmem>> -> memref<3200xf32, #tpu.memory_space<vmem>>
        %dma_start3A_214 = tpu.memref_slice %arg2[%dma_start3A_207, %mul3A_152] : memref<10x2000000xf32, #tpu.memory_space<hbm>> -> memref<1x3200xf32, #tpu.memory_space<hbm>>
        %dma_start3A_215 = tpu.memref_squeeze %dma_start3A_214 : memref<1x3200xf32, #tpu.memory_space<hbm>> -> memref<3200xf32, #tpu.memory_space<hbm>>
        tpu.enqueue_dma source(%dma_start3A_215 : memref<3200xf32, #tpu.memory_space<hbm>>) target(%dma_start3A_213 : memref<3200xf32, #tpu.memory_space<vmem>>) target_semaphore(%arg30 : memref<!tpu.dma_semaphore, #tpu.memory_space<semaphore_mem>>)
        %dma_start3A_216 = arith.constant 7 : i32
        %dma_start3A_217 = arith.constant 22400 : i32
        %dma_start3A_218 = tpu.memref_slice %arg6[%dma_start3A_217] : memref<32000xf32, #tpu.memory_space<vmem>> -> memref<3200xf32, #tpu.memory_space<vmem>>
        %dma_start3A_219 = tpu.memref_slice %arg2[%dma_start3A_216, %mul3A_152] : memref<10x2000000xf32, #tpu.memory_space<hbm>> -> memref<1x3200xf32, #tpu.memory_space<hbm>>
        %dma_start3A_220 = tpu.memref_squeeze %dma_start3A_219 : memref<1x3200xf32, #tpu.memory_space<hbm>> -> memref<3200xf32, #tpu.memory_space<hbm>>
        %dma_start3A_221 = arith.constant 22400 : i32
        %dma_start3A_222 = tpu.memref_slice %arg6[%dma_start3A_221] : memref<32000xf32, #tpu.memory_space<vmem>> -> memref<3200xf32, #tpu.memory_space<vmem>>
        %dma_start3A_223 = tpu.memref_slice %arg2[%dma_start3A_216, %mul3A_152] : memref<10x2000000xf32, #tpu.memory_space<hbm>> -> memref<1x3200xf32, #tpu.memory_space<hbm>>
        %dma_start3A_224 = tpu.memref_squeeze %dma_start3A_223 : memref<1x3200xf32, #tpu.memory_space<hbm>> -> memref<3200xf32, #tpu.memory_space<hbm>>
        tpu.enqueue_dma source(%dma_start3A_224 : memref<3200xf32, #tpu.memory_space<hbm>>) target(%dma_start3A_222 : memref<3200xf32, #tpu.memory_space<vmem>>) target_semaphore(%arg30 : memref<!tpu.dma_semaphore, #tpu.memory_space<semaphore_mem>>)
        %dma_start3A_225 = arith.constant 8 : i32
        %dma_start3A_226 = arith.constant 25600 : i32
        %dma_start3A_227 = tpu.memref_slice %arg6[%dma_start3A_226] : memref<32000xf32, #tpu.memory_space<vmem>> -> memref<3200xf32, #tpu.memory_space<vmem>>
        %dma_start3A_228 = tpu.memref_slice %arg2[%dma_start3A_225, %mul3A_152] : memref<10x2000000xf32, #tpu.memory_space<hbm>> -> memref<1x3200xf32, #tpu.memory_space<hbm>>
        %dma_start3A_229 = tpu.memref_squeeze %dma_start3A_228 : memref<1x3200xf32, #tpu.memory_space<hbm>> -> memref<3200xf32, #tpu.memory_space<hbm>>
        %dma_start3A_230 = arith.constant 25600 : i32
        %dma_start3A_231 = tpu.memref_slice %arg6[%dma_start3A_230] : memref<32000xf32, #tpu.memory_space<vmem>> -> memref<3200xf32, #tpu.memory_space<vmem>>
        %dma_start3A_232 = tpu.memref_slice %arg2[%dma_start3A_225, %mul3A_152] : memref<10x2000000xf32, #tpu.memory_space<hbm>> -> memref<1x3200xf32, #tpu.memory_space<hbm>>
        %dma_start3A_233 = tpu.memref_squeeze %dma_start3A_232 : memref<1x3200xf32, #tpu.memory_space<hbm>> -> memref<3200xf32, #tpu.memory_space<hbm>>
        tpu.enqueue_dma source(%dma_start3A_233 : memref<3200xf32, #tpu.memory_space<hbm>>) target(%dma_start3A_231 : memref<3200xf32, #tpu.memory_space<vmem>>) target_semaphore(%arg30 : memref<!tpu.dma_semaphore, #tpu.memory_space<semaphore_mem>>)
        %dma_start3A_234 = arith.constant 9 : i32
        %dma_start3A_235 = arith.constant 28800 : i32
        %dma_start3A_236 = tpu.memref_slice %arg6[%dma_start3A_235] : memref<32000xf32, #tpu.memory_space<vmem>> -> memref<3200xf32, #tpu.memory_space<vmem>>
        %dma_start3A_237 = tpu.memref_slice %arg2[%dma_start3A_234, %mul3A_152] : memref<10x2000000xf32, #tpu.memory_space<hbm>> -> memref<1x3200xf32, #tpu.memory_space<hbm>>
        %dma_start3A_238 = tpu.memref_squeeze %dma_start3A_237 : memref<1x3200xf32, #tpu.memory_space<hbm>> -> memref<3200xf32, #tpu.memory_space<hbm>>
        %dma_start3A_239 = arith.constant 28800 : i32
        %dma_start3A_240 = tpu.memref_slice %arg6[%dma_start3A_239] : memref<32000xf32, #tpu.memory_space<vmem>> -> memref<3200xf32, #tpu.memory_space<vmem>>
        %dma_start3A_241 = tpu.memref_slice %arg2[%dma_start3A_234, %mul3A_152] : memref<10x2000000xf32, #tpu.memory_space<hbm>> -> memref<1x3200xf32, #tpu.memory_space<hbm>>
        %dma_start3A_242 = tpu.memref_squeeze %dma_start3A_241 : memref<1x3200xf32, #tpu.memory_space<hbm>> -> memref<3200xf32, #tpu.memory_space<hbm>>
        tpu.enqueue_dma source(%dma_start3A_242 : memref<3200xf32, #tpu.memory_space<hbm>>) target(%dma_start3A_240 : memref<3200xf32, #tpu.memory_space<vmem>>) target_semaphore(%arg30 : memref<!tpu.dma_semaphore, #tpu.memory_space<semaphore_mem>>)
        %dma_start3A_243 = tpu.memref_slice %arg3[%mul3A_152] : memref<2000000xi32, #tpu.memory_space<hbm>> -> memref<3200xi32, #tpu.memory_space<hbm>>
        %dma_start3A_244 = tpu.memref_slice %arg3[%mul3A_152] : memref<2000000xi32, #tpu.memory_space<hbm>> -> memref<3200xi32, #tpu.memory_space<hbm>>
        tpu.enqueue_dma source(%dma_start3A_244 : memref<3200xi32, #tpu.memory_space<hbm>>) target(%arg8 : memref<3200xi32, #tpu.memory_space<vmem>>) target_semaphore(%arg30 : memref<!tpu.dma_semaphore, #tpu.memory_space<semaphore_mem>>)
        %dma_start3A_245 = tpu.memref_slice %arg4[%mul3A_152] : memref<2000000xi32, #tpu.memory_space<hbm>> -> memref<3200xi32, #tpu.memory_space<hbm>>
        %dma_start3A_246 = tpu.memref_slice %arg4[%mul3A_152] : memref<2000000xi32, #tpu.memory_space<hbm>> -> memref<3200xi32, #tpu.memory_space<hbm>>
        tpu.enqueue_dma source(%dma_start3A_246 : memref<3200xi32, #tpu.memory_space<hbm>>) target(%arg10 : memref<3200xi32, #tpu.memory_space<vmem>>) target_semaphore(%arg30 : memref<!tpu.dma_semaphore, #tpu.memory_space<semaphore_mem>>)
      } else {
      }
      %add3A_140 = arith.constant 1 : i32
      %add3A_141 = arith.addi %mul3A_125, %add3A_140 : i32
      %lt3A_142 = arith.cmpi slt, %add3A_141, %add3A_10 : i32
      %convert_element_type3A_143 = arith.extui %lt3A_142 : i1 to i32
      %cond3A_144 = arith.constant 0 : i32
      %cond3A_145 = arith.cmpi ne, %convert_element_type3A_143, %cond3A_144 : i32
      scf.if %cond3A_145 {
        %add3A_146 = arith.constant 1 : i32
        %add3A_147 = arith.addi %mul3A_125, %add3A_146 : i32
        %mul3A_148 = arith.constant 32 : i32
        %mul3A_149 = arith.muli %mul3A_148, %add3A_147 : i32
        %add3A_150 = arith.addi %add3A, %mul3A_149 : i32
        %mul3A_151 = arith.constant 3200 : i32
        %mul3A_152 = arith.muli %add3A_150, %mul3A_151 : i32
        %dma_wait3A = arith.constant 0 : i32
        %dma_wait3A_153 = arith.constant 0 : i32
        %dma_wait3A_154 = tpu.memref_slice %arg7[%dma_wait3A_153] : memref<32000xf32, #tpu.memory_space<vmem>> -> memref<3200xf32, #tpu.memory_space<vmem>>
        %dma_wait3A_155 = tpu.memref_slice %arg2[%dma_wait3A, %mul3A_152] : memref<10x2000000xf32, #tpu.memory_space<hbm>> -> memref<1x3200xf32, #tpu.memory_space<hbm>>
        %dma_wait3A_156 = tpu.memref_squeeze %dma_wait3A_155 : memref<1x3200xf32, #tpu.memory_space<hbm>> -> memref<3200xf32, #tpu.memory_space<hbm>>
        %dma_wait3A_157 = arith.constant 0 : i32
        %dma_wait3A_158 = tpu.memref_slice %arg7[%dma_wait3A_157] : memref<32000xf32, #tpu.memory_space<vmem>> -> memref<3200xf32, #tpu.memory_space<vmem>>
        %dma_wait3A_159 = tpu.memref_slice %arg2[%dma_wait3A, %mul3A_152] : memref<10x2000000xf32, #tpu.memory_space<hbm>> -> memref<1x3200xf32, #tpu.memory_space<hbm>>
        %dma_wait3A_160 = tpu.memref_squeeze %dma_wait3A_159 : memref<1x3200xf32, #tpu.memory_space<hbm>> -> memref<3200xf32, #tpu.memory_space<hbm>>
        tpu.wait_dma2 semaphore(%arg31 : memref<!tpu.dma_semaphore, #tpu.memory_space<semaphore_mem>>) src(%dma_wait3A_160 : memref<3200xf32, #tpu.memory_space<hbm>>) dst(%dma_wait3A_158 : memref<3200xf32, #tpu.memory_space<vmem>>)
        %dma_wait3A_161 = arith.constant 1 : i32
        %dma_wait3A_162 = arith.constant 3200 : i32
        %dma_wait3A_163 = tpu.memref_slice %arg7[%dma_wait3A_162] : memref<32000xf32, #tpu.memory_space<vmem>> -> memref<3200xf32, #tpu.memory_space<vmem>>
        %dma_wait3A_164 = tpu.memref_slice %arg2[%dma_wait3A_161, %mul3A_152] : memref<10x2000000xf32, #tpu.memory_space<hbm>> -> memref<1x3200xf32, #tpu.memory_space<hbm>>
        %dma_wait3A_165 = tpu.memref_squeeze %dma_wait3A_164 : memref<1x3200xf32, #tpu.memory_space<hbm>> -> memref<3200xf32, #tpu.memory_space<hbm>>
        %dma_wait3A_166 = arith.constant 3200 : i32
        %dma_wait3A_167 = tpu.memref_slice %arg7[%dma_wait3A_166] : memref<32000xf32, #tpu.memory_space<vmem>> -> memref<3200xf32, #tpu.memory_space<vmem>>
        %dma_wait3A_168 = tpu.memref_slice %arg2[%dma_wait3A_161, %mul3A_152] : memref<10x2000000xf32, #tpu.memory_space<hbm>> -> memref<1x3200xf32, #tpu.memory_space<hbm>>
        %dma_wait3A_169 = tpu.memref_squeeze %dma_wait3A_168 : memref<1x3200xf32, #tpu.memory_space<hbm>> -> memref<3200xf32, #tpu.memory_space<hbm>>
        tpu.wait_dma2 semaphore(%arg31 : memref<!tpu.dma_semaphore, #tpu.memory_space<semaphore_mem>>) src(%dma_wait3A_169 : memref<3200xf32, #tpu.memory_space<hbm>>) dst(%dma_wait3A_167 : memref<3200xf32, #tpu.memory_space<vmem>>)
        %dma_wait3A_170 = arith.constant 2 : i32
        %dma_wait3A_171 = arith.constant 6400 : i32
        %dma_wait3A_172 = tpu.memref_slice %arg7[%dma_wait3A_171] : memref<32000xf32, #tpu.memory_space<vmem>> -> memref<3200xf32, #tpu.memory_space<vmem>>
        %dma_wait3A_173 = tpu.memref_slice %arg2[%dma_wait3A_170, %mul3A_152] : memref<10x2000000xf32, #tpu.memory_space<hbm>> -> memref<1x3200xf32, #tpu.memory_space<hbm>>
        %dma_wait3A_174 = tpu.memref_squeeze %dma_wait3A_173 : memref<1x3200xf32, #tpu.memory_space<hbm>> -> memref<3200xf32, #tpu.memory_space<hbm>>
        %dma_wait3A_175 = arith.constant 6400 : i32
        %dma_wait3A_176 = tpu.memref_slice %arg7[%dma_wait3A_175] : memref<32000xf32, #tpu.memory_space<vmem>> -> memref<3200xf32, #tpu.memory_space<vmem>>
        %dma_wait3A_177 = tpu.memref_slice %arg2[%dma_wait3A_170, %mul3A_152] : memref<10x2000000xf32, #tpu.memory_space<hbm>> -> memref<1x3200xf32, #tpu.memory_space<hbm>>
        %dma_wait3A_178 = tpu.memref_squeeze %dma_wait3A_177 : memref<1x3200xf32, #tpu.memory_space<hbm>> -> memref<3200xf32, #tpu.memory_space<hbm>>
        tpu.wait_dma2 semaphore(%arg31 : memref<!tpu.dma_semaphore, #tpu.memory_space<semaphore_mem>>) src(%dma_wait3A_178 : memref<3200xf32, #tpu.memory_space<hbm>>) dst(%dma_wait3A_176 : memref<3200xf32, #tpu.memory_space<vmem>>)
        %dma_wait3A_179 = arith.constant 3 : i32
        %dma_wait3A_180 = arith.constant 9600 : i32
        %dma_wait3A_181 = tpu.memref_slice %arg7[%dma_wait3A_180] : memref<32000xf32, #tpu.memory_space<vmem>> -> memref<3200xf32, #tpu.memory_space<vmem>>
        %dma_wait3A_182 = tpu.memref_slice %arg2[%dma_wait3A_179, %mul3A_152] : memref<10x2000000xf32, #tpu.memory_space<hbm>> -> memref<1x3200xf32, #tpu.memory_space<hbm>>
        %dma_wait3A_183 = tpu.memref_squeeze %dma_wait3A_182 : memref<1x3200xf32, #tpu.memory_space<hbm>> -> memref<3200xf32, #tpu.memory_space<hbm>>
        %dma_wait3A_184 = arith.constant 9600 : i32
        %dma_wait3A_185 = tpu.memref_slice %arg7[%dma_wait3A_184] : memref<32000xf32, #tpu.memory_space<vmem>> -> memref<3200xf32, #tpu.memory_space<vmem>>
        %dma_wait3A_186 = tpu.memref_slice %arg2[%dma_wait3A_179, %mul3A_152] : memref<10x2000000xf32, #tpu.memory_space<hbm>> -> memref<1x3200xf32, #tpu.memory_space<hbm>>
        %dma_wait3A_187 = tpu.memref_squeeze %dma_wait3A_186 : memref<1x3200xf32, #tpu.memory_space<hbm>> -> memref<3200xf32, #tpu.memory_space<hbm>>
        tpu.wait_dma2 semaphore(%arg31 : memref<!tpu.dma_semaphore, #tpu.memory_space<semaphore_mem>>) src(%dma_wait3A_187 : memref<3200xf32, #tpu.memory_space<hbm>>) dst(%dma_wait3A_185 : memref<3200xf32, #tpu.memory_space<vmem>>)
        %dma_wait3A_188 = arith.constant 4 : i32
        %dma_wait3A_189 = arith.constant 12800 : i32
        %dma_wait3A_190 = tpu.memref_slice %arg7[%dma_wait3A_189] : memref<32000xf32, #tpu.memory_space<vmem>> -> memref<3200xf32, #tpu.memory_space<vmem>>
        %dma_wait3A_191 = tpu.memref_slice %arg2[%dma_wait3A_188, %mul3A_152] : memref<10x2000000xf32, #tpu.memory_space<hbm>> -> memref<1x3200xf32, #tpu.memory_space<hbm>>
        %dma_wait3A_192 = tpu.memref_squeeze %dma_wait3A_191 : memref<1x3200xf32, #tpu.memory_space<hbm>> -> memref<3200xf32, #tpu.memory_space<hbm>>
        %dma_wait3A_193 = arith.constant 12800 : i32
        %dma_wait3A_194 = tpu.memref_slice %arg7[%dma_wait3A_193] : memref<32000xf32, #tpu.memory_space<vmem>> -> memref<3200xf32, #tpu.memory_space<vmem>>
        %dma_wait3A_195 = tpu.memref_slice %arg2[%dma_wait3A_188, %mul3A_152] : memref<10x2000000xf32, #tpu.memory_space<hbm>> -> memref<1x3200xf32, #tpu.memory_space<hbm>>
        %dma_wait3A_196 = tpu.memref_squeeze %dma_wait3A_195 : memref<1x3200xf32, #tpu.memory_space<hbm>> -> memref<3200xf32, #tpu.memory_space<hbm>>
        tpu.wait_dma2 semaphore(%arg31 : memref<!tpu.dma_semaphore, #tpu.memory_space<semaphore_mem>>) src(%dma_wait3A_196 : memref<3200xf32, #tpu.memory_space<hbm>>) dst(%dma_wait3A_194 : memref<3200xf32, #tpu.memory_space<vmem>>)
        %dma_wait3A_197 = arith.constant 5 : i32
        %dma_wait3A_198 = arith.constant 16000 : i32
        %dma_wait3A_199 = tpu.memref_slice %arg7[%dma_wait3A_198] : memref<32000xf32, #tpu.memory_space<vmem>> -> memref<3200xf32, #tpu.memory_space<vmem>>
        %dma_wait3A_200 = tpu.memref_slice %arg2[%dma_wait3A_197, %mul3A_152] : memref<10x2000000xf32, #tpu.memory_space<hbm>> -> memref<1x3200xf32, #tpu.memory_space<hbm>>
        %dma_wait3A_201 = tpu.memref_squeeze %dma_wait3A_200 : memref<1x3200xf32, #tpu.memory_space<hbm>> -> memref<3200xf32, #tpu.memory_space<hbm>>
        %dma_wait3A_202 = arith.constant 16000 : i32
        %dma_wait3A_203 = tpu.memref_slice %arg7[%dma_wait3A_202] : memref<32000xf32, #tpu.memory_space<vmem>> -> memref<3200xf32, #tpu.memory_space<vmem>>
        %dma_wait3A_204 = tpu.memref_slice %arg2[%dma_wait3A_197, %mul3A_152] : memref<10x2000000xf32, #tpu.memory_space<hbm>> -> memref<1x3200xf32, #tpu.memory_space<hbm>>
        %dma_wait3A_205 = tpu.memref_squeeze %dma_wait3A_204 : memref<1x3200xf32, #tpu.memory_space<hbm>> -> memref<3200xf32, #tpu.memory_space<hbm>>
        tpu.wait_dma2 semaphore(%arg31 : memref<!tpu.dma_semaphore, #tpu.memory_space<semaphore_mem>>) src(%dma_wait3A_205 : memref<3200xf32, #tpu.memory_space<hbm>>) dst(%dma_wait3A_203 : memref<3200xf32, #tpu.memory_space<vmem>>)
        %dma_wait3A_206 = arith.constant 6 : i32
        %dma_wait3A_207 = arith.constant 19200 : i32
        %dma_wait3A_208 = tpu.memref_slice %arg7[%dma_wait3A_207] : memref<32000xf32, #tpu.memory_space<vmem>> -> memref<3200xf32, #tpu.memory_space<vmem>>
        %dma_wait3A_209 = tpu.memref_slice %arg2[%dma_wait3A_206, %mul3A_152] : memref<10x2000000xf32, #tpu.memory_space<hbm>> -> memref<1x3200xf32, #tpu.memory_space<hbm>>
        %dma_wait3A_210 = tpu.memref_squeeze %dma_wait3A_209 : memref<1x3200xf32, #tpu.memory_space<hbm>> -> memref<3200xf32, #tpu.memory_space<hbm>>
        %dma_wait3A_211 = arith.constant 19200 : i32
        %dma_wait3A_212 = tpu.memref_slice %arg7[%dma_wait3A_211] : memref<32000xf32, #tpu.memory_space<vmem>> -> memref<3200xf32, #tpu.memory_space<vmem>>
        %dma_wait3A_213 = tpu.memref_slice %arg2[%dma_wait3A_206, %mul3A_152] : memref<10x2000000xf32, #tpu.memory_space<hbm>> -> memref<1x3200xf32, #tpu.memory_space<hbm>>
        %dma_wait3A_214 = tpu.memref_squeeze %dma_wait3A_213 : memref<1x3200xf32, #tpu.memory_space<hbm>> -> memref<3200xf32, #tpu.memory_space<hbm>>
        tpu.wait_dma2 semaphore(%arg31 : memref<!tpu.dma_semaphore, #tpu.memory_space<semaphore_mem>>) src(%dma_wait3A_214 : memref<3200xf32, #tpu.memory_space<hbm>>) dst(%dma_wait3A_212 : memref<3200xf32, #tpu.memory_space<vmem>>)
        %dma_wait3A_215 = arith.constant 7 : i32
        %dma_wait3A_216 = arith.constant 22400 : i32
        %dma_wait3A_217 = tpu.memref_slice %arg7[%dma_wait3A_216] : memref<32000xf32, #tpu.memory_space<vmem>> -> memref<3200xf32, #tpu.memory_space<vmem>>
        %dma_wait3A_218 = tpu.memref_slice %arg2[%dma_wait3A_215, %mul3A_152] : memref<10x2000000xf32, #tpu.memory_space<hbm>> -> memref<1x3200xf32, #tpu.memory_space<hbm>>
        %dma_wait3A_219 = tpu.memref_squeeze %dma_wait3A_218 : memref<1x3200xf32, #tpu.memory_space<hbm>> -> memref<3200xf32, #tpu.memory_space<hbm>>
        %dma_wait3A_220 = arith.constant 22400 : i32
        %dma_wait3A_221 = tpu.memref_slice %arg7[%dma_wait3A_220] : memref<32000xf32, #tpu.memory_space<vmem>> -> memref<3200xf32, #tpu.memory_space<vmem>>
        %dma_wait3A_222 = tpu.memref_slice %arg2[%dma_wait3A_215, %mul3A_152] : memref<10x2000000xf32, #tpu.memory_space<hbm>> -> memref<1x3200xf32, #tpu.memory_space<hbm>>
        %dma_wait3A_223 = tpu.memref_squeeze %dma_wait3A_222 : memref<1x3200xf32, #tpu.memory_space<hbm>> -> memref<3200xf32, #tpu.memory_space<hbm>>
        tpu.wait_dma2 semaphore(%arg31 : memref<!tpu.dma_semaphore, #tpu.memory_space<semaphore_mem>>) src(%dma_wait3A_223 : memref<3200xf32, #tpu.memory_space<hbm>>) dst(%dma_wait3A_221 : memref<3200xf32, #tpu.memory_space<vmem>>)
        %dma_wait3A_224 = arith.constant 8 : i32
        %dma_wait3A_225 = arith.constant 25600 : i32
        %dma_wait3A_226 = tpu.memref_slice %arg7[%dma_wait3A_225] : memref<32000xf32, #tpu.memory_space<vmem>> -> memref<3200xf32, #tpu.memory_space<vmem>>
        %dma_wait3A_227 = tpu.memref_slice %arg2[%dma_wait3A_224, %mul3A_152] : memref<10x2000000xf32, #tpu.memory_space<hbm>> -> memref<1x3200xf32, #tpu.memory_space<hbm>>
        %dma_wait3A_228 = tpu.memref_squeeze %dma_wait3A_227 : memref<1x3200xf32, #tpu.memory_space<hbm>> -> memref<3200xf32, #tpu.memory_space<hbm>>
        %dma_wait3A_229 = arith.constant 25600 : i32
        %dma_wait3A_230 = tpu.memref_slice %arg7[%dma_wait3A_229] : memref<32000xf32, #tpu.memory_space<vmem>> -> memref<3200xf32, #tpu.memory_space<vmem>>
        %dma_wait3A_231 = tpu.memref_slice %arg2[%dma_wait3A_224, %mul3A_152] : memref<10x2000000xf32, #tpu.memory_space<hbm>> -> memref<1x3200xf32, #tpu.memory_space<hbm>>
        %dma_wait3A_232 = tpu.memref_squeeze %dma_wait3A_231 : memref<1x3200xf32, #tpu.memory_space<hbm>> -> memref<3200xf32, #tpu.memory_space<hbm>>
        tpu.wait_dma2 semaphore(%arg31 : memref<!tpu.dma_semaphore, #tpu.memory_space<semaphore_mem>>) src(%dma_wait3A_232 : memref<3200xf32, #tpu.memory_space<hbm>>) dst(%dma_wait3A_230 : memref<3200xf32, #tpu.memory_space<vmem>>)
        %dma_wait3A_233 = arith.constant 9 : i32
        %dma_wait3A_234 = arith.constant 28800 : i32
        %dma_wait3A_235 = tpu.memref_slice %arg7[%dma_wait3A_234] : memref<32000xf32, #tpu.memory_space<vmem>> -> memref<3200xf32, #tpu.memory_space<vmem>>
        %dma_wait3A_236 = tpu.memref_slice %arg2[%dma_wait3A_233, %mul3A_152] : memref<10x2000000xf32, #tpu.memory_space<hbm>> -> memref<1x3200xf32, #tpu.memory_space<hbm>>
        %dma_wait3A_237 = tpu.memref_squeeze %dma_wait3A_236 : memref<1x3200xf32, #tpu.memory_space<hbm>> -> memref<3200xf32, #tpu.memory_space<hbm>>
        %dma_wait3A_238 = arith.constant 28800 : i32
        %dma_wait3A_239 = tpu.memref_slice %arg7[%dma_wait3A_238] : memref<32000xf32, #tpu.memory_space<vmem>> -> memref<3200xf32, #tpu.memory_space<vmem>>
        %dma_wait3A_240 = tpu.memref_slice %arg2[%dma_wait3A_233, %mul3A_152] : memref<10x2000000xf32, #tpu.memory_space<hbm>> -> memref<1x3200xf32, #tpu.memory_space<hbm>>
        %dma_wait3A_241 = tpu.memref_squeeze %dma_wait3A_240 : memref<1x3200xf32, #tpu.memory_space<hbm>> -> memref<3200xf32, #tpu.memory_space<hbm>>
        tpu.wait_dma2 semaphore(%arg31 : memref<!tpu.dma_semaphore, #tpu.memory_space<semaphore_mem>>) src(%dma_wait3A_241 : memref<3200xf32, #tpu.memory_space<hbm>>) dst(%dma_wait3A_239 : memref<3200xf32, #tpu.memory_space<vmem>>)
        %dma_wait3A_242 = tpu.memref_slice %arg3[%mul3A_152] : memref<2000000xi32, #tpu.memory_space<hbm>> -> memref<3200xi32, #tpu.memory_space<hbm>>
        %dma_wait3A_243 = tpu.memref_slice %arg3[%mul3A_152] : memref<2000000xi32, #tpu.memory_space<hbm>> -> memref<3200xi32, #tpu.memory_space<hbm>>
        tpu.wait_dma2 semaphore(%arg31 : memref<!tpu.dma_semaphore, #tpu.memory_space<semaphore_mem>>) src(%dma_wait3A_243 : memref<3200xi32, #tpu.memory_space<hbm>>) dst(%arg9 : memref<3200xi32, #tpu.memory_space<vmem>>)
        %dma_wait3A_244 = tpu.memref_slice %arg4[%mul3A_152] : memref<2000000xi32, #tpu.memory_space<hbm>> -> memref<3200xi32, #tpu.memory_space<hbm>>
        %dma_wait3A_245 = tpu.memref_slice %arg4[%mul3A_152] : memref<2000000xi32, #tpu.memory_space<hbm>> -> memref<3200xi32, #tpu.memory_space<hbm>>
        tpu.wait_dma2 semaphore(%arg31 : memref<!tpu.dma_semaphore, #tpu.memory_space<semaphore_mem>>) src(%dma_wait3A_245 : memref<3200xi32, #tpu.memory_space<hbm>>) dst(%arg11 : memref<3200xi32, #tpu.memory_space<vmem>>)
        %swap3A_246 = arith.constant 0 : index
        %swap3A_247 = tpu.vector_load %arg12[%swap3A_246] {strides = array<i32>} : memref<16xf32, #tpu.memory_space<vmem>>, vector<16xf32>,
        tpu.vector_store %arg12[%swap3A_246], %broadcast_in_dim3A_3 {strides = array<i32>} : memref<16xf32, #tpu.memory_space<vmem>>, vector<16xf32>,
        %swap3A_248 = arith.constant 0 : index
        %swap3A_249 = tpu.vector_load %arg20[%swap3A_248] {strides = array<i32>} : memref<16xf32, #tpu.memory_space<vmem>>, vector<16xf32>,
        tpu.vector_store %arg20[%swap3A_248], %broadcast_in_dim3A_3 {strides = array<i32>} : memref<16xf32, #tpu.memory_space<vmem>>, vector<16xf32>,
        %swap3A_250 = arith.constant 0 : index
        %swap3A_251 = tpu.vector_load %arg13[%swap3A_250] {strides = array<i32>} : memref<16xf32, #tpu.memory_space<vmem>>, vector<16xf32>,
        tpu.vector_store %arg13[%swap3A_250], %broadcast_in_dim3A_3 {strides = array<i32>} : memref<16xf32, #tpu.memory_space<vmem>>, vector<16xf32>,
        %swap3A_252 = arith.constant 0 : index
        %swap3A_253 = tpu.vector_load %arg21[%swap3A_252] {strides = array<i32>} : memref<16xf32, #tpu.memory_space<vmem>>, vector<16xf32>,
        tpu.vector_store %arg21[%swap3A_252], %broadcast_in_dim3A_3 {strides = array<i32>} : memref<16xf32, #tpu.memory_space<vmem>>, vector<16xf32>,
        %swap3A_254 = arith.constant 0 : index
        %swap3A_255 = tpu.vector_load %arg14[%swap3A_254] {strides = array<i32>} : memref<16xf32, #tpu.memory_space<vmem>>, vector<16xf32>,
        tpu.vector_store %arg14[%swap3A_254], %broadcast_in_dim3A_3 {strides = array<i32>} : memref<16xf32, #tpu.memory_space<vmem>>, vector<16xf32>,
        %swap3A_256 = arith.constant 0 : index
        %swap3A_257 = tpu.vector_load %arg22[%swap3A_256] {strides = array<i32>} : memref<16xf32, #tpu.memory_space<vmem>>, vector<16xf32>,
        tpu.vector_store %arg22[%swap3A_256], %broadcast_in_dim3A_3 {strides = array<i32>} : memref<16xf32, #tpu.memory_space<vmem>>, vector<16xf32>,
        %swap3A_258 = arith.constant 0 : index
        %swap3A_259 = tpu.vector_load %arg15[%swap3A_258] {strides = array<i32>} : memref<16xf32, #tpu.memory_space<vmem>>, vector<16xf32>,
        tpu.vector_store %arg15[%swap3A_258], %broadcast_in_dim3A_3 {strides = array<i32>} : memref<16xf32, #tpu.memory_space<vmem>>, vector<16xf32>,
        %swap3A_260 = arith.constant 0 : index
        %swap3A_261 = tpu.vector_load %arg23[%swap3A_260] {strides = array<i32>} : memref<16xf32, #tpu.memory_space<vmem>>, vector<16xf32>,
        tpu.vector_store %arg23[%swap3A_260], %broadcast_in_dim3A_3 {strides = array<i32>} : memref<16xf32, #tpu.memory_space<vmem>>, vector<16xf32>,
        %swap3A_262 = arith.constant 0 : index
        %swap3A_263 = tpu.vector_load %arg16[%swap3A_262] {strides = array<i32>} : memref<16xf32, #tpu.memory_space<vmem>>, vector<16xf32>,
        tpu.vector_store %arg16[%swap3A_262], %broadcast_in_dim3A_3 {strides = array<i32>} : memref<16xf32, #tpu.memory_space<vmem>>, vector<16xf32>,
        %swap3A_264 = arith.constant 0 : index
        %swap3A_265 = tpu.vector_load %arg24[%swap3A_264] {strides = array<i32>} : memref<16xf32, #tpu.memory_space<vmem>>, vector<16xf32>,
        tpu.vector_store %arg24[%swap3A_264], %broadcast_in_dim3A_3 {strides = array<i32>} : memref<16xf32, #tpu.memory_space<vmem>>, vector<16xf32>,
        %swap3A_266 = arith.constant 0 : index
        %swap3A_267 = tpu.vector_load %arg17[%swap3A_266] {strides = array<i32>} : memref<16xf32, #tpu.memory_space<vmem>>, vector<16xf32>,
        tpu.vector_store %arg17[%swap3A_266], %broadcast_in_dim3A_3 {strides = array<i32>} : memref<16xf32, #tpu.memory_space<vmem>>, vector<16xf32>,
        %swap3A_268 = arith.constant 0 : index
        %swap3A_269 = tpu.vector_load %arg25[%swap3A_268] {strides = array<i32>} : memref<16xf32, #tpu.memory_space<vmem>>, vector<16xf32>,
        tpu.vector_store %arg25[%swap3A_268], %broadcast_in_dim3A_3 {strides = array<i32>} : memref<16xf32, #tpu.memory_space<vmem>>, vector<16xf32>,
        %swap3A_270 = arith.constant 0 : index
        %swap3A_271 = tpu.vector_load %arg18[%swap3A_270] {strides = array<i32>} : memref<16xf32, #tpu.memory_space<vmem>>, vector<16xf32>,
        tpu.vector_store %arg18[%swap3A_270], %broadcast_in_dim3A_3 {strides = array<i32>} : memref<16xf32, #tpu.memory_space<vmem>>, vector<16xf32>,
        %swap3A_272 = arith.constant 0 : index
        %swap3A_273 = tpu.vector_load %arg26[%swap3A_272] {strides = array<i32>} : memref<16xf32, #tpu.memory_space<vmem>>, vector<16xf32>,
        tpu.vector_store %arg26[%swap3A_272], %broadcast_in_dim3A_3 {strides = array<i32>} : memref<16xf32, #tpu.memory_space<vmem>>, vector<16xf32>,
        %swap3A_274 = arith.constant 0 : index
        %swap3A_275 = tpu.vector_load %arg19[%swap3A_274] {strides = array<i32>} : memref<16xf32, #tpu.memory_space<vmem>>, vector<16xf32>,
        tpu.vector_store %arg19[%swap3A_274], %broadcast_in_dim3A_3 {strides = array<i32>} : memref<16xf32, #tpu.memory_space<vmem>>, vector<16xf32>,
        %swap3A_276 = arith.constant 0 : index
        %swap3A_277 = tpu.vector_load %arg27[%swap3A_276] {strides = array<i32>} : memref<16xf32, #tpu.memory_space<vmem>>, vector<16xf32>,
        tpu.vector_store %arg27[%swap3A_276], %broadcast_in_dim3A_3 {strides = array<i32>} : memref<16xf32, #tpu.memory_space<vmem>>, vector<16xf32>,
        %parallel_loop3A = arith.constant 0 : i32
        %parallel_loop3A_278 = arith.constant 100 : i32
        %parallel_loop3A_279 = arith.constant 8 : i32
        scf.for %parallel_loop3A_335 = %parallel_loop3A to %parallel_loop3A_278 step %parallel_loop3A_279  : i32 {
          %parallel_loop3A_336 = arith.constant 0 : i32
          %parallel_loop3A_337 = arith.addi %parallel_loop3A_335, %parallel_loop3A_336 : i32
          %parallel_loop3A_338 = arith.constant 16 : i32
          %parallel_loop3A_339 = arith.muli %parallel_loop3A_337, %parallel_loop3A_338 : i32
          %parallel_loop3A_340 = arith.index_cast %parallel_loop3A_339 : i32 to index
          %parallel_loop3A_341 = tpu.vector_load %arg9[%parallel_loop3A_340] {strides = array<i32>} : memref<3200xi32, #tpu.memory_space<vmem>>, vector<16xi32>,
          %parallel_loop3A_342 = arith.index_cast %parallel_loop3A_339 : i32 to index
          %parallel_loop3A_343 = tpu.vector_load %arg11[%parallel_loop3A_342] {strides = array<i32>} : memref<3200xi32, #tpu.memory_space<vmem>>, vector<16xi32>,
          %parallel_loop3A_344 = arith.constant 3200 : i32
          %parallel_loop3A_345 = vector.broadcast %parallel_loop3A_344 : i32 to vector<16xi32>
          %parallel_loop3A_346 = arith.muli %parallel_loop3A_341, %parallel_loop3A_345 : vector<16xi32>
          %parallel_loop3A_347 = vector.broadcast %parallel_loop3A_339 : i32 to vector<16xi32>
          %parallel_loop3A_348 = arith.addi %iota3A, %parallel_loop3A_347 : vector<16xi32>
          %parallel_loop3A_349 = arith.addi %parallel_loop3A_346, %parallel_loop3A_348 : vector<16xi32>
          %parallel_loop3A_350 = tpu.vector_load_idx %arg7[%parallel_loop3A_349] : memref<32000xf32, #tpu.memory_space<vmem>>[vector<16xi32>], vector<16xf32>,
          tpu.vector_store_idx %arg12[%parallel_loop3A_343], %parallel_loop3A_350 {add = true} : memref<16xf32, #tpu.memory_space<vmem>>[vector<16xi32>], vector<16xf32>,
          tpu.vector_store_idx %arg20[%parallel_loop3A_343], %broadcast_in_dim3A_1 {add = true} : memref<16xf32, #tpu.memory_space<vmem>>[vector<16xi32>], vector<16xf32>,
          %parallel_loop3A_351 = arith.constant 1 : i32
          %parallel_loop3A_352 = arith.addi %parallel_loop3A_335, %parallel_loop3A_351 : i32
          %parallel_loop3A_353 = arith.constant 16 : i32
          %parallel_loop3A_354 = arith.muli %parallel_loop3A_352, %parallel_loop3A_353 : i32
          %parallel_loop3A_355 = arith.index_cast %parallel_loop3A_354 : i32 to index
          %parallel_loop3A_356 = tpu.vector_load %arg9[%parallel_loop3A_355] {strides = array<i32>} : memref<3200xi32, #tpu.memory_space<vmem>>, vector<16xi32>,
          %parallel_loop3A_357 = arith.index_cast %parallel_loop3A_354 : i32 to index
          %parallel_loop3A_358 = tpu.vector_load %arg11[%parallel_loop3A_357] {strides = array<i32>} : memref<3200xi32, #tpu.memory_space<vmem>>, vector<16xi32>,
          %parallel_loop3A_359 = arith.constant 3200 : i32
          %parallel_loop3A_360 = vector.broadcast %parallel_loop3A_359 : i32 to vector<16xi32>
          %parallel_loop3A_361 = arith.muli %parallel_loop3A_356, %parallel_loop3A_360 : vector<16xi32>
          %parallel_loop3A_362 = vector.broadcast %parallel_loop3A_354 : i32 to vector<16xi32>
          %parallel_loop3A_363 = arith.addi %iota3A, %parallel_loop3A_362 : vector<16xi32>
          %parallel_loop3A_364 = arith.addi %parallel_loop3A_361, %parallel_loop3A_363 : vector<16xi32>
          %parallel_loop3A_365 = tpu.vector_load_idx %arg7[%parallel_loop3A_364] : memref<32000xf32, #tpu.memory_space<vmem>>[vector<16xi32>], vector<16xf32>,
          tpu.vector_store_idx %arg13[%parallel_loop3A_358], %parallel_loop3A_365 {add = true} : memref<16xf32, #tpu.memory_space<vmem>>[vector<16xi32>], vector<16xf32>,
          tpu.vector_store_idx %arg21[%parallel_loop3A_358], %broadcast_in_dim3A_1 {add = true} : memref<16xf32, #tpu.memory_space<vmem>>[vector<16xi32>], vector<16xf32>,
          %parallel_loop3A_366 = arith.constant 2 : i32
          %parallel_loop3A_367 = arith.addi %parallel_loop3A_335, %parallel_loop3A_366 : i32
          %parallel_loop3A_368 = arith.constant 16 : i32
          %parallel_loop3A_369 = arith.muli %parallel_loop3A_367, %parallel_loop3A_368 : i32
          %parallel_loop3A_370 = arith.index_cast %parallel_loop3A_369 : i32 to index
          %parallel_loop3A_371 = tpu.vector_load %arg9[%parallel_loop3A_370] {strides = array<i32>} : memref<3200xi32, #tpu.memory_space<vmem>>, vector<16xi32>,
          %parallel_loop3A_372 = arith.index_cast %parallel_loop3A_369 : i32 to index
          %parallel_loop3A_373 = tpu.vector_load %arg11[%parallel_loop3A_372] {strides = array<i32>} : memref<3200xi32, #tpu.memory_space<vmem>>, vector<16xi32>,
          %parallel_loop3A_374 = arith.constant 3200 : i32
          %parallel_loop3A_375 = vector.broadcast %parallel_loop3A_374 : i32 to vector<16xi32>
          %parallel_loop3A_376 = arith.muli %parallel_loop3A_371, %parallel_loop3A_375 : vector<16xi32>
          %parallel_loop3A_377 = vector.broadcast %parallel_loop3A_369 : i32 to vector<16xi32>
          %parallel_loop3A_378 = arith.addi %iota3A, %parallel_loop3A_377 : vector<16xi32>
          %parallel_loop3A_379 = arith.addi %parallel_loop3A_376, %parallel_loop3A_378 : vector<16xi32>
          %parallel_loop3A_380 = tpu.vector_load_idx %arg7[%parallel_loop3A_379] : memref<32000xf32, #tpu.memory_space<vmem>>[vector<16xi32>], vector<16xf32>,
          tpu.vector_store_idx %arg14[%parallel_loop3A_373], %parallel_loop3A_380 {add = true} : memref<16xf32, #tpu.memory_space<vmem>>[vector<16xi32>], vector<16xf32>,
          tpu.vector_store_idx %arg22[%parallel_loop3A_373], %broadcast_in_dim3A_1 {add = true} : memref<16xf32, #tpu.memory_space<vmem>>[vector<16xi32>], vector<16xf32>,
          %parallel_loop3A_381 = arith.constant 3 : i32
          %parallel_loop3A_382 = arith.addi %parallel_loop3A_335, %parallel_loop3A_381 : i32
          %parallel_loop3A_383 = arith.constant 16 : i32
          %parallel_loop3A_384 = arith.muli %parallel_loop3A_382, %parallel_loop3A_383 : i32
          %parallel_loop3A_385 = arith.index_cast %parallel_loop3A_384 : i32 to index
          %parallel_loop3A_386 = tpu.vector_load %arg9[%parallel_loop3A_385] {strides = array<i32>} : memref<3200xi32, #tpu.memory_space<vmem>>, vector<16xi32>,
          %parallel_loop3A_387 = arith.index_cast %parallel_loop3A_384 : i32 to index
          %parallel_loop3A_388 = tpu.vector_load %arg11[%parallel_loop3A_387] {strides = array<i32>} : memref<3200xi32, #tpu.memory_space<vmem>>, vector<16xi32>,
          %parallel_loop3A_389 = arith.constant 3200 : i32
          %parallel_loop3A_390 = vector.broadcast %parallel_loop3A_389 : i32 to vector<16xi32>
          %parallel_loop3A_391 = arith.muli %parallel_loop3A_386, %parallel_loop3A_390 : vector<16xi32>
          %parallel_loop3A_392 = vector.broadcast %parallel_loop3A_384 : i32 to vector<16xi32>
          %parallel_loop3A_393 = arith.addi %iota3A, %parallel_loop3A_392 : vector<16xi32>
          %parallel_loop3A_394 = arith.addi %parallel_loop3A_391, %parallel_loop3A_393 : vector<16xi32>
          %parallel_loop3A_395 = tpu.vector_load_idx %arg7[%parallel_loop3A_394] : memref<32000xf32, #tpu.memory_space<vmem>>[vector<16xi32>], vector<16xf32>,
          tpu.vector_store_idx %arg15[%parallel_loop3A_388], %parallel_loop3A_395 {add = true} : memref<16xf32, #tpu.memory_space<vmem>>[vector<16xi32>], vector<16xf32>,
          tpu.vector_store_idx %arg23[%parallel_loop3A_388], %broadcast_in_dim3A_1 {add = true} : memref<16xf32, #tpu.memory_space<vmem>>[vector<16xi32>], vector<16xf32>,
          %parallel_loop3A_396 = arith.constant 4 : i32
          %parallel_loop3A_397 = arith.addi %parallel_loop3A_335, %parallel_loop3A_396 : i32
          %parallel_loop3A_398 = arith.constant 16 : i32
          %parallel_loop3A_399 = arith.muli %parallel_loop3A_397, %parallel_loop3A_398 : i32
          %parallel_loop3A_400 = arith.index_cast %parallel_loop3A_399 : i32 to index
          %parallel_loop3A_401 = tpu.vector_load %arg9[%parallel_loop3A_400] {strides = array<i32>} : memref<3200xi32, #tpu.memory_space<vmem>>, vector<16xi32>,
          %parallel_loop3A_402 = arith.index_cast %parallel_loop3A_399 : i32 to index
          %parallel_loop3A_403 = tpu.vector_load %arg11[%parallel_loop3A_402] {strides = array<i32>} : memref<3200xi32, #tpu.memory_space<vmem>>, vector<16xi32>,
          %parallel_loop3A_404 = arith.constant 3200 : i32
          %parallel_loop3A_405 = vector.broadcast %parallel_loop3A_404 : i32 to vector<16xi32>
          %parallel_loop3A_406 = arith.muli %parallel_loop3A_401, %parallel_loop3A_405 : vector<16xi32>
          %parallel_loop3A_407 = vector.broadcast %parallel_loop3A_399 : i32 to vector<16xi32>
          %parallel_loop3A_408 = arith.addi %iota3A, %parallel_loop3A_407 : vector<16xi32>
          %parallel_loop3A_409 = arith.addi %parallel_loop3A_406, %parallel_loop3A_408 : vector<16xi32>
          %parallel_loop3A_410 = tpu.vector_load_idx %arg7[%parallel_loop3A_409] : memref<32000xf32, #tpu.memory_space<vmem>>[vector<16xi32>], vector<16xf32>,
          tpu.vector_store_idx %arg16[%parallel_loop3A_403], %parallel_loop3A_410 {add = true} : memref<16xf32, #tpu.memory_space<vmem>>[vector<16xi32>], vector<16xf32>,
          tpu.vector_store_idx %arg24[%parallel_loop3A_403], %broadcast_in_dim3A_1 {add = true} : memref<16xf32, #tpu.memory_space<vmem>>[vector<16xi32>], vector<16xf32>,
          %parallel_loop3A_411 = arith.constant 5 : i32
          %parallel_loop3A_412 = arith.addi %parallel_loop3A_335, %parallel_loop3A_411 : i32
          %parallel_loop3A_413 = arith.constant 16 : i32
          %parallel_loop3A_414 = arith.muli %parallel_loop3A_412, %parallel_loop3A_413 : i32
          %parallel_loop3A_415 = arith.index_cast %parallel_loop3A_414 : i32 to index
          %parallel_loop3A_416 = tpu.vector_load %arg9[%parallel_loop3A_415] {strides = array<i32>} : memref<3200xi32, #tpu.memory_space<vmem>>, vector<16xi32>,
          %parallel_loop3A_417 = arith.index_cast %parallel_loop3A_414 : i32 to index
          %parallel_loop3A_418 = tpu.vector_load %arg11[%parallel_loop3A_417] {strides = array<i32>} : memref<3200xi32, #tpu.memory_space<vmem>>, vector<16xi32>,
          %parallel_loop3A_419 = arith.constant 3200 : i32
          %parallel_loop3A_420 = vector.broadcast %parallel_loop3A_419 : i32 to vector<16xi32>
          %parallel_loop3A_421 = arith.muli %parallel_loop3A_416, %parallel_loop3A_420 : vector<16xi32>
          %parallel_loop3A_422 = vector.broadcast %parallel_loop3A_414 : i32 to vector<16xi32>
          %parallel_loop3A_423 = arith.addi %iota3A, %parallel_loop3A_422 : vector<16xi32>
          %parallel_loop3A_424 = arith.addi %parallel_loop3A_421, %parallel_loop3A_423 : vector<16xi32>
          %parallel_loop3A_425 = tpu.vector_load_idx %arg7[%parallel_loop3A_424] : memref<32000xf32, #tpu.memory_space<vmem>>[vector<16xi32>], vector<16xf32>,
          tpu.vector_store_idx %arg17[%parallel_loop3A_418], %parallel_loop3A_425 {add = true} : memref<16xf32, #tpu.memory_space<vmem>>[vector<16xi32>], vector<16xf32>,
          tpu.vector_store_idx %arg25[%parallel_loop3A_418], %broadcast_in_dim3A_1 {add = true} : memref<16xf32, #tpu.memory_space<vmem>>[vector<16xi32>], vector<16xf32>,
          %parallel_loop3A_426 = arith.constant 6 : i32
          %parallel_loop3A_427 = arith.addi %parallel_loop3A_335, %parallel_loop3A_426 : i32
          %parallel_loop3A_428 = arith.constant 16 : i32
          %parallel_loop3A_429 = arith.muli %parallel_loop3A_427, %parallel_loop3A_428 : i32
          %parallel_loop3A_430 = arith.index_cast %parallel_loop3A_429 : i32 to index
          %parallel_loop3A_431 = tpu.vector_load %arg9[%parallel_loop3A_430] {strides = array<i32>} : memref<3200xi32, #tpu.memory_space<vmem>>, vector<16xi32>,
          %parallel_loop3A_432 = arith.index_cast %parallel_loop3A_429 : i32 to index
          %parallel_loop3A_433 = tpu.vector_load %arg11[%parallel_loop3A_432] {strides = array<i32>} : memref<3200xi32, #tpu.memory_space<vmem>>, vector<16xi32>,
          %parallel_loop3A_434 = arith.constant 3200 : i32
          %parallel_loop3A_435 = vector.broadcast %parallel_loop3A_434 : i32 to vector<16xi32>
          %parallel_loop3A_436 = arith.muli %parallel_loop3A_431, %parallel_loop3A_435 : vector<16xi32>
          %parallel_loop3A_437 = vector.broadcast %parallel_loop3A_429 : i32 to vector<16xi32>
          %parallel_loop3A_438 = arith.addi %iota3A, %parallel_loop3A_437 : vector<16xi32>
          %parallel_loop3A_439 = arith.addi %parallel_loop3A_436, %parallel_loop3A_438 : vector<16xi32>
          %parallel_loop3A_440 = tpu.vector_load_idx %arg7[%parallel_loop3A_439] : memref<32000xf32, #tpu.memory_space<vmem>>[vector<16xi32>], vector<16xf32>,
          tpu.vector_store_idx %arg18[%parallel_loop3A_433], %parallel_loop3A_440 {add = true} : memref<16xf32, #tpu.memory_space<vmem>>[vector<16xi32>], vector<16xf32>,
          tpu.vector_store_idx %arg26[%parallel_loop3A_433], %broadcast_in_dim3A_1 {add = true} : memref<16xf32, #tpu.memory_space<vmem>>[vector<16xi32>], vector<16xf32>,
          %parallel_loop3A_441 = arith.constant 7 : i32
          %parallel_loop3A_442 = arith.addi %parallel_loop3A_335, %parallel_loop3A_441 : i32
          %parallel_loop3A_443 = arith.constant 16 : i32
          %parallel_loop3A_444 = arith.muli %parallel_loop3A_442, %parallel_loop3A_443 : i32
          %parallel_loop3A_445 = arith.index_cast %parallel_loop3A_444 : i32 to index
          %parallel_loop3A_446 = tpu.vector_load %arg9[%parallel_loop3A_445] {strides = array<i32>} : memref<3200xi32, #tpu.memory_space<vmem>>, vector<16xi32>,
          %parallel_loop3A_447 = arith.index_cast %parallel_loop3A_444 : i32 to index
          %parallel_loop3A_448 = tpu.vector_load %arg11[%parallel_loop3A_447] {strides = array<i32>} : memref<3200xi32, #tpu.memory_space<vmem>>, vector<16xi32>,
          %parallel_loop3A_449 = arith.constant 3200 : i32
          %parallel_loop3A_450 = vector.broadcast %parallel_loop3A_449 : i32 to vector<16xi32>
          %parallel_loop3A_451 = arith.muli %parallel_loop3A_446, %parallel_loop3A_450 : vector<16xi32>
          %parallel_loop3A_452 = vector.broadcast %parallel_loop3A_444 : i32 to vector<16xi32>
          %parallel_loop3A_453 = arith.addi %iota3A, %parallel_loop3A_452 : vector<16xi32>
          %parallel_loop3A_454 = arith.addi %parallel_loop3A_451, %parallel_loop3A_453 : vector<16xi32>
          %parallel_loop3A_455 = tpu.vector_load_idx %arg7[%parallel_loop3A_454] : memref<32000xf32, #tpu.memory_space<vmem>>[vector<16xi32>], vector<16xf32>,
          tpu.vector_store_idx %arg19[%parallel_loop3A_448], %parallel_loop3A_455 {add = true} : memref<16xf32, #tpu.memory_space<vmem>>[vector<16xi32>], vector<16xf32>,
          tpu.vector_store_idx %arg27[%parallel_loop3A_448], %broadcast_in_dim3A_1 {add = true} : memref<16xf32, #tpu.memory_space<vmem>>[vector<16xi32>], vector<16xf32>,
        } {sc.loop_unroll_factor = 1 : i64, sc.parallel_access}
        %get3A = arith.constant 0 : index
        %get3A_280 = tpu.vector_load %arg12[%get3A] {strides = array<i32>} : memref<16xf32, #tpu.memory_space<vmem>>, vector<16xf32>,
        %get3A_281 = arith.constant 0 : index
        %get3A_282 = tpu.vector_load %arg20[%get3A_281] {strides = array<i32>} : memref<16xf32, #tpu.memory_space<vmem>>, vector<16xf32>,
        %get3A_283 = arith.constant 0 : index
        %get3A_284 = tpu.vector_load %arg13[%get3A_283] {strides = array<i32>} : memref<16xf32, #tpu.memory_space<vmem>>, vector<16xf32>,
        %add3A_285 = arith.addf %get3A_280, %get3A_284 : vector<16xf32>
        %get3A_286 = arith.constant 0 : index
        %get3A_287 = tpu.vector_load %arg21[%get3A_286] {strides = array<i32>} : memref<16xf32, #tpu.memory_space<vmem>>, vector<16xf32>,
        %add3A_288 = arith.addf %get3A_282, %get3A_287 : vector<16xf32>
        %get3A_289 = arith.constant 0 : index
        %get3A_290 = tpu.vector_load %arg14[%get3A_289] {strides = array<i32>} : memref<16xf32, #tpu.memory_space<vmem>>, vector<16xf32>,
        %add3A_291 = arith.addf %add3A_285, %get3A_290 : vector<16xf32>
        %get3A_292 = arith.constant 0 : index
        %get3A_293 = tpu.vector_load %arg22[%get3A_292] {strides = array<i32>} : memref<16xf32, #tpu.memory_space<vmem>>, vector<16xf32>,
        %add3A_294 = arith.addf %add3A_288, %get3A_293 : vector<16xf32>
        %get3A_295 = arith.constant 0 : index
        %get3A_296 = tpu.vector_load %arg15[%get3A_295] {strides = array<i32>} : memref<16xf32, #tpu.memory_space<vmem>>, vector<16xf32>,
        %add3A_297 = arith.addf %add3A_291, %get3A_296 : vector<16xf32>
        %get3A_298 = arith.constant 0 : index
        %get3A_299 = tpu.vector_load %arg23[%get3A_298] {strides = array<i32>} : memref<16xf32, #tpu.memory_space<vmem>>, vector<16xf32>,
        %add3A_300 = arith.addf %add3A_294, %get3A_299 : vector<16xf32>
        %get3A_301 = arith.constant 0 : index
        %get3A_302 = tpu.vector_load %arg16[%get3A_301] {strides = array<i32>} : memref<16xf32, #tpu.memory_space<vmem>>, vector<16xf32>,
        %add3A_303 = arith.addf %add3A_297, %get3A_302 : vector<16xf32>
        %get3A_304 = arith.constant 0 : index
        %get3A_305 = tpu.vector_load %arg24[%get3A_304] {strides = array<i32>} : memref<16xf32, #tpu.memory_space<vmem>>, vector<16xf32>,
        %add3A_306 = arith.addf %add3A_300, %get3A_305 : vector<16xf32>
        %get3A_307 = arith.constant 0 : index
        %get3A_308 = tpu.vector_load %arg17[%get3A_307] {strides = array<i32>} : memref<16xf32, #tpu.memory_space<vmem>>, vector<16xf32>,
        %add3A_309 = arith.addf %add3A_303, %get3A_308 : vector<16xf32>
        %get3A_310 = arith.constant 0 : index
        %get3A_311 = tpu.vector_load %arg25[%get3A_310] {strides = array<i32>} : memref<16xf32, #tpu.memory_space<vmem>>, vector<16xf32>,
        %add3A_312 = arith.addf %add3A_306, %get3A_311 : vector<16xf32>
        %get3A_313 = arith.constant 0 : index
        %get3A_314 = tpu.vector_load %arg18[%get3A_313] {strides = array<i32>} : memref<16xf32, #tpu.memory_space<vmem>>, vector<16xf32>,
        %add3A_315 = arith.addf %add3A_309, %get3A_314 : vector<16xf32>
        %get3A_316 = arith.constant 0 : index
        %get3A_317 = tpu.vector_load %arg26[%get3A_316] {strides = array<i32>} : memref<16xf32, #tpu.memory_space<vmem>>, vector<16xf32>,
        %add3A_318 = arith.addf %add3A_312, %get3A_317 : vector<16xf32>
        %get3A_319 = arith.constant 0 : index
        %get3A_320 = tpu.vector_load %arg19[%get3A_319] {strides = array<i32>} : memref<16xf32, #tpu.memory_space<vmem>>, vector<16xf32>,
        %add3A_321 = arith.addf %add3A_315, %get3A_320 : vector<16xf32>
        %get3A_322 = arith.constant 0 : index
        %get3A_323 = tpu.vector_load %arg27[%get3A_322] {strides = array<i32>} : memref<16xf32, #tpu.memory_space<vmem>>, vector<16xf32>,
        %add3A_324 = arith.addf %add3A_318, %get3A_323 : vector<16xf32>
        %get3A_325 = arith.constant 0 : index
        %get3A_326 = tpu.vector_load %arg28[%get3A_325] {strides = array<i32>} : memref<16xf32, #tpu.memory_space<vmem>>, vector<16xf32>,
        %add3A_327 = arith.addf %get3A_326, %add3A_321 : vector<16xf32>
        %swap3A_328 = arith.constant 0 : index
        %swap3A_329 = tpu.vector_load %arg28[%swap3A_328] {strides = array<i32>} : memref<16xf32, #tpu.memory_space<vmem>>, vector<16xf32>,
        tpu.vector_store %arg28[%swap3A_328], %add3A_327 {strides = array<i32>} : memref<16xf32, #tpu.memory_space<vmem>>, vector<16xf32>,
        %get3A_330 = arith.constant 0 : index
        %get3A_331 = tpu.vector_load %arg29[%get3A_330] {strides = array<i32>} : memref<16xf32, #tpu.memory_space<vmem>>, vector<16xf32>,
        %add3A_332 = arith.addf %get3A_331, %add3A_324 : vector<16xf32>
        %swap3A_333 = arith.constant 0 : index
        %swap3A_334 = tpu.vector_load %arg29[%swap3A_333] {strides = array<i32>} : memref<16xf32, #tpu.memory_space<vmem>>, vector<16xf32>,
        tpu.vector_store %arg29[%swap3A_333], %add3A_332 {strides = array<i32>} : memref<16xf32, #tpu.memory_space<vmem>>, vector<16xf32>,
      } else {
      }
    }
    %scan3A_112 = arith.constant 10 : i32
    %mul3A_113 = arith.constant 2 : i32
    %mul3A_114 = arith.muli %add3A, %mul3A_113 : i32
    %mul3A_115 = arith.constant 16 : i32
    %mul3A_116 = arith.muli %mul3A_114, %mul3A_115 : i32
    "tpu.region"() ({
      %run_scoped3A = tpu.sem_alloc : memref<!tpu.dma_semaphore, #tpu.memory_space<semaphore_mem>>
      %dma_start3A_123 = tpu.memref_slice %arg5[%mul3A_116] : memref<1024xf32, #tpu.memory_space<hbm>> -> memref<16xf32, #tpu.memory_space<hbm>>
      %dma_start3A_124 = tpu.memref_slice %arg5[%mul3A_116] : memref<1024xf32, #tpu.memory_space<hbm>> -> memref<16xf32, #tpu.memory_space<hbm>>
      tpu.enqueue_dma source(%arg28 : memref<16xf32, #tpu.memory_space<vmem>>) target(%dma_start3A_124 : memref<16xf32, #tpu.memory_space<hbm>>) target_semaphore(%run_scoped3A : memref<!tpu.dma_semaphore, #tpu.memory_space<semaphore_mem>>)
      %dma_wait3A = tpu.memref_slice %arg5[%mul3A_116] : memref<1024xf32, #tpu.memory_space<hbm>> -> memref<16xf32, #tpu.memory_space<hbm>>
      %dma_wait3A_125 = tpu.memref_slice %arg5[%mul3A_116] : memref<1024xf32, #tpu.memory_space<hbm>> -> memref<16xf32, #tpu.memory_space<hbm>>
      tpu.wait_dma2 semaphore(%run_scoped3A : memref<!tpu.dma_semaphore, #tpu.memory_space<semaphore_mem>>) src(%arg28 : memref<16xf32, #tpu.memory_space<vmem>>) dst(%dma_wait3A_125 : memref<16xf32, #tpu.memory_space<hbm>>)
      tpu.yield
    }) : () -> ()
    %mul3A_117 = arith.constant 2 : i32
    %mul3A_118 = arith.muli %add3A, %mul3A_117 : i32
    %mul3A_119 = arith.constant 16 : i32
    %mul3A_120 = arith.muli %mul3A_118, %mul3A_119 : i32
    %add3A_121 = arith.constant 16 : i32
    %add3A_122 = arith.addi %mul3A_120, %add3A_121 : i32
    "tpu.region"() ({
      %run_scoped3A = tpu.sem_alloc : memref<!tpu.dma_semaphore, #tpu.memory_space<semaphore_mem>>
      %dma_start3A_123 = tpu.memref_slice %arg5[%add3A_122] : memref<1024xf32, #tpu.memory_space<hbm>> -> memref<16xf32, #tpu.memory_space<hbm>>
      %dma_start3A_124 = tpu.memref_slice %arg5[%add3A_122] : memref<1024xf32, #tpu.memory_space<hbm>> -> memref<16xf32, #tpu.memory_space<hbm>>
      tpu.enqueue_dma source(%arg29 : memref<16xf32, #tpu.memory_space<vmem>>) target(%dma_start3A_124 : memref<16xf32, #tpu.memory_space<hbm>>) target_semaphore(%run_scoped3A : memref<!tpu.dma_semaphore, #tpu.memory_space<semaphore_mem>>)
      %dma_wait3A = tpu.memref_slice %arg5[%add3A_122] : memref<1024xf32, #tpu.memory_space<hbm>> -> memref<16xf32, #tpu.memory_space<hbm>>
      %dma_wait3A_125 = tpu.memref_slice %arg5[%add3A_122] : memref<1024xf32, #tpu.memory_space<hbm>> -> memref<16xf32, #tpu.memory_space<hbm>>
      tpu.wait_dma2 semaphore(%run_scoped3A : memref<!tpu.dma_semaphore, #tpu.memory_space<semaphore_mem>>) src(%arg29 : memref<16xf32, #tpu.memory_space<vmem>>) dst(%dma_wait3A_125 : memref<16xf32, #tpu.memory_space<hbm>>)
      tpu.yield
    }) : () -> ()
    return
  }
}

</mosaic_0001>

<sc_bundles>
// kernel: kernel.3.cloned.1.call-start
scs
__scs_entry_jumppad:
0x0: {  	(pc) =	sbr.rel $0x88, $3  }
0x1: {  	(tag) =	ssettag $0x0;
	lr =	simm.s32 $0x1  }
0x2: {  	[smem:$0x3F9E] =	sst lr;
	_ =	strace $0xD0000000  }
0x3: {  	_ = 	snop  }
0x4: {  	_ = 	snop  }
0x5: {  	_ = 	snop  }
0x6: {  	_ = 	snop  }
0x7: {  	_ = 	snop  }
__scs_overlays_trampoline_lowered:
0x8: {  	[smem:$0x3FAD] =	sst s0  }
0x9: {  	[smem:$0x3FAE] =	sst s1  }
0xa: {  	[smem:$0x3FAF] =	sst s2  }
0xb: {  	[smem:$0x3FB0] =	sst s3  }
0xc: {  	[smem:$0x3FB1] =	sst s4  }
0xd: {  	[smem:$0x3FB2] =	sst s5  }
0xe: {  	[smem:$0x3FB3] =	sst s6  }
0xf: {  	[smem:$0x3FB4] =	sst s7  }
0x10: {  	[smem:$0x3FB5] =	sst s8  }
0x11: {  	[smem:$0x3FB6] =	sst s9;
	s0 =	simm.s32 @!p0 $0x0  }
0x12: {  	s1 =	sld [smem:$0x3F9C];
	s0 =	simm.s32 @p0 $0x1  }
0x13: {  	[smem:$0x3FB7] =	sst s0;
	s0 =	simm.s32 @!p1 $0x0  }
0x14: {  	s2 =	sld [smem:$0x3F9B];
	s0 =	simm.s32 @p1 $0x1  }
0x15: {  	[smem:$0x3FB8] =	sst s0;
	s0 =	simm.s32 @!p2 $0x0  }
0x16: {  	s3 =	sld [smem:$0x3FDB];
	s0 =	simm.s32 @p2 $0x1  }
0x17: {  	s4 =	simm.s32 $0x1BF5;
	[smem:$0x3FBA] =	sst s0  }
0x18: {  	s0 =	sld [smem:$0x3F9D];
	_ =	swait.ge [sflag:s4], $0x0  }
0x19: {  	s7 =	sld [smem:$0x3F9E]  }
0x1a: {  	s8 =	sadd.s32 $0xFFFFE003, lr  }
0x1b: {  	s9 =	sadd.s32 $0xFFFFFEF7, lr;
	s5 =	simm.s32 $0xFFFFFFFF;
	p2 =	slt.u32 s8, $0xFFFFF086  }
0x1c: {  	p1 =	slt.u32 s9, $0xF7A;
	s5 =	simm.s32 @!p2 $0x0  }
0x1d: {  	s5 =	simm.s32 @p1 $0x1;
	p0 =	seq.s32 s7, s2  }
0x1e: {  	s7 =	smul.u32 @!p0 $0xF7A, s2;
	p2 =	seq.s32 @!p0 s5, $0x0  }
0x1f: {  	s9 =	smul.u32 $0xF7A, s1;
	s8 =	simm.s32 @!p0 $0x1BF5;
	p2 =	por !p2, p0  }
0x20: {  	[sflag:s8] =	ssyncset.s32 @!p0 $0xFFFFF086;
	s6 =	sadd.s32 @!p0 s3, s7;
	s7 =	simm.s32 @!p0 $0x108  }
0x21: {  	s3 =	sadd.s32 s3, s9;
	s6 =	sadd.s32 @!p0 $0x88, s6;
	s7 =	simm.s32 @p2 $0x1082  }
0x22: {  	[simem:s7], [sflag:s8] =	dma.local @!p0 [hbm:s6], $0xF7A  }
0x23: {  	s9 =	sor.u32 $0xD0000000, s2;
	s6 =	simm.s32 $0x108;
	_ =	swait.ge @!p0 [sflag:s8], $0x0  }
0x24: {  	s3 =	sadd.s32 $0x88, s3;
	s6 =	simm.s32 @!p1 $0x1082;
	[sflag:s4] =	ssyncset.s32 $0xFFFFF086  }
0x25: {  	[simem:s6], [sflag:s4] =	dma.local [hbm:s3], $0xF7A  }
0x26: {  	[smem:$0x3F9E] =	sst s1;
	(tag) =	ssettag s2;
	_ =	strace s9  }
0x27: {  	s1 =	sld [smem:$0x3FAE]  }
0x28: {  	s2 =	sld [smem:$0x3FAF]  }
0x29: {  	s4 =	sld [smem:$0x3FB1]  }
0x2a: {  	p0 =	seq.s32 s5, $0x0;
	s5 =	sld [smem:$0x3FB2]  }
0x2b: {  	s6 =	sld [smem:$0x3FB3]  }
0x2c: {  	s7 =	sld [smem:$0x3FB4]  }
0x2d: {  	s3 =	simm.s32 $0x108;
	s8 =	sld [smem:$0x3FB5]  }
0x2e: {  	s3 =	simm.s32 @!p0 $0x1082;
	s9 =	sld [smem:$0x3FB6]  }
0x2f: {  	lr =	sadd.s32 s0, s3;
	s0 =	sld [smem:$0x3FAD]  }
0x30: {  	s3 =	sld [smem:$0x3FB0]  }
0x31: {  	[smem:$0x3FB9] =	sst s10  }
0x32: {  	s10 =	sld [smem:$0x3FB7];
	_ =	sdelay $0x3  }
0x33: {  	p0 =	seq.s32 s10, $0x1;
	s10 =	sld [smem:$0x3FB9];
	_ =	sdelay $0x3  }
0x34: {  	[smem:$0x3FB9] =	sst s10  }
0x35: {  	s10 =	sld [smem:$0x3FB8];
	_ =	sdelay $0x3  }
0x36: {  	p1 =	seq.s32 s10, $0x1;
	s10 =	sld [smem:$0x3FB9];
	_ =	sdelay $0x3  }
0x37: {  	[smem:$0x3FB9] =	sst s10  }
0x38: {  	s10 =	sld [smem:$0x3FBA]  }
0x39: {  	_ = 	snop;
	(pc) =	sbr.ind lr, $3  }
0x3a: {  	_ = 	snop  }
0x3b: {  	_ = 	snop  }
0x3c: {  	p2 =	seq.s32 s10, $0x1;
	s10 =	sld [smem:$0x3FB9]  }
0x3d: {  	_ =	shalt  }
0x3e: {  	_ =	shalt  }
0x3f: {  	_ =	shalt  }
0x40: {  	_ =	shalt  }
0x41: {  	_ =	shalt  }
0x42: {  	_ =	shalt  }
0x43: {  	_ =	shalt  }
0x44: {  	_ =	shalt  }
0x45: {  	_ =	shalt  }
0x46: {  	_ =	shalt  }
0x47: {  	_ =	shalt  }
0x48: {  	_ =	shalt  }
0x49: {  	_ =	shalt  }
0x4a: {  	_ =	shalt  }
0x4b: {  	_ =	shalt  }
0x4c: {  	_ =	shalt  }
0x4d: {  	_ =	shalt  }
0x4e: {  	_ =	shalt  }
0x4f: {  	_ =	shalt  }
0x50: {  	_ =	shalt  }
0x51: {  	_ =	shalt  }
0x52: {  	_ =	shalt  }
0x53: {  	_ =	shalt  }
0x54: {  	_ =	shalt  }
0x55: {  	_ =	shalt  }
0x56: {  	_ =	shalt  }
0x57: {  	_ =	shalt  }
0x58: {  	_ =	shalt  }
0x59: {  	_ =	shalt  }
0x5a: {  	_ =	shalt  }
0x5b: {  	_ =	shalt  }
0x5c: {  	_ =	shalt  }
0x5d: {  	_ =	shalt  }
0x5e: {  	_ =	shalt  }
0x5f: {  	_ =	shalt  }
0x60: {  	_ =	shalt  }
0x61: {  	_ =	shalt  }
0x62: {  	_ =	shalt  }
0x63: {  	_ =	shalt  }
0x64: {  	_ =	shalt  }
0x65: {  	_ =	shalt  }
0x66: {  	_ =	shalt  }
0x67: {  	_ =	shalt  }
0x68: {  	_ =	shalt  }
0x69: {  	_ =	shalt  }
0x6a: {  	_ =	shalt  }
0x6b: {  	_ =	shalt  }
0x6c: {  	_ =	shalt  }
0x6d: {  	_ =	shalt  }
0x6e: {  	_ =	shalt  }
0x6f: {  	_ =	shalt  }
0x70: {  	_ =	shalt  }
0x71: {  	_ =	shalt  }
0x72: {  	_ =	shalt  }
0x73: {  	_ =	shalt  }
0x74: {  	_ =	shalt  }
0x75: {  	_ =	shalt  }
0x76: {  	_ =	shalt  }
0x77: {  	_ =	shalt  }
0x78: {  	_ =	shalt  }
0x79: {  	_ =	shalt  }
0x7a: {  	_ =	shalt  }
0x7b: {  	_ =	shalt  }
0x7c: {  	_ =	shalt  }
0x7d: {  	_ =	shalt  }
0x7e: {  	_ =	shalt  }
0x7f: {  	_ =	shalt  }
0x80: {  	_ =	shalt  }
0x81: {  	_ =	shalt  }
0x82: {  	_ =	shalt  }
0x83: {  	_ =	shalt  }
0x84: {  	_ =	shalt  }
0x85: {  	_ =	shalt  }
0x86: {  	_ =	shalt  }
0x87: {  	_ =	shalt  }
.Lfunc_end0:
.L_simem_size_0:
called_computation_lowered:
.L_overlay_start_0:
0x88: {  	s2 =	sld [smem:$0x3FD9]  }
0x89: {  	s3 =	sld [smem:$0x3FFE];
	_ =	sdelay $0x1  }
0x8a: {  	s1 =	srdreg.scid  }
0x8b: {  	s0 =	sand.u32 $0x1, s1  }
0x8c: {  	s17 =	sshll.u32 s0, $0xA;
	s2 =	sadd.s32 s3, s2  }
0x8d: {  	s2 =	sadd.s32 s2, s17  }
0x8e: {  	[smem:$0x3FC5] =	sst s2  }
0x8f: {  	_ = 	snop  }
0x90: {  	s2 =	sld [smem:$0x3FC9]  }
0x91: {  	s18 =	sld [smem:$0x3FC8]  }
0x92: {  	s4 =	sld [smem:$0x3FC7];
	(tm) =	ssettm $0x1  }
0x93: {  	s5 =	sld [smem:$0x3FFB];
	_ =	sdelay $0x3  }
0x94: {  	_ =	strace s5  }
0x95: {  	s5 =	sld [smem:$0x3FFC];
	_ =	sdelay $0x3  }
0x96: {  	_ =	strace s5  }
0x97: {  	s5 =	sld [smem:$0x3FFD];
	_ =	sdelay $0x3  }
0x98: {  	_ =	strace s5  }
0x99: {  	_ =	strace $0x8FFFFFFF  }
0x9a: {  	s19 =	sld [smem:$0x3FDB];
	_ =	sdelay $0x1  }
0x9b: {  	s6 =	simm.s32 $_scs_section_size  }
0x9c: {  	s7 =	simm.s32 $_size__tile_overlayer_lowered;
	s8 =	simm.s32 $_tile_overlayer_lowered  }
0x9d: {  	s22 =	simm.s32 $0x1BFF;
	s21 =	sshll.u32 s8, $0x1;
	s5 =	sadd.s32 s6, s19  }
0x9e: {  	s9 =	simm.s32 $0x0;
	s20 =	sshll.u32 s7, $0x1;
	s7 =	sadd.s32 s21, s5  }
0x9f: {  	[timem:s9], [sflag:s22] =	dma.local [hbm:s7], s20  }
0xa0: {  	_ =	swait.ge [sflag:s22], s20  }
0xa1: {  	s6 =	ssub.s32 $0x0, s20;
	[sflag:s22] =	ssyncset.done $0x0  }
0xa2: {  	[sflag:s22] =	ssyncadd.s32 s6;
	_ =	sdelay $0x1  }
0xa3: {  	s23 =	simm.s32 $0x1B8B  }
0xa4: {  	_ =	swait.ge [sflag:s23], $0x1  }
0xa5: {  	[sflag:s23] =	ssyncset.done $0x0  }
0xa6: {  	s25 =	simm.s32 $0x1B8E;
	s24 =	sld [smem:$0x3FFE];
	[sflag:s23] =	ssyncadd.s32 $0xFFFFFFFF  }
0xa7: {  	s26 =	simm.s32 $execute0_lowered;
	[smem:$0x3FD2] =	sst s25  }
0xa8: {  	s7 =	sshll.u32 s26, $0x1;
	_ =	strace $0x80000046;
	[dreg:$0x1] =	wrdreg $0xFFFFFFFF  }
0xa9: {  	s28 =	simm.s32 $_size_execute0_lowered;
	s5 =	sadd.s32 s5, s7;
	[dreg:$0x0] =	wrdreg $0x0  }
0xaa: {  	s7 =	sshll.u32 s28, $0x1;
	[dreg:$0x2] =	wrdreg s5  }
0xab: {  	[dreg:$0x3] =	wrdreg s7  }
0xac: {  	[dreg:$0x4] =	wrdreg $0xC0  }
0xad: {  	_ =	task [dreg:s9], $0x5FFFF  }
0xae: {  	[dreg:$0x1] =	wrdreg $0xFFFFFFFF  }
0xaf: {  	[dreg:$0x0] =	wrdreg $0x60  }
0xb0: {  	[dreg:$0x2] =	wrdreg s2  }
0xb1: {  	[dreg:$0x3] =	wrdreg s18  }
0xb2: {  	[dreg:$0x4] =	wrdreg s4  }
0xb3: {  	[dreg:$0x5] =	wrdreg s24  }
0xb4: {  	[dreg:$0x6] =	wrdreg $0x9  }
0xb5: {  	_ =	task.clear_ibuf [dreg:s9], $0x7FFFF;
	_ =	strace $0x90000046  }
0xb6: {  	s29 =	simm.s32 $0x9;
	_ =	strace $0x80000048  }
0xb7: {  	_ =	swait.ge [sflag:s29], $0x1  }
0xb8: {  	[sflag:s29] =	ssyncadd.s32 $0xFFFFFFFF  }
0xb9: {  	_ =	strace $0x90000048  }
0xba: {  	_ =	sfence  }
0xbb: {  	s30 =	sld [smem:$0x0];
	_ =	sdelay $0x2  }
0xbc: {  	s31 =	sshll.u32 s1, $0xD;
	s1 =	sshrl.u32 s1, $0x2  }
0xbd: {  	s3 =	sand.u32 $0x4000, s31;
	s1 =	sadd.s32 s1, s30  }
0xbe: {  	s0 =	sor.u32 s3, s0;
	s1 =	sshll.u32 s1, $0x11  }
0xbf: {  	s0 =	sor.u32 s1, s0  }
0xc0: {  	s0 =	sadd.s32 $0x8F2B, s0  }
0xc1: {  	[sflag:s0] =	ssyncadd.remote.s32 $0x1  }
0xc2: {  	_ =	sfence.sel $0xFFFF  }
0xc3: {  	[dreg:$0x0] =	wrdreg $0xFFFFFFFF;
	(pc) =	sbr.abs _section_cstart, $3  }
0xc4: {  	[dreg:$0x1] =	wrdreg $0xFFFFFFFF  }
0xc5: {  	_ =	task.clear_ibuf [dreg:s9], $0x2FFFF;
	_ =	strace $0x9FFFFFFF  }
0xc6: {  	(tm) =	ssettm $0x7FFFFFFF  }
0xc7: {  	_ =	shalt  }
tec
execute0_lowered:
.L_overlay_start_1:
0x0: {  	(tag) =	ssettag $0x1  }
0x1: {  	s11 =	rddreg [dreg:$0x0]  }
0x2: {  	s12 =	rddreg [dreg:$0x1]  }
0x3: {  	s13 =	rddreg [dreg:$0x2]  }
0x4: {  	s0 =	rddreg [dreg:$0x3];
	s1 =	srdreg.scid;
	s5 =	simm.s32 $0x0  }
0x5: {  	s2 =	stileid.u32;
	[smem:$0x7FF] =	sst s5;
	s16 =	sadd.s32 $0x10, s11  }
0x6: {  	s17 =	sadd.s32 $0x20, s11;
	_ =	strace $0x80000047;
	[dreg:$0x8] =	wrdreg s16  }
0x7: {  	s15 =	simm.s32 $0x14;
	s18 =	sadd.s32 $0x30, s11;
	[dreg:$0x9] =	wrdreg s17  }
0x8: {  	s1 =	sand.u32 $0x1, s1;
	s19 =	sadd.s32 $0x40, s11;
	[dreg:$0xc] =	wrdreg s18  }
0x9: {  	s2 =	sshll.u32 s2, $0x1;
	s20 =	sadd.s32 $0x50, s11;
	[dreg:$0xe] =	wrdreg s19  }
0xa: {  	s22 =	sadd.s32 $0x60, s11;
	s23 =	sadd.s32 $0x70, s11;
	[dreg:$0xf] =	wrdreg s20  }
0xb: {  	s14 =	sor.u32 s1, s2;
	s1 =	ssub.s32 $0x2, s1;
	[dreg:$0x12] =	wrdreg s22  }
0xc: {  	[dreg:$0x13] =	wrdreg s23;
	p0 =	slt.u32 s14, $0x11;
	s9 =	smul.u32 $0x190, s14  }
0xd: {  	s2 =	smul.u32 $0x6400, s14;
	[dreg:$0x5] =	wrdreg s14;
	s15 =	simm.s32 @!p0 $0x13  }
0xe: {  	s3 =	sshrl.u32 s1, $0x1;
	s21 =	sadd.s32 s12, s9;
	[dreg:$0x6] =	wrdreg s15  }
0xf: {  	s1 =	ssub.s32 s1, s3;
	s24 =	sadd.s32 s13, s9;
	[dreg:$0x17] =	wrdreg s21  }
0x10: {  	s2 =	sshrl.u32 s2, $0x3;
	s1 =	smax.u32 s1, $0x1;
	[dreg:$0x18] =	wrdreg s24  }
0x11: {  	s25 =	sadd.s32 s2, s16;
	[dreg:$0x19] =	wrdreg s1  }
0x12: {  	s28 =	simm.s32 $0x13080;
	s26 =	sadd.s32 s2, s17;
	[dreg:$0xa] =	wrdreg s25  }
0x13: {  	s29 =	simm.s32 $0x12D00;
	s4 =	sadd.s32 s2, s18;
	[dreg:$0xb] =	wrdreg s26  }
0x14: {  	s31 =	simm.s32 $0x13180;
	s7 =	sadd.s32 s2, s19;
	[dreg:$0xd] =	wrdreg s4  }
0x15: {  	s30 =	simm.s32 $0x12E00;
	s8 =	sadd.s32 s2, s20;
	[dreg:$0x10] =	wrdreg s7  }
0x16: {  	s3 =	simm.s32 $0x0;
	s10 =	sadd.s32 s2, s22;
	[dreg:$0x11] =	wrdreg s8  }
0x17: {  	s6 =	sadd.s32 s11, s2;
	s2 =	sadd.s32 s2, s23;
	[dreg:$0x15] =	wrdreg s10  }
0x18: {  	s24 =	simm.s32 $0x13000;
	s21 =	simm.s32 $0x13100;
	[dreg:$0x16] =	wrdreg s2  }
.Ltmp0:
0x19: {  	s25 =	sadd.s32 $0x1E8480, s6;
	[dreg:$0x7] =	wrdreg s6;
	(pc) =	sbr.rel .LBB2_1-.Ltmp0, $4  }
0x1a: {  	s4 =	sshll.u32 s14, $0x2;
	s26 =	sadd.s32 $0x1E8490, s6;
	[dreg:$0x1a] =	wrdreg s25  }
0x1b: {  	s8 =	simm.s32 $0x12D80;
	s0 =	sadd.s32 s0, s4;
	[dreg:$0x1b] =	wrdreg s26  }
0x1c: {  	s2 =	simm.s32 $0x7D00;
	[dreg:$0x14] =	wrdreg s0;
	s0 =	sadd.s32 $0x2, s0  }
0x1d: {  	v0 =	vimm.f32 $0.0e+00;
	v1 =	vlaneseq.u32;
	v2 =	vimm.f32 $1.000000000e+00;
	s26 =	simm.s32 $0x12C00;
	s25 =	simm.s32 $0x12C80;
	[dreg:$0x1c] =	wrdreg s0  }
.LBB2_11:
0x1e: {  	s0 =	rddreg [dreg:$0x14];
	s1 =	simm.s32 $0x13400;
	s6 =	simm.s32 $0x3  }
0x1f: {  	[hbm4b:s0+s5] =	stream.linear.scatter [tilespmem:s1], [sflag:$0x3], $0x10, $0x38;
	[tilespmem:$0x13500] =	vst v63  }
0x20: {  	_ =	swait.ge [sflag:s6], $0x10  }
0x21: {  	[sflag:s6] =	ssyncset.done $0x0  }
0x22: {  	s3 =	simm.s32 $0x13480;
	s7 =	rddreg [dreg:$0x1c];
	[sflag:s6] =	ssyncadd.s32 $0xFFFFFFF0  }
0x23: {  	[hbm4b:s7+s5] =	stream.linear.scatter [tilespmem:s3], [sflag:$0x3], $0x10, $0x38;
	[tilespmem:$0x13500] =	vst v63  }
0x24: {  	_ =	swait.ge [sflag:s6], $0x10  }
0x25: {  	s9 =	rddreg [dreg:$0x1d]  }
0x26: {  	s10 =	rddreg [dreg:$0x19];
	s3 =	sadd.s32 $0x1, s9  }
0x27: {  	p0 =	sne.s32 s3, s10  }
.Ltmp1:
0x28: {  	_ = 	snop;
	(pc) =	sbr.rel @!p0 .LBB2_12-.Ltmp1, $3  }
0x29: {  	_ =	sdelay $0x1  }
0x2a: {  	[sflag:s6] =	ssyncset.done $0x0  }
0x2b: {  	[sflag:s6] =	ssyncadd.s32 $0xFFFFFFF0  }
.LBB2_1:
0x2c: {  	[dreg:$0x1d] =	wrdreg s3;
	[tilespmem:$0x13400] =	vst v0  }
0x2d: {  	[tilespmem:$0x13480] =	vst v0;
	s0 =	rddreg [dreg:$0x7];
	s1 =	simm.s32 $0x80;
	s3 =	simm.s32 $0x400  }
0x2e: {  	[tilespmem:s5], [sflag:$0x1] =	stream.strided.gather [hbm4b:s0+s1], $0xC80, s3, s1, $0x38;
	[tilespmem:$0x13500] =	vst v63  }
0x2f: {  	s10 =	rddreg [dreg:$0xa];
	s4 =	simm.s32 $0xC80  }
0x30: {  	[tilespmem:s4], [sflag:$0x1] =	stream.strided.gather [hbm4b:s10+s1], $0xC80, s3, s1, $0x38;
	[tilespmem:$0x13500] =	vst v63  }
0x31: {  	s6 =	rddreg [dreg:$0xb];
	s7 =	simm.s32 $0x1900  }
0x32: {  	[tilespmem:s7], [sflag:$0x1] =	stream.strided.gather [hbm4b:s6+s1], $0xC80, s3, s1, $0x38;
	[tilespmem:$0x13500] =	vst v63  }
0x33: {  	s9 =	rddreg [dreg:$0xd];
	s10 =	simm.s32 $0x2580  }
0x34: {  	[tilespmem:s10], [sflag:$0x1] =	stream.strided.gather [hbm4b:s9+s1], $0xC80, s3, s1, $0x38;
	[tilespmem:$0x13500] =	vst v63  }
0x35: {  	s6 =	rddreg [dreg:$0x10];
	s7 =	simm.s32 $0x3200  }
0x36: {  	[tilespmem:s7], [sflag:$0x1] =	stream.strided.gather [hbm4b:s6+s1], $0xC80, s3, s1, $0x38;
	[tilespmem:$0x13500] =	vst v63  }
0x37: {  	s9 =	rddreg [dreg:$0x11];
	s10 =	simm.s32 $0x3E80  }
0x38: {  	[tilespmem:s10], [sflag:$0x1] =	stream.strided.gather [hbm4b:s9+s1], $0xC80, s3, s1, $0x38;
	[tilespmem:$0x13500] =	vst v63  }
0x39: {  	s6 =	rddreg [dreg:$0x15];
	s7 =	simm.s32 $0x4B00  }
0x3a: {  	[tilespmem:s7], [sflag:$0x1] =	stream.strided.gather [hbm4b:s6+s1], $0xC80, s3, s1, $0x38;
	[tilespmem:$0x13500] =	vst v63  }
0x3b: {  	s9 =	rddreg [dreg:$0x16];
	s10 =	simm.s32 $0x5780  }
0x3c: {  	[tilespmem:s10], [sflag:$0x1] =	stream.strided.gather [hbm4b:s9+s1], $0xC80, s3, s1, $0x38;
	[tilespmem:$0x13500] =	vst v63  }
0x3d: {  	s6 =	rddreg [dreg:$0x1a];
	s7 =	simm.s32 $0x6400  }
0x3e: {  	[tilespmem:s7], [sflag:$0x1] =	stream.strided.gather [hbm4b:s6+s1], $0xC80, s3, s1, $0x38;
	[tilespmem:$0x13500] =	vst v63  }
0x3f: {  	s9 =	rddreg [dreg:$0x1b];
	s10 =	simm.s32 $0x7080  }
0x40: {  	[tilespmem:s10], [sflag:$0x1] =	stream.strided.gather [hbm4b:s9+s1], $0xC80, s3, s1, $0x38;
	[tilespmem:$0x13500] =	vst v63  }
.Ltmp2:
0x41: {  	s6 =	rddreg [dreg:$0x17];
	s7 =	simm.s32 $0xFA00;
	(pc) =	sbr.rel .LBB2_2-.Ltmp2, $4  }
0x42: {  	[tilespmem:s7], [sflag:$0x1] =	stream.linear.gather [hbm4b:s6+s5], $0xC80, $0x38;
	[tilespmem:$0x13500] =	vst v63  }
0x43: {  	s9 =	rddreg [dreg:$0x18];
	s10 =	simm.s32 $0x11300  }
0x44: {  	[tilespmem:s10], [sflag:$0x1] =	stream.linear.gather [hbm4b:s9+s5], $0xC80, $0x38;
	[tilespmem:$0x13500] =	vst v63  }
0x45: {  	s10 =	simm.s32 $0x0  }
.LBB2_10:
0x46: {  	s10 =	rddreg [dreg:$0x1e]  }
0x47: {  	s10 =	sadd.s32 $0x1, s10  }
0x48: {  	p0 =	sne.s32 s10, $0xA  }
.Ltmp3:
0x49: {  	_ = 	snop;
	(pc) =	sbr.rel @!p0 .LBB2_11-.Ltmp3, $1  }
0x4a: {  	_ =	sdelay $0x3  }
.LBB2_2:
0x4b: {  	s0 =	sshllo.u32 s10, $0x1  }
0x4c: {  	p0 =	sge.u32 s0, s15  }
0x4d: {  	s0 =	sshll.u32 @!p0 s0, $0x5  }
0x4e: {  	s0 =	sor.u32 @!p0 s14, s0  }
0x4f: {  	s1 =	smul.u32 @!p0 $0x6400, s0;
	_ =	sdelay $0x1  }
0x50: {  	s4 =	simm.s32 @!p0 $0x80;
	s1 =	sshrl.u32 @!p0 s1, $0x3  }
0x51: {  	s6 =	simm.s32 @!p0 $0x400;
	s7 =	simm.s32 @!p0 $0x7D00;
	s3 =	sadd.s32 @!p0 s11, s1  }
0x52: {  	[tilespmem:s7], [sflag:$0x2] =	stream.strided.gather @!p0 [hbm4b:s3+s4], $0xC80, s6, s4, $0x38;
	[tilespmem:$0x13500] =	vst v63  }
0x53: {  	s9 =	simm.s32 @!p0 $0x8980;
	s7 =	sadd.s32 @!p0 s1, s16  }
0x54: {  	[tilespmem:s9], [sflag:$0x2] =	stream.strided.gather @!p0 [hbm4b:s7+s4], $0xC80, s6, s4, $0x38;
	[tilespmem:$0x13500] =	vst v63  }
0x55: {  	s7 =	sadd.s32 @!p0 s1, s17;
	s9 =	simm.s32 @!p0 $0x9600  }
0x56: {  	[tilespmem:s9], [sflag:$0x2] =	stream.strided.gather @!p0 [hbm4b:s7+s4], $0xC80, s6, s4, $0x38;
	[tilespmem:$0x13500] =	vst v63  }
0x57: {  	s7 =	sadd.s32 @!p0 s1, s18;
	s9 =	simm.s32 @!p0 $0xA280  }
0x58: {  	[tilespmem:s9], [sflag:$0x2] =	stream.strided.gather @!p0 [hbm4b:s7+s4], $0xC80, s6, s4, $0x38;
	[tilespmem:$0x13500] =	vst v63  }
0x59: {  	s7 =	sadd.s32 @!p0 s1, s19;
	s9 =	simm.s32 @!p0 $0xAF00  }
0x5a: {  	[tilespmem:s9], [sflag:$0x2] =	stream.strided.gather @!p0 [hbm4b:s7+s4], $0xC80, s6, s4, $0x38;
	[tilespmem:$0x13500] =	vst v63  }
0x5b: {  	s7 =	sadd.s32 @!p0 s1, s20;
	s9 =	simm.s32 @!p0 $0xBB80  }
0x5c: {  	[tilespmem:s9], [sflag:$0x2] =	stream.strided.gather @!p0 [hbm4b:s7+s4], $0xC80, s6, s4, $0x38;
	[tilespmem:$0x13500] =	vst v63  }
0x5d: {  	s7 =	sadd.s32 @!p0 s1, s22;
	s9 =	simm.s32 @!p0 $0xC800  }
0x5e: {  	[tilespmem:s9], [sflag:$0x2] =	stream.strided.gather @!p0 [hbm4b:s7+s4], $0xC80, s6, s4, $0x38;
	[tilespmem:$0x13500] =	vst v63  }
0x5f: {  	s1 =	sadd.s32 @!p0 s1, s23;
	s7 =	simm.s32 @!p0 $0xD480  }
0x60: {  	[tilespmem:s7], [sflag:$0x2] =	stream.strided.gather @!p0 [hbm4b:s1+s4], $0xC80, s6, s4, $0x38;
	[tilespmem:$0x13500] =	vst v63  }
0x61: {  	s1 =	sadd.s32 @!p0 $0x1E8480, s3;
	s7 =	simm.s32 @!p0 $0xE100  }
0x62: {  	[tilespmem:s7], [sflag:$0x2] =	stream.strided.gather @!p0 [hbm4b:s1+s4], $0xC80, s6, s4, $0x38;
	[tilespmem:$0x13500] =	vst v63  }
0x63: {  	s0 =	smul.u32 @!p0 $0x190, s0;
	s1 =	sadd.s32 @!p0 $0x1E8490, s3;
	s3 =	simm.s32 @!p0 $0xED80  }
0x64: {  	[tilespmem:s3], [sflag:$0x2] =	stream.strided.gather @!p0 [hbm4b:s1+s4], $0xC80, s6, s4, $0x38;
	[tilespmem:$0x13500] =	vst v63  }
0x65: {  	s1 =	sadd.s32 @!p0 s12, s0;
	s3 =	simm.s32 @!p0 $0x0;
	s4 =	simm.s32 @!p0 $0x10680  }
0x66: {  	[tilespmem:s4], [sflag:$0x2] =	stream.linear.gather @!p0 [hbm4b:s1+s3], $0xC80, $0x38;
	[tilespmem:$0x13500] =	vst v63  }
0x67: {  	s4 =	sshll.u32 s10, $0x1  }
0x68: {  	p1 =	sge.u32 s4, s15  }
.Ltmp4:
0x69: {  	_ = 	snop;
	(pc) =	sbr.rel @p1 .LBB2_6-.Ltmp4, $3  }
0x6a: {  	_ =	sdelay $0x1  }
0x6b: {  	[dreg:$0x1e] =	wrdreg s10;
	s0 =	sadd.s32 @!p0 s13, s0;
	s1 =	simm.s32 @!p0 $0x11F80  }
0x6c: {  	[tilespmem:s1], [sflag:$0x2] =	stream.linear.gather @!p0 [hbm4b:s0+s3], $0xC80, $0x38;
	[tilespmem:$0x13500] =	vst v63  }
0x6d: {  	[dreg:$0x1f] =	wrdreg s4;
	s0 =	simm.s32 $0x1  }
0x6e: {  	_ =	swait.ge [sflag:s0], $0xC80  }
0x6f: {  	[sflag:s0] =	ssyncset.done $0x0  }
0x70: {  	[sflag:s0] =	ssyncadd.s32 $0xFFFFF380  }
0x71: {  	_ =	swait.ge [sflag:s0], $0xC80  }
0x72: {  	[sflag:s0] =	ssyncset.done $0x0  }
0x73: {  	[sflag:s0] =	ssyncadd.s32 $0xFFFFF380  }
0x74: {  	_ =	swait.ge [sflag:s0], $0xC80  }
0x75: {  	[sflag:s0] =	ssyncset.done $0x0  }
0x76: {  	[sflag:s0] =	ssyncadd.s32 $0xFFFFF380  }
0x77: {  	_ =	swait.ge [sflag:s0], $0xC80  }
0x78: {  	[sflag:s0] =	ssyncset.done $0x0  }
0x79: {  	[sflag:s0] =	ssyncadd.s32 $0xFFFFF380  }
0x7a: {  	_ =	swait.ge [sflag:s0], $0xC80  }
0x7b: {  	[sflag:s0] =	ssyncset.done $0x0  }
0x7c: {  	[sflag:s0] =	ssyncadd.s32 $0xFFFFF380  }
0x7d: {  	_ =	swait.ge [sflag:s0], $0xC80  }
0x7e: {  	[sflag:s0] =	ssyncset.done $0x0  }
0x7f: {  	[sflag:s0] =	ssyncadd.s32 $0xFFFFF380  }
0x80: {  	_ =	swait.ge [sflag:s0], $0xC80  }
0x81: {  	[sflag:s0] =	ssyncset.done $0x0  }
0x82: {  	[sflag:s0] =	ssyncadd.s32 $0xFFFFF380  }
0x83: {  	_ =	swait.ge [sflag:s0], $0xC80  }
0x84: {  	[sflag:s0] =	ssyncset.done $0x0  }
0x85: {  	[sflag:s0] =	ssyncadd.s32 $0xFFFFF380  }
0x86: {  	_ =	swait.ge [sflag:s0], $0xC80  }
0x87: {  	[sflag:s0] =	ssyncset.done $0x0  }
0x88: {  	[sflag:s0] =	ssyncadd.s32 $0xFFFFF380  }
0x89: {  	_ =	swait.ge [sflag:s0], $0xC80  }
0x8a: {  	[sflag:s0] =	ssyncset.done $0x0  }
0x8b: {  	[sflag:s0] =	ssyncadd.s32 $0xFFFFF380  }
0x8c: {  	_ =	swait.ge [sflag:s0], $0xC80  }
0x8d: {  	[sflag:s0] =	ssyncset.done $0x0  }
0x8e: {  	[sflag:s0] =	ssyncadd.s32 $0xFFFFF380  }
0x8f: {  	_ =	swait.ge [sflag:s0], $0xC80  }
0x90: {  	[sflag:s0] =	ssyncset.done $0x0  }
0x91: {  	[sflag:s0] =	ssyncadd.s32 $0xFFFFF380  }
0x92: {  	[tilespmem:$0x12C00] =	vst v0  }
0x93: {  	[tilespmem:$0x13000] =	vst v0  }
0x94: {  	[tilespmem:$0x12C80] =	vst v0  }
0x95: {  	[tilespmem:$0x13080] =	vst v0  }
0x96: {  	[tilespmem:$0x12D00] =	vst v0  }
0x97: {  	[tilespmem:$0x13100] =	vst v0  }
0x98: {  	[tilespmem:$0x12D80] =	vst v0  }
0x99: {  	[tilespmem:$0x13180] =	vst v0  }
0x9a: {  	[tilespmem:$0x12E00] =	vst v0  }
0x9b: {  	[tilespmem:$0x13200] =	vst v0  }
0x9c: {  	[tilespmem:$0x12E80] =	vst v0  }
0x9d: {  	[tilespmem:$0x13280] =	vst v0  }
0x9e: {  	[tilespmem:$0x12F00] =	vst v0  }
0x9f: {  	[tilespmem:$0x13300] =	vst v0  }
0xa0: {  	[tilespmem:$0x12F80] =	vst v0  }
0xa1: {  	s0 =	simm.s32 $0xFA40;
	[tilespmem:$0x13380] =	vst v0  }
0xa2: {  	v3 =	vld [tilespmem:s0+$0xFFFFFFC0];
	_ =	sdelay $0x4  }
0xa3: {  	v3 =	vmul.u32 $0xC80, v3  }
0xa4: {  	s1 =	simm.s32 $0x0  }
0xa5: {  	v3 =	vadd.s32 s1, v3  }
0xa6: {  	v3 =	vor.u32 v1, v3  }
0xa7: {  	s1 =	simm.s32 $0x11340  }
0xa8: {  	v4 =	vld [tilespmem:s1+$0xFFFFFFC0];
	_ =	sdelay $0x2  }
0xa9: {  	v3 =	vld.idx.msk [tilespmem:v3+s5+$0x0], $0xffff;
	_ =	sdelay $0x4  }
0xaa: {  	[tilespmem:v4+s26+$0x0] =	vst.idx.add.f32.msk $0xffff, v3  }
0xab: {  	[tilespmem:v4+s24+$0x0] =	vst.idx.add.f32.msk $0xffff, v2  }
0xac: {  	v3 =	vld [tilespmem:s0+$0xFFFFFFD0];
	_ =	sdelay $0x4  }
0xad: {  	s3 =	simm.s32 $0x10;
	v3 =	vmul.u32 $0xC80, v3  }
0xae: {  	v4 =	vor.u32 s3, v1  }
0xaf: {  	v3 =	vadd.s32 v4, v3  }
0xb0: {  	v4 =	vand.u32 $0x1F, v4;
	v3 =	vand.u32 $0xFFFFFF80, v3  }
0xb1: {  	v3 =	vor.u32 v4, v3;
	_ =	sdelay $0x1  }
0xb2: {  	v4 =	vld [tilespmem:s1+$0xFFFFFFD0];
	_ =	sdelay $0x2  }
0xb3: {  	s9 =	simm.s32 $0xFAC0;
	v3 =	vld.idx.msk [tilespmem:v3+s5+$0x0], $0xffff  }
0xb4: {  	v5 =	vld [tilespmem:s9+$0xFFFFFFC0];
	_ =	sdelay $0x3  }
0xb5: {  	[tilespmem:v4+s25+$0x0] =	vst.idx.add.f32.msk $0xffff, v3  }
0xb6: {  	[tilespmem:v4+s28+$0x0] =	vst.idx.add.f32.msk $0xffff, v2;
	v4 =	vmul.u32 $0xC80, v5  }
0xb7: {  	s13 =	simm.s32 $0x80;
	v3 =	vld [tilespmem:s0+$0xFFFFFFE0]  }
0xb8: {  	v4 =	vadd.s32 s13, v4  }
0xb9: {  	v4 =	vor.u32 v1, v4  }
0xba: {  	s6 =	simm.s32 $0x113C0  }
0xbb: {  	v6 =	vld [tilespmem:s6+$0xFFFFFFC0]  }
0xbc: {  	s14 =	simm.s32 $0x20;
	v3 =	vmul.u32 $0xC80, v3  }
0xbd: {  	v5 =	vor.u32 s14, v1  }
0xbe: {  	v3 =	vadd.s32 v5, v3;
	v4 =	vld.idx.msk [tilespmem:v4+s5+$0x0], $0xffff  }
0xbf: {  	v5 =	vand.u32 $0x2F, v5;
	v3 =	vand.u32 $0xFFFFFF80, v3  }
0xc0: {  	v3 =	vor.u32 v5, v3;
	_ =	sdelay $0x1  }
0xc1: {  	v5 =	vld [tilespmem:s1+$0xFFFFFFE0]  }
0xc2: {  	[tilespmem:v6+s26+$0x0] =	vst.idx.add.f32.msk $0xffff, v4  }
0xc3: {  	[tilespmem:v6+s24+$0x0] =	vst.idx.add.f32.msk $0xffff, v2  }
0xc4: {  	v3 =	vld.idx.msk [tilespmem:v3+s5+$0x0], $0xffff  }
0xc5: {  	v4 =	vld [tilespmem:s9+$0xFFFFFFD0];
	_ =	sdelay $0x4  }
0xc6: {  	s15 =	simm.s32 $0x90;
	[tilespmem:v5+s29+$0x0] =	vst.idx.add.f32.msk $0xffff, v3;
	v4 =	vmul.u32 $0xC80, v4  }
0xc7: {  	[tilespmem:v5+s21+$0x0] =	vst.idx.add.f32.msk $0xffff, v2;
	v5 =	vor.u32 s15, v1  }
0xc8: {  	v3 =	vld [tilespmem:s0+$0xFFFFFFF0];
	v4 =	vadd.s32 v5, v4  }
0xc9: {  	v5 =	vand.u32 $0x1F, v5;
	v4 =	vand.u32 $0xFFFFFF80, v4  }
0xca: {  	v4 =	vor.u32 v5, v4;
	_ =	sdelay $0x1  }
0xcb: {  	v6 =	vld [tilespmem:s6+$0xFFFFFFD0]  }
0xcc: {  	s16 =	simm.s32 $0x30;
	v3 =	vmul.u32 $0xC80, v3  }
0xcd: {  	v5 =	vor.u32 s16, v1  }
0xce: {  	v3 =	vadd.s32 v5, v3;
	v4 =	vld.idx.msk [tilespmem:v4+s5+$0x0], $0xffff  }
0xcf: {  	v5 =	vand.u32 $0x3F, v5;
	v3 =	vand.u32 $0xFFFFFF80, v3  }
0xd0: {  	s10 =	simm.s32 $0xFB40;
	v3 =	vor.u32 v5, v3  }
0xd1: {  	v7 =	vld [tilespmem:s10+$0xFFFFFFC0]  }
0xd2: {  	v5 =	vld [tilespmem:s1+$0xFFFFFFF0]  }
0xd3: {  	[tilespmem:v6+s25+$0x0] =	vst.idx.add.f32.msk $0xffff, v4  }
0xd4: {  	[tilespmem:v6+s28+$0x0] =	vst.idx.add.f32.msk $0xffff, v2  }
0xd5: {  	v3 =	vld.idx.msk [tilespmem:v3+s5+$0x0], $0xffff  }
0xd6: {  	v4 =	vld [tilespmem:s9+$0xFFFFFFE0];
	_ =	sdelay $0x2  }
0xd7: {  	v6 =	vmul.u32 $0xC80, v7  }
0xd8: {  	s17 =	simm.s32 $0x100;
	[tilespmem:v5+s8+$0x0] =	vst.idx.add.f32.msk $0xffff, v3  }
0xd9: {  	s18 =	simm.s32 $0xA0;
	v3 =	vadd.s32 s17, v6;
	v4 =	vmul.u32 $0xC80, v4;
	[tilespmem:v5+s31+$0x0] =	vst.idx.add.f32.msk $0xffff, v2  }
0xda: {  	v6 =	vor.u32 s18, v1;
	v3 =	vor.u32 v1, v3;
	v5 =	vld [tilespmem:s0+$0x0]  }
0xdb: {  	s13 =	simm.s32 $0x11440;
	v4 =	vadd.s32 v6, v4  }
0xdc: {  	v7 =	vld [tilespmem:s13+$0xFFFFFFC0];
	v6 =	vand.u32 $0x2F, v6;
	v4 =	vand.u32 $0xFFFFFF80, v4  }
0xdd: {  	v4 =	vor.u32 v6, v4  }
0xde: {  	v8 =	vld [tilespmem:s6+$0xFFFFFFE0]  }
0xdf: {  	s19 =	simm.s32 $0x40;
	v3 =	vld.idx.msk [tilespmem:v3+s5+$0x0], $0xffff;
	v5 =	vmul.u32 $0xC80, v5  }
0xe0: {  	v6 =	vor.u32 s19, v1  }
0xe1: {  	v5 =	vadd.s32 v6, v5  }
0xe2: {  	v6 =	vand.u32 $0x4F, v6;
	v4 =	vld.idx.msk [tilespmem:v4+s5+$0x0], $0xffff;
	v5 =	vand.u32 $0xFFFFFF80, v5  }
0xe3: {  	v5 =	vor.u32 v6, v5;
	v6 =	vld [tilespmem:s1+$0x0]  }
0xe4: {  	[tilespmem:v7+s26+$0x0] =	vst.idx.add.f32.msk $0xffff, v3  }
0xe5: {  	[tilespmem:v7+s24+$0x0] =	vst.idx.add.f32.msk $0xffff, v2  }
0xe6: {  	v3 =	vld [tilespmem:s10+$0xFFFFFFD0]  }
0xe7: {  	[tilespmem:v8+s29+$0x0] =	vst.idx.add.f32.msk $0xffff, v4  }
0xe8: {  	[tilespmem:v8+s21+$0x0] =	vst.idx.add.f32.msk $0xffff, v2  }
0xe9: {  	v5 =	vld.idx.msk [tilespmem:v5+s5+$0x0], $0xffff  }
0xea: {  	v4 =	vld [tilespmem:s9+$0xFFFFFFF0];
	_ =	sdelay $0x1  }
0xeb: {  	s20 =	simm.s32 $0x110;
	v3 =	vmul.u32 $0xC80, v3  }
0xec: {  	v7 =	vor.u32 s20, v1  }
0xed: {  	s23 =	simm.s32 $0x13200;
	v3 =	vadd.s32 v7, v3;
	[tilespmem:v6+s30+$0x0] =	vst.idx.add.f32.msk $0xffff, v5  }
0xee: {  	s22 =	simm.s32 $0xB0;
	v3 =	vand.u32 $0xFFFFFF80, v3;
	v5 =	vand.u32 $0x1F, v7;
	v4 =	vmul.u32 $0xC80, v4;
	[tilespmem:v6+s23+$0x0] =	vst.idx.add.f32.msk $0xffff, v2  }
0xef: {  	v3 =	vor.u32 v5, v3;
	v6 =	vor.u32 s22, v1;
	v5 =	vld [tilespmem:s0+$0x10]  }
0xf0: {  	v4 =	vadd.s32 v6, v4  }
0xf1: {  	v7 =	vld [tilespmem:s13+$0xFFFFFFD0];
	v6 =	vand.u32 $0x3F, v6;
	v4 =	vand.u32 $0xFFFFFF80, v4  }
0xf2: {  	v4 =	vor.u32 v6, v4  }
0xf3: {  	v9 =	vld [tilespmem:s6+$0xFFFFFFF0]  }
0xf4: {  	s7 =	simm.s32 $0x50;
	v3 =	vld.idx.msk [tilespmem:v3+s5+$0x0], $0xffff;
	v5 =	vmul.u32 $0xC80, v5  }
0xf5: {  	v8 =	vor.u32 s7, v1  }
0xf6: {  	v6 =	vld [tilespmem:s1+$0x10];
	v5 =	vadd.s32 v8, v5  }
0xf7: {  	s15 =	simm.s32 $0xFBC0;
	v8 =	vand.u32 $0x5F, v8;
	v4 =	vld.idx.msk [tilespmem:v4+s5+$0x0], $0xffff;
	v5 =	vand.u32 $0xFFFFFF80, v5  }
0xf8: {  	v5 =	vor.u32 v8, v5;
	v8 =	vld [tilespmem:s15+$0xFFFFFFC0]  }
0xf9: {  	[tilespmem:v7+s25+$0x0] =	vst.idx.add.f32.msk $0xffff, v3  }
0xfa: {  	[tilespmem:v7+s28+$0x0] =	vst.idx.add.f32.msk $0xffff, v2  }
0xfb: {  	v3 =	vld [tilespmem:s10+$0xFFFFFFE0]  }
0xfc: {  	[tilespmem:v9+s8+$0x0] =	vst.idx.add.f32.msk $0xffff, v4  }
0xfd: {  	v5 =	vld.idx.msk [tilespmem:v5+s5+$0x0], $0xffff;
	v7 =	vmul.u32 $0xC80, v8  }
0xfe: {  	s11 =	simm.s32 $0x180;
	[tilespmem:v9+s31+$0x0] =	vst.idx.add.f32.msk $0xffff, v2  }
0xff: {  	v4 =	vadd.s32 s11, v7;
	v7 =	vld [tilespmem:s9+$0x0]  }
0x100: {  	s12 =	simm.s32 $0x120;
	s16 =	simm.s32 $0x114C0;
	v3 =	vmul.u32 $0xC80, v3;
	v4 =	vor.u32 v1, v4  }
0x101: {  	s30 =	simm.s32 $0x12E80;
	v9 =	vor.u32 s12, v1;
	v8 =	vld [tilespmem:s16+$0xFFFFFFC0]  }
0x102: {  	s2 =	simm.s32 $0x13280;
	v3 =	vadd.s32 v9, v3;
	[tilespmem:v6+s30+$0x0] =	vst.idx.add.f32.msk $0xffff, v5  }
0x103: {  	v3 =	vand.u32 $0xFFFFFF80, v3;
	v5 =	vand.u32 $0x2F, v9;
	[tilespmem:v6+s2+$0x0] =	vst.idx.add.f32.msk $0xffff, v2  }
0x104: {  	s14 =	simm.s32 $0xC0;
	v3 =	vor.u32 v5, v3;
	v5 =	vld [tilespmem:s0+$0x20];
	v6 =	vmul.u32 $0xC80, v7  }
0x105: {  	v7 =	vor.u32 s14, v1;
	v4 =	vld.idx.msk [tilespmem:v4+s5+$0x0], $0xffff  }
0x106: {  	v9 =	vld [tilespmem:s13+$0xFFFFFFE0];
	v6 =	vadd.s32 v7, v6  }
0x107: {  	v11 =	vld [tilespmem:s6+$0x0];
	v7 =	vand.u32 $0x4F, v7;
	v6 =	vand.u32 $0xFFFFFF80, v6  }
0x108: {  	v10 =	vld [tilespmem:s1+$0x20];
	v6 =	vor.u32 v7, v6  }
0x109: {  	s17 =	simm.s32 $0x60;
	v3 =	vld.idx.msk [tilespmem:v3+s5+$0x0], $0xffff;
	v5 =	vmul.u32 $0xC80, v5  }
0x10a: {  	v7 =	vor.u32 s17, v1;
	[tilespmem:v8+s26+$0x0] =	vst.idx.add.f32.msk $0xffff, v4  }
0x10b: {  	v4 =	vadd.s32 v7, v5;
	[tilespmem:v8+s24+$0x0] =	vst.idx.add.f32.msk $0xffff, v2  }
0x10c: {  	v5 =	vand.u32 $0x6F, v7;
	v4 =	vand.u32 $0xFFFFFF80, v4;
	v7 =	vld [tilespmem:s15+$0xFFFFFFD0]  }
0x10d: {  	v4 =	vor.u32 v5, v4;
	v5 =	vld.idx.msk [tilespmem:v6+s5+$0x0], $0xffff  }
0x10e: {  	[tilespmem:v9+s29+$0x0] =	vst.idx.add.f32.msk $0xffff, v3  }
0x10f: {  	[tilespmem:v9+s21+$0x0] =	vst.idx.add.f32.msk $0xffff, v2  }
0x110: {  	v3 =	vld [tilespmem:s10+$0xFFFFFFF0];
	_ =	sdelay $0x1  }
0x111: {  	s18 =	simm.s32 $0x190;
	v6 =	vmul.u32 $0xC80, v7  }
0x112: {  	s7 =	simm.s32 $0x12E00;
	v7 =	vor.u32 s18, v1;
	v4 =	vld.idx.msk [tilespmem:v4+s5+$0x0], $0xffff  }
0x113: {  	[tilespmem:v11+s7+$0x0] =	vst.idx.add.f32.msk $0xffff, v5;
	v6 =	vadd.s32 v7, v6  }
0x114: {  	s19 =	simm.s32 $0x130;
	[tilespmem:v11+s23+$0x0] =	vst.idx.add.f32.msk $0xffff, v2;
	v5 =	vand.u32 $0xFFFFFF80, v6;
	v6 =	vand.u32 $0x1F, v7;
	v3 =	vmul.u32 $0xC80, v3  }
0x115: {  	v7 =	vor.u32 s19, v1;
	v5 =	vor.u32 v6, v5;
	v6 =	vld [tilespmem:s9+$0x10]  }
0x116: {  	s20 =	simm.s32 $0x12F00;
	v8 =	vld [tilespmem:s16+$0xFFFFFFD0];
	v3 =	vadd.s32 v7, v3  }
0x117: {  	[tilespmem:v10+s20+$0x0] =	vst.idx.add.f32.msk $0xffff, v4;
	v3 =	vand.u32 $0xFFFFFF80, v3;
	v4 =	vand.u32 $0x3F, v7  }
0x118: {  	s21 =	simm.s32 $0x13300;
	v11 =	vld [tilespmem:s6+$0x10];
	v4 =	vor.u32 v4, v3  }
0x119: {  	[tilespmem:v10+s21+$0x0] =	vst.idx.add.f32.msk $0xffff, v2  }
0x11a: {  	s22 =	simm.s32 $0xD0;
	v5 =	vld.idx.msk [tilespmem:v5+s5+$0x0], $0xffff;
	v6 =	vmul.u32 $0xC80, v6  }
0x11b: {  	v7 =	vor.u32 s22, v1;
	v10 =	vld [tilespmem:s13+$0xFFFFFFF0]  }
0x11c: {  	v9 =	vld [tilespmem:s0+$0x30];
	v6 =	vadd.s32 v7, v6  }
0x11d: {  	s20 =	simm.s32 $0xFC40;
	v12 =	vand.u32 $0x5F, v7;
	v6 =	vand.u32 $0xFFFFFF80, v6;
	v4 =	vld.idx.msk [tilespmem:v4+s5+$0x0], $0xffff  }
0x11e: {  	v6 =	vor.u32 v12, v6;
	v12 =	vld [tilespmem:s20+$0xFFFFFFC0]  }
0x11f: {  	[tilespmem:v8+s25+$0x0] =	vst.idx.add.f32.msk $0xffff, v5  }
0x120: {  	[tilespmem:v8+s28+$0x0] =	vst.idx.add.f32.msk $0xffff, v2  }
0x121: {  	v9 =	vmul.u32 $0xC80, v9;
	v8 =	vld [tilespmem:s15+$0xFFFFFFE0]  }
0x122: {  	s23 =	simm.s32 $0x70;
	s19 =	simm.s32 $0x11540;
	v3 =	vld [tilespmem:s1+$0x30]  }
0x123: {  	v7 =	vld [tilespmem:s19+$0xFFFFFFC0];
	v5 =	vadd.s32 s23, v9  }
0x124: {  	s4 =	simm.s32 $0x160;
	s3 =	simm.s32 $0x1F0;
	s12 =	simm.s32 $0x1A0;
	v5 =	vadd.s32 v1, v5;
	[tilespmem:v10+s8+$0x0] =	vst.idx.add.f32.msk $0xffff, v4  }
0x125: {  	v13 =	vor.u32 s12, v1;
	s12 =	simm.s32 $0x1E0;
	s11 =	simm.s32 $0xE0;
	s2 =	simm.s32 $0x0;
	v9 =	vld.idx.msk [tilespmem:v6+s5+$0x0], $0xffff;
	v12 =	vmul.u32 $0xC80, v12  }
0x126: {  	s14 =	simm.s32 $0x150;
	s17 =	simm.s32 $0x1D0;
	s18 =	simm.s32 $0x200;
	[tilespmem:v10+s31+$0x0] =	vst.idx.add.f32.msk $0xffff, v2;
	v8 =	vmul.u32 $0xC80, v8  }
0x127: {  	s24 =	simm.s32 $0x140;
	s29 =	simm.s32 $0x13100;
	s7 =	simm.s32 $0x170;
	v14 =	vld [tilespmem:s10+$0x0];
	v12 =	vadd.s32 s18, v12  }
0x128: {  	v15 =	vand.u32 $0x2F, v13;
	s22 =	simm.s32 $0x1B0;
	s21 =	simm.s32 $0x13380;
	s1 =	simm.s32 $0xF0;
	v10 =	vld [tilespmem:s16+$0xFFFFFFE0];
	v8 =	vadd.s32 v13, v8;
	v13 =	vor.u32 v1, v12  }
0x129: {  	s0 =	simm.s32 $0x270;
	s25 =	simm.s32 $0x1C0;
	s23 =	simm.s32 $0x240;
	v6 =	vld.idx.msk [tilespmem:v5+s5+$0x0], $0xffff  }
0x12a: {  	s28 =	simm.s32 $0x12D80;
	s8 =	simm.s32 $0x13280;
	s31 =	simm.s32 $0x13280;
	[tilespmem:v11+s30+$0x0] =	vst.idx.add.f32.msk $0xffff, v9  }
0x12b: {  	v4 =	vor.u32 s25, v1;
	s25 =	simm.s32 $0x230;
	s18 =	simm.s32 $0x250;
	v5 =	vor.u32 s24, v1;
	s5 =	simm.s32 $0x13180;
	v8 =	vand.u32 $0xFFFFFF80, v8;
	[tilespmem:v11+s31+$0x0] =	vst.idx.add.f32.msk $0xffff, v2  }
0x12c: {  	s24 =	simm.s32 $0x20;
	v9 =	vor.u32 s23, v1;
	s23 =	simm.s32 $0x260;
	s30 =	simm.s32 $0x12F80;
	v11 =	vmul.u32 $0xC80, v14;
	v12 =	vor.u32 v15, v8;
	v8 =	vld [tilespmem:s9+$0x20]  }
.LBB2_4:
0x12d: {  	s24 =	sadd.s32 $0x8, s24;
	v13 =	vld.idx.msk [tilespmem:v13+s2+$0x0], $0xffff  }
0x12e: {  	p1 =	slt.u32 s24, $0x5C;
	v11 =	vadd.s32 v5, v11;
	[tilespmem:v3+s30+$0x0] =	vst.idx.add.f32.msk $0xffff, v6  }
0x12f: {  	v6 =	vand.u32 $0xFFFFFF80, v11;
	v11 =	vand.u32 $0x4F, v5;
	[tilespmem:v3+s21+$0x0] =	vst.idx.add.f32.msk $0xffff, v2;
	v5 =	vmovc v4;
	v4 =	vmov v9  }
0x130: {  	v3 =	vor.u32 v11, v6;
	v6 =	vld [tilespmem:s6+$0x20]  }
0x131: {  	v11 =	vor.u32 s11, v1;
	s11 =	smov.u32 s4;
	s4 =	smov.u32 s12;
	s12 =	smov.u32 s23;
	v9 =	vld.idx.msk [tilespmem:v12+s2+$0x0], $0xffff;
	v8 =	vmul.u32 $0xC80, v8  }
0x132: {  	v12 =	vld [tilespmem:s13+$0x0]  }
0x133: {  	s23 =	simm.s32 $0x13000;
	[tilespmem:v7+s26+$0x0] =	vst.idx.add.f32.msk $0xffff, v13;
	v8 =	vadd.s32 v11, v8;
	v11 =	vand.u32 $0x6F, v11  }
0x134: {  	[tilespmem:v7+s23+$0x0] =	vst.idx.add.f32.msk $0xffff, v2;
	v7 =	vand.u32 $0xFFFFFF80, v8  }
0x135: {  	v8 =	vld [tilespmem:s20+$0xFFFFFFD0];
	v7 =	vor.u32 v11, v7  }
0x136: {  	s23 =	simm.s32 $0x12D00;
	v3 =	vld.idx.msk [tilespmem:v3+s2+$0x0], $0xffff  }
0x137: {  	[tilespmem:v10+s23+$0x0] =	vst.idx.add.f32.msk $0xffff, v9  }
0x138: {  	[tilespmem:v10+s29+$0x0] =	vst.idx.add.f32.msk $0xffff, v2  }
0x139: {  	v9 =	vld [tilespmem:s15+$0xFFFFFFF0]  }
0x13a: {  	s23 =	sadd.s32 $0xFFFFFFA0, s0;
	v8 =	vmul.u32 $0xC80, v8;
	v7 =	vld.idx.msk [tilespmem:v7+s2+$0x0], $0xffff  }
0x13b: {  	v11 =	vor.u32 s23, v1;
	s23 =	simm.s32 $0x12E00;
	v10 =	vld [tilespmem:s19+$0xFFFFFFD0]  }
0x13c: {  	v8 =	vadd.s32 v11, v8;
	[tilespmem:v12+s23+$0x0] =	vst.idx.add.f32.msk $0xffff, v3;
	s23 =	simm.s32 $0x13200  }
0x13d: {  	v3 =	vand.u32 $0xFFFFFF80, v8;
	v8 =	vand.u32 $0x1F, v11;
	[tilespmem:v12+s23+$0x0] =	vst.idx.add.f32.msk $0xffff, v2  }
0x13e: {  	v3 =	vor.u32 v8, v3;
	v8 =	vmul.u32 $0xC80, v9;
	v9 =	vld [tilespmem:s10+$0x10]  }
0x13f: {  	v11 =	vor.u32 s22, v1;
	s22 =	smov.u32 s25;
	s23 =	simm.s32 $0x12F00;
	v12 =	vld [tilespmem:s13+$0x10]  }
0x140: {  	v8 =	vadd.s32 v11, v8;
	[tilespmem:v6+s23+$0x0] =	vst.idx.add.f32.msk $0xffff, v7;
	s23 =	simm.s32 $0x13300  }
0x141: {  	v7 =	vand.u32 $0xFFFFFF80, v8;
	v8 =	vand.u32 $0x3F, v11;
	[tilespmem:v6+s23+$0x0] =	vst.idx.add.f32.msk $0xffff, v2  }
0x142: {  	v6 =	vor.u32 v8, v7;
	v8 =	vld [tilespmem:s9+$0x30]  }
0x143: {  	s9 =	smov.u32 s10;
	s10 =	smov.u32 s15;
	s15 =	smov.u32 s20  }
0x144: {  	v11 =	vld.idx.msk [tilespmem:v3+s2+$0x0], $0xffff;
	v7 =	vmul.u32 $0xC80, v9;
	v9 =	vor.u32 s14, v1;
	s14 =	smov.u32 s17;
	s17 =	smov.u32 s18  }
0x145: {  	v3 =	vld [tilespmem:s6+$0x30];
	s6 =	smov.u32 s13;
	s13 =	smov.u32 s16;
	s16 =	smov.u32 s19  }
0x146: {  	s19 =	sadd.s32 $0x80, s19;
	v13 =	vld [tilespmem:s13+$0xFFFFFFF0];
	v14 =	vadd.s32 v9, v7;
	v9 =	vand.u32 $0x5F, v9  }
0x147: {  	v7 =	vld [tilespmem:s19+$0xFFFFFFC0];
	v14 =	vand.u32 $0xFFFFFF80, v14;
	v8 =	vmul.u32 $0xC80, v8  }
0x148: {  	s20 =	sadd.s32 $0x80, s20;
	v6 =	vld.idx.msk [tilespmem:v6+s2+$0x0], $0xffff;
	v9 =	vor.u32 v9, v14  }
0x149: {  	s18 =	simm.s32 $0x12C80;
	v14 =	vld [tilespmem:s20+$0xFFFFFFC0];
	v8 =	vadd.s32 s1, v8;
	s1 =	smov.u32 s7  }
0x14a: {  	[tilespmem:v10+s18+$0x0] =	vst.idx.add.f32.msk $0xffff, v11;
	s7 =	smov.u32 s3;
	s3 =	smov.u32 s0;
	s18 =	simm.s32 $0x13080  }
0x14b: {  	[tilespmem:v10+s18+$0x0] =	vst.idx.add.f32.msk $0xffff, v2;
	v8 =	vadd.s32 v1, v8  }
0x14c: {  	v10 =	vld [tilespmem:s15+$0xFFFFFFE0]  }
0x14d: {  	v11 =	vld.idx.msk [tilespmem:v9+s2+$0x0], $0xffff  }
0x14e: {  	s0 =	sadd.s32 $0x80, s0;
	v9 =	vmul.u32 $0xC80, v14;
	[tilespmem:v13+s28+$0x0] =	vst.idx.add.f32.msk $0xffff, v6  }
0x14f: {  	s18 =	sadd.s32 $0xFFFFFF90, s0;
	s25 =	sadd.s32 $0xFFFFFFC0, s0;
	s23 =	sadd.s32 $0xFFFFFFD0, s0;
	[tilespmem:v13+s5+$0x0] =	vst.idx.add.f32.msk $0xffff, v2  }
0x150: {  	v6 =	vadd.s32 s18, v9;
	v9 =	vor.u32 s23, v1;
	s18 =	sadd.s32 $0xFFFFFFE0, s0;
	s23 =	sadd.s32 $0xFFFFFFF0, s0;
	v14 =	vld [tilespmem:s10+$0x0]  }
.Ltmp5:
0x151: {  	s26 =	sadd.s32 $0xFFFFFFB0, s3;
	v13 =	vor.u32 v1, v6;
	v15 =	vmul.u32 $0xC80, v10;
	v6 =	vld.idx.msk [tilespmem:v8+s2+$0x0], $0xffff;
	(pc) =	sbr.rel @p1 .LBB2_4-.Ltmp5, $4  }
0x152: {  	s31 =	simm.s32 $0x12E80;
	v8 =	vor.u32 s26, v1;
	s26 =	simm.s32 $0x12C00;
	v10 =	vld [tilespmem:s16+$0xFFFFFFE0]  }
0x153: {  	v15 =	vadd.s32 v8, v15;
	[tilespmem:v12+s31+$0x0] =	vst.idx.add.f32.msk $0xffff, v11  }
0x154: {  	v8 =	vand.u32 $0x2F, v8;
	v11 =	vand.u32 $0xFFFFFF80, v15;
	[tilespmem:v12+s8+$0x0] =	vst.idx.add.f32.msk $0xffff, v2  }
0x155: {  	v12 =	vor.u32 v8, v11;
	v11 =	vmul.u32 $0xC80, v14;
	v8 =	vld [tilespmem:s9+$0x20]  }
0x156: {  	_ =	sdelay $0x3  }
0x157: {  	v13 =	vld.idx.msk [tilespmem:v13+s2+$0x0], $0xffff;
	_ =	sdelay $0x4  }
0x158: {  	s5 =	simm.s32 $0x13000;
	[tilespmem:v7+s26+$0x0] =	vst.idx.add.f32.msk $0xffff, v13  }
0x159: {  	[tilespmem:v7+s5+$0x0] =	vst.idx.add.f32.msk $0xffff, v2  }
0x15a: {  	v7 =	vld [tilespmem:s20+$0xFFFFFFD0];
	_ =	sdelay $0x4  }
0x15b: {  	s24 =	sadd.s32 $0xFFFFFFA0, s0;
	v7 =	vmul.u32 $0xC80, v7  }
0x15c: {  	v49 =	vor.u32 s24, v1  }
0x15d: {  	v7 =	vadd.s32 v49, v7  }
0x15e: {  	v13 =	vand.u32 $0x1F, v49;
	v7 =	vand.u32 $0xFFFFFF80, v7  }
0x15f: {  	v7 =	vor.u32 v13, v7;
	_ =	sdelay $0x1  }
0x160: {  	v50 =	vld [tilespmem:s19+$0xFFFFFFD0];
	_ =	sdelay $0x2  }
0x161: {  	v7 =	vld.idx.msk [tilespmem:v7+s2+$0x0], $0xffff;
	_ =	sdelay $0x3  }
0x162: {  	s21 =	simm.s32 $0x12C80  }
0x163: {  	s24 =	simm.s32 $0x13080;
	[tilespmem:v50+s21+$0x0] =	vst.idx.add.f32.msk $0xffff, v7  }
0x164: {  	[tilespmem:v50+s24+$0x0] =	vst.idx.add.f32.msk $0xffff, v2  }
0x165: {  	v7 =	vld [tilespmem:s20+$0xFFFFFFE0];
	_ =	sdelay $0x4  }
0x166: {  	s8 =	sadd.s32 $0xFFFFFFB0, s0;
	v7 =	vmul.u32 $0xC80, v7  }
0x167: {  	v51 =	vor.u32 s8, v1  }
0x168: {  	v7 =	vadd.s32 v51, v7  }
0x169: {  	v13 =	vand.u32 $0x2F, v51;
	v7 =	vand.u32 $0xFFFFFF80, v7  }
0x16a: {  	v7 =	vor.u32 v13, v7  }
0x16b: {  	v12 =	vld.idx.msk [tilespmem:v12+s2+$0x0], $0xffff  }
0x16c: {  	v52 =	vld [tilespmem:s19+$0xFFFFFFE0];
	_ =	sdelay $0x2  }
0x16d: {  	s21 =	simm.s32 $0x12D00;
	v7 =	vld.idx.msk [tilespmem:v7+s2+$0x0], $0xffff  }
0x16e: {  	s8 =	simm.s32 $0x13100;
	[tilespmem:v10+s21+$0x0] =	vst.idx.add.f32.msk $0xffff, v12  }
0x16f: {  	[tilespmem:v10+s8+$0x0] =	vst.idx.add.f32.msk $0xffff, v2  }
0x170: {  	v10 =	vld [tilespmem:s15+$0xFFFFFFF0];
	_ =	sdelay $0x1  }
0x171: {  	[tilespmem:v52+s21+$0x0] =	vst.idx.add.f32.msk $0xffff, v7  }
0x172: {  	[tilespmem:v52+s8+$0x0] =	vst.idx.add.f32.msk $0xffff, v2  }
0x173: {  	v7 =	vld [tilespmem:s20+$0xFFFFFFF0]  }
0x174: {  	v10 =	vmul.u32 $0xC80, v10  }
0x175: {  	v53 =	vor.u32 s22, v1  }
0x176: {  	v10 =	vadd.s32 v53, v10  }
0x177: {  	v12 =	vand.u32 $0x3F, v53;
	v10 =	vand.u32 $0xFFFFFF80, v10  }
0x178: {  	v10 =	vor.u32 v12, v10;
	v7 =	vmul.u32 $0xC80, v7  }
0x179: {  	v54 =	vor.u32 s25, v1  }
0x17a: {  	v55 =	vld [tilespmem:s16+$0xFFFFFFF0];
	v7 =	vadd.s32 v54, v7  }
0x17b: {  	v12 =	vand.u32 $0x3F, v54;
	v7 =	vand.u32 $0xFFFFFF80, v7  }
0x17c: {  	v7 =	vor.u32 v12, v7  }
0x17d: {  	v10 =	vld.idx.msk [tilespmem:v10+s2+$0x0], $0xffff  }
0x17e: {  	v56 =	vld [tilespmem:s19+$0xFFFFFFF0];
	_ =	sdelay $0x2  }
0x17f: {  	s24 =	simm.s32 $0x12D80;
	v7 =	vld.idx.msk [tilespmem:v7+s2+$0x0], $0xffff  }
0x180: {  	s25 =	simm.s32 $0x13180;
	v11 =	vadd.s32 v5, v11;
	[tilespmem:v55+s24+$0x0] =	vst.idx.add.f32.msk $0xffff, v10  }
0x181: {  	v58 =	vand.u32 $0x4F, v5;
	v57 =	vand.u32 $0xFFFFFF80, v11;
	[tilespmem:v55+s25+$0x0] =	vst.idx.add.f32.msk $0xffff, v2  }
0x182: {  	v5 =	vor.u32 v58, v57;
	v59 =	vld [tilespmem:s15+$0x0]  }
0x183: {  	v60 =	vld [tilespmem:s13+$0x0]  }
0x184: {  	[tilespmem:v56+s24+$0x0] =	vst.idx.add.f32.msk $0xffff, v7  }
0x185: {  	[tilespmem:v56+s25+$0x0] =	vst.idx.add.f32.msk $0xffff, v2  }
0x186: {  	v7 =	vld [tilespmem:s20+$0x0]  }
0x187: {  	v5 =	vld.idx.msk [tilespmem:v5+s2+$0x0], $0xffff;
	v10 =	vmul.u32 $0xC80, v59;
	_ =	sdelay $0x1  }
0x188: {  	v10 =	vadd.s32 v4, v10  }
0x189: {  	v61 =	vand.u32 $0x4F, v4;
	v10 =	vand.u32 $0xFFFFFF80, v10  }
0x18a: {  	s21 =	simm.s32 $0x12E00;
	v4 =	vor.u32 v61, v10;
	v7 =	vmul.u32 $0xC80, v7  }
0x18b: {  	[tilespmem:v60+s21+$0x0] =	vst.idx.add.f32.msk $0xffff, v5  }
0x18c: {  	s5 =	simm.s32 $0x13200;
	v62 =	vld [tilespmem:s16+$0x0];
	v7 =	vadd.s32 v9, v7  }
0x18d: {  	v63 =	vand.u32 $0x4F, v9;
	[tilespmem:v60+s5+$0x0] =	vst.idx.add.f32.msk $0xffff, v2;
	v7 =	vand.u32 $0xFFFFFF80, v7  }
0x18e: {  	v12 =	vld [tilespmem:s10+$0x10];
	v7 =	vor.u32 v63, v7  }
0x18f: {  	v4 =	vld.idx.msk [tilespmem:v4+s2+$0x0], $0xffff  }
0x190: {  	v13 =	vld [tilespmem:s19+$0x0];
	_ =	sdelay $0x2  }
0x191: {  	v7 =	vld.idx.msk [tilespmem:v7+s2+$0x0], $0xffff  }
0x192: {  	[tilespmem:v62+s21+$0x0] =	vst.idx.add.f32.msk $0xffff, v4  }
0x193: {  	v14 =	vmul.u32 $0xC80, v12;
	[tilespmem:v62+s5+$0x0] =	vst.idx.add.f32.msk $0xffff, v2  }
0x194: {  	v15 =	vor.u32 s14, v1;
	v16 =	vld [tilespmem:s15+$0x10]  }
0x195: {  	v4 =	vadd.s32 v15, v14  }
0x196: {  	v5 =	vand.u32 $0x5F, v15;
	v4 =	vand.u32 $0xFFFFFF80, v4;
	[tilespmem:v13+s21+$0x0] =	vst.idx.add.f32.msk $0xffff, v7  }
0x197: {  	v4 =	vor.u32 v5, v4;
	[tilespmem:v13+s5+$0x0] =	vst.idx.add.f32.msk $0xffff, v2  }
0x198: {  	v17 =	vld [tilespmem:s20+$0x10]  }
0x199: {  	v18 =	vld [tilespmem:s13+$0x10];
	v19 =	vmul.u32 $0xC80, v16  }
0x19a: {  	v20 =	vor.u32 s17, v1  }
0x19b: {  	v9 =	vadd.s32 v20, v19  }
0x19c: {  	v10 =	vand.u32 $0x5F, v20;
	v4 =	vld.idx.msk [tilespmem:v4+s2+$0x0], $0xffff;
	v9 =	vand.u32 $0xFFFFFF80, v9  }
0x19d: {  	v9 =	vor.u32 v10, v9;
	v5 =	vmul.u32 $0xC80, v17  }
0x19e: {  	v21 =	vor.u32 s18, v1  }
0x19f: {  	v22 =	vld [tilespmem:s16+$0x10];
	v5 =	vadd.s32 v21, v5  }
0x1a0: {  	v23 =	vld [tilespmem:s6+$0x20];
	s18 =	simm.s32 $0x12E80;
	v10 =	vand.u32 $0x5F, v21;
	v5 =	vand.u32 $0xFFFFFF80, v5  }
0x1a1: {  	v8 =	vmul.u32 $0xC80, v8;
	[tilespmem:v18+s18+$0x0] =	vst.idx.add.f32.msk $0xffff, v4;
	v24 =	vor.u32 v10, v5  }
0x1a2: {  	v25 =	vor.u32 s11, v1;
	v9 =	vld.idx.msk [tilespmem:v9+s2+$0x0], $0xffff  }
0x1a3: {  	v8 =	vadd.s32 v25, v8;
	s21 =	simm.s32 $0x13280;
	v26 =	vld [tilespmem:s19+$0x10]  }
0x1a4: {  	v8 =	vand.u32 $0xFFFFFF80, v8;
	[tilespmem:v18+s21+$0x0] =	vst.idx.add.f32.msk $0xffff, v2;
	v5 =	vand.u32 $0x6F, v25  }
0x1a5: {  	v7 =	vld [tilespmem:s10+$0x20];
	v5 =	vor.u32 v5, v8  }
0x1a6: {  	v4 =	vld.idx.msk [tilespmem:v24+s2+$0x0], $0xffff  }
0x1a7: {  	[tilespmem:v22+s18+$0x0] =	vst.idx.add.f32.msk $0xffff, v9  }
0x1a8: {  	[tilespmem:v22+s21+$0x0] =	vst.idx.add.f32.msk $0xffff, v2  }
0x1a9: {  	v27 =	vld [tilespmem:s15+$0x20]  }
0x1aa: {  	v5 =	vld.idx.msk [tilespmem:v5+s2+$0x0], $0xffff  }
0x1ab: {  	v7 =	vmul.u32 $0xC80, v7;
	[tilespmem:v26+s18+$0x0] =	vst.idx.add.f32.msk $0xffff, v4  }
0x1ac: {  	v28 =	vor.u32 s4, v1;
	[tilespmem:v26+s21+$0x0] =	vst.idx.add.f32.msk $0xffff, v2  }
0x1ad: {  	v7 =	vadd.s32 v28, v7;
	v29 =	vld [tilespmem:s20+$0x20]  }
0x1ae: {  	v7 =	vand.u32 $0xFFFFFF80, v7;
	v8 =	vmul.u32 $0xC80, v27;
	v4 =	vand.u32 $0x6F, v28  }
0x1af: {  	v30 =	vor.u32 s12, v1;
	v4 =	vor.u32 v4, v7  }
0x1b0: {  	v32 =	vld [tilespmem:s13+$0x20];
	v31 =	vadd.s32 v30, v8  }
0x1b1: {  	s22 =	simm.s32 $0x12F00;
	v36 =	vld [tilespmem:s16+$0x20];
	v10 =	vand.u32 $0x6F, v30;
	v7 =	vand.u32 $0xFFFFFF80, v31  }
0x1b2: {  	v35 =	vor.u32 s23, v1;
	s23 =	simm.s32 $0x13300;
	[tilespmem:v23+s22+$0x0] =	vst.idx.add.f32.msk $0xffff, v5;
	v33 =	vor.u32 v10, v7;
	v34 =	vmul.u32 $0xC80, v29  }
0x1b3: {  	[tilespmem:v23+s23+$0x0] =	vst.idx.add.f32.msk $0xffff, v2  }
0x1b4: {  	v4 =	vld.idx.msk [tilespmem:v4+s2+$0x0], $0xffff;
	v7 =	vadd.s32 v35, v34  }
0x1b5: {  	v9 =	vand.u32 $0x6F, v35;
	v38 =	vld [tilespmem:s19+$0x20];
	v7 =	vand.u32 $0xFFFFFF80, v7  }
0x1b6: {  	v37 =	vld [tilespmem:s9+$0x30];
	v7 =	vor.u32 v9, v7  }
0x1b7: {  	v5 =	vld.idx.msk [tilespmem:v33+s2+$0x0], $0xffff  }
0x1b8: {  	v44 =	vld [tilespmem:s6+$0x30]  }
0x1b9: {  	[tilespmem:v32+s22+$0x0] =	vst.idx.add.f32.msk $0xffff, v4  }
0x1ba: {  	[tilespmem:v32+s23+$0x0] =	vst.idx.add.f32.msk $0xffff, v2  }
0x1bb: {  	v39 =	vld.idx.msk [tilespmem:v7+s2+$0x0], $0xffff  }
0x1bc: {  	[tilespmem:v36+s22+$0x0] =	vst.idx.add.f32.msk $0xffff, v5  }
0x1bd: {  	v41 =	vmul.u32 $0xC80, v37;
	v40 =	vld [tilespmem:s10+$0x30]  }
0x1be: {  	[tilespmem:v36+s23+$0x0] =	vst.idx.add.f32.msk $0xffff, v2  }
0x1bf: {  	v42 =	vadd.s32 s1, v41;
	v5 =	vld [tilespmem:s15+$0x30]  }
0x1c0: {  	v4 =	vadd.s32 v1, v42;
	[tilespmem:v38+s22+$0x0] =	vst.idx.add.f32.msk $0xffff, v39  }
0x1c1: {  	[tilespmem:v38+s23+$0x0] =	vst.idx.add.f32.msk $0xffff, v2  }
0x1c2: {  	v43 =	vld [tilespmem:s20+$0x30]  }
0x1c3: {  	v7 =	vmul.u32 $0xC80, v40;
	_ =	sdelay $0x1  }
0x1c4: {  	s24 =	simm.s32 $0x12F80;
	v4 =	vld.idx.msk [tilespmem:v4+s2+$0x0], $0xffff;
	v5 =	vmul.u32 $0xC80, v5;
	v7 =	vadd.s32 s7, v7  }
0x1c5: {  	[tilespmem:v3+s24+$0x0] =	vst.idx.add.f32.msk $0xffff, v6;
	s25 =	simm.s32 $0x13380;
	v7 =	vadd.s32 v1, v7  }
0x1c6: {  	[tilespmem:v3+s25+$0x0] =	vst.idx.add.f32.msk $0xffff, v2;
	v5 =	vadd.s32 s3, v5;
	v8 =	vmul.u32 $0xC80, v43  }
0x1c7: {  	v45 =	vld [tilespmem:s13+$0x30];
	v5 =	vadd.s32 v1, v5  }
0x1c8: {  	v46 =	vld [tilespmem:s16+$0x30];
	v8 =	vadd.s32 s0, v8  }
0x1c9: {  	[tilespmem:v44+s24+$0x0] =	vst.idx.add.f32.msk $0xffff, v4;
	v3 =	vadd.s32 v1, v8  }
0x1ca: {  	v48 =	vld.idx.msk [tilespmem:v7+s2+$0x0], $0xffff  }
0x1cb: {  	v47 =	vld [tilespmem:s19+$0x30]  }
0x1cc: {  	v49 =	vld.idx.msk [tilespmem:v5+s2+$0x0], $0xffff  }
0x1cd: {  	[tilespmem:v44+s25+$0x0] =	vst.idx.add.f32.msk $0xffff, v2  }
0x1ce: {  	v3 =	vld.idx.msk [tilespmem:v3+s2+$0x0], $0xffff  }
0x1cf: {  	[tilespmem:v45+s24+$0x0] =	vst.idx.add.f32.msk $0xffff, v48  }
0x1d0: {  	[tilespmem:v45+s25+$0x0] =	vst.idx.add.f32.msk $0xffff, v2  }
0x1d1: {  	[tilespmem:v46+s24+$0x0] =	vst.idx.add.f32.msk $0xffff, v49  }
0x1d2: {  	[tilespmem:v46+s25+$0x0] =	vst.idx.add.f32.msk $0xffff, v2  }
0x1d3: {  	[tilespmem:v47+s24+$0x0] =	vst.idx.add.f32.msk $0xffff, v3  }
0x1d4: {  	[tilespmem:v47+s25+$0x0] =	vst.idx.add.f32.msk $0xffff, v2  }
0x1d5: {  	v3 =	vld [tilespmem:$0x12C00]  }
0x1d6: {  	v4 =	vld [tilespmem:$0x13000]  }
0x1d7: {  	v50 =	vld [tilespmem:$0x12C80]  }
0x1d8: {  	v6 =	vld [tilespmem:$0x13080]  }
0x1d9: {  	v51 =	vld [tilespmem:$0x12D00]  }
0x1da: {  	v52 =	vld [tilespmem:$0x13100]  }
0x1db: {  	v9 =	vld [tilespmem:$0x12D80]  }
0x1dc: {  	v53 =	vld [tilespmem:$0x13180];
	v3 =	vadd.f32 v50, v3  }
0x1dd: {  	v54 =	vld [tilespmem:$0x12E00];
	v4 =	vadd.f32 v6, v4  }
0x1de: {  	v55 =	vld [tilespmem:$0x13200];
	v3 =	vadd.f32 v51, v3  }
0x1df: {  	v56 =	vld [tilespmem:$0x12E80];
	v4 =	vadd.f32 v52, v4  }
0x1e0: {  	v57 =	vld [tilespmem:$0x13280];
	v3 =	vadd.f32 v9, v3  }
0x1e1: {  	s11 =	rddreg [dreg:$0x0];
	v58 =	vld [tilespmem:$0x12F00];
	v4 =	vadd.f32 v53, v4  }
0x1e2: {  	s12 =	rddreg [dreg:$0x1];
	v59 =	vld [tilespmem:$0x13300];
	v3 =	vadd.f32 v54, v3  }
0x1e3: {  	s13 =	rddreg [dreg:$0x2];
	v60 =	vld [tilespmem:$0x12F80];
	v4 =	vadd.f32 v55, v4  }
0x1e4: {  	v61 =	vld [tilespmem:$0x13380];
	s14 =	rddreg [dreg:$0x5];
	v3 =	vadd.f32 v56, v3  }
0x1e5: {  	v62 =	vld [tilespmem:$0x13400];
	s15 =	rddreg [dreg:$0x6];
	v4 =	vadd.f32 v57, v4  }
0x1e6: {  	v63 =	vld [tilespmem:$0x13480];
	s16 =	rddreg [dreg:$0x8];
	v3 =	vadd.f32 v58, v3  }
0x1e7: {  	s17 =	rddreg [dreg:$0x9];
	v4 =	vadd.f32 v59, v4  }
0x1e8: {  	s18 =	rddreg [dreg:$0xc];
	v3 =	vadd.f32 v60, v3  }
0x1e9: {  	s28 =	simm.s32 $0x13080;
	s29 =	simm.s32 $0x12D00;
	s19 =	rddreg [dreg:$0xe];
	v4 =	vadd.f32 v61, v4  }
0x1ea: {  	s31 =	simm.s32 $0x13180;
	s30 =	simm.s32 $0x12E00;
	s20 =	rddreg [dreg:$0xf];
	v3 =	vadd.f32 v62, v3  }
0x1eb: {  	s8 =	simm.s32 $0x12D80;
	s5 =	simm.s32 $0x0;
	s22 =	rddreg [dreg:$0x12];
	v4 =	vadd.f32 v63, v4  }
0x1ec: {  	s21 =	simm.s32 $0x13100;
	s2 =	simm.s32 $0x7D00;
	s23 =	rddreg [dreg:$0x13];
	[tilespmem:$0x13400] =	vst v3  }
0x1ed: {  	s24 =	simm.s32 $0x13000;
	s25 =	simm.s32 $0x12C80;
	s4 =	rddreg [dreg:$0x1f];
	[tilespmem:$0x13480] =	vst v4  }
.LBB2_6:
0x1ee: {  	s0 =	sadd.s32 $0x2, s4  }
0x1ef: {  	p1 =	sge.u32 s0, s15  }
0x1f0: {  	s0 =	sshll.u32 @!p1 s0, $0x5  }
0x1f1: {  	s0 =	sor.u32 @!p1 s14, s0  }
0x1f2: {  	s1 =	smul.u32 @!p1 $0x6400, s0;
	_ =	sdelay $0x1  }
0x1f3: {  	s4 =	simm.s32 @!p1 $0x80;
	s1 =	sshrl.u32 @!p1 s1, $0x3  }
0x1f4: {  	s6 =	simm.s32 @!p1 $0x400;
	s7 =	simm.s32 @!p1 $0x0;
	s3 =	sadd.s32 @!p1 s11, s1  }
0x1f5: {  	[tilespmem:s7], [sflag:$0x1] =	stream.strided.gather @!p1 [hbm4b:s3+s4], $0xC80, s6, s4, $0x38;
	[tilespmem:$0x13500] =	vst v63  }
0x1f6: {  	s10 =	simm.s32 @!p1 $0xC80;
	s9 =	sadd.s32 @!p1 s1, s16  }
0x1f7: {  	[tilespmem:s10], [sflag:$0x1] =	stream.strided.gather @!p1 [hbm4b:s9+s4], $0xC80, s6, s4, $0x38;
	[tilespmem:$0x13500] =	vst v63  }
0x1f8: {  	s9 =	sadd.s32 @!p1 s1, s17;
	s10 =	simm.s32 @!p1 $0x1900  }
0x1f9: {  	[tilespmem:s10], [sflag:$0x1] =	stream.strided.gather @!p1 [hbm4b:s9+s4], $0xC80, s6, s4, $0x38;
	[tilespmem:$0x13500] =	vst v63  }
0x1fa: {  	s9 =	sadd.s32 @!p1 s1, s18;
	s10 =	simm.s32 @!p1 $0x2580  }
0x1fb: {  	[tilespmem:s10], [sflag:$0x1] =	stream.strided.gather @!p1 [hbm4b:s9+s4], $0xC80, s6, s4, $0x38;
	[tilespmem:$0x13500] =	vst v63  }
0x1fc: {  	s9 =	sadd.s32 @!p1 s1, s19;
	s10 =	simm.s32 @!p1 $0x3200  }
0x1fd: {  	[tilespmem:s10], [sflag:$0x1] =	stream.strided.gather @!p1 [hbm4b:s9+s4], $0xC80, s6, s4, $0x38;
	[tilespmem:$0x13500] =	vst v63  }
0x1fe: {  	s9 =	sadd.s32 @!p1 s1, s20;
	s10 =	simm.s32 @!p1 $0x3E80  }
0x1ff: {  	[tilespmem:s10], [sflag:$0x1] =	stream.strided.gather @!p1 [hbm4b:s9+s4], $0xC80, s6, s4, $0x38;
	[tilespmem:$0x13500] =	vst v63  }
0x200: {  	s9 =	sadd.s32 @!p1 s1, s22;
	s10 =	simm.s32 @!p1 $0x4B00  }
0x201: {  	[tilespmem:s10], [sflag:$0x1] =	stream.strided.gather @!p1 [hbm4b:s9+s4], $0xC80, s6, s4, $0x38;
	[tilespmem:$0x13500] =	vst v63  }
0x202: {  	s1 =	sadd.s32 @!p1 s1, s23;
	s9 =	simm.s32 @!p1 $0x5780  }
0x203: {  	[tilespmem:s9], [sflag:$0x1] =	stream.strided.gather @!p1 [hbm4b:s1+s4], $0xC80, s6, s4, $0x38;
	[tilespmem:$0x13500] =	vst v63  }
0x204: {  	s1 =	sadd.s32 @!p1 $0x1E8480, s3;
	s9 =	simm.s32 @!p1 $0x6400  }
0x205: {  	[tilespmem:s9], [sflag:$0x1] =	stream.strided.gather @!p1 [hbm4b:s1+s4], $0xC80, s6, s4, $0x38;
	[tilespmem:$0x13500] =	vst v63  }
0x206: {  	s0 =	smul.u32 @!p1 $0x190, s0;
	s1 =	sadd.s32 @!p1 $0x1E8490, s3;
	s3 =	simm.s32 @!p1 $0x7080  }
0x207: {  	[tilespmem:s3], [sflag:$0x1] =	stream.strided.gather @!p1 [hbm4b:s1+s4], $0xC80, s6, s4, $0x38;
	[tilespmem:$0x13500] =	vst v63  }
.Ltmp6:
0x208: {  	_ = 	snop;
	(pc) =	sbr.rel @p0 .LBB2_10-.Ltmp6, $4  }
0x209: {  	s1 =	sadd.s32 @!p1 s12, s0;
	s3 =	simm.s32 @!p1 $0xFA00  }
0x20a: {  	[tilespmem:s3], [sflag:$0x1] =	stream.linear.gather @!p1 [hbm4b:s1+s7], $0xC80, $0x38;
	[tilespmem:$0x13500] =	vst v63  }
0x20b: {  	s0 =	sadd.s32 @!p1 s13, s0;
	s1 =	simm.s32 @!p1 $0x11300  }
0x20c: {  	[tilespmem:s1], [sflag:$0x1] =	stream.linear.gather @!p1 [hbm4b:s0+s7], $0xC80, $0x38;
	[tilespmem:$0x13500] =	vst v63  }
0x20d: {  	s0 =	simm.s32 $0x2  }
0x20e: {  	_ =	swait.ge [sflag:s0], $0xC80  }
0x20f: {  	[sflag:s0] =	ssyncset.done $0x0  }
0x210: {  	[sflag:s0] =	ssyncadd.s32 $0xFFFFF380  }
0x211: {  	_ =	swait.ge [sflag:s0], $0xC80  }
0x212: {  	[sflag:s0] =	ssyncset.done $0x0  }
0x213: {  	[sflag:s0] =	ssyncadd.s32 $0xFFFFF380  }
0x214: {  	_ =	swait.ge [sflag:s0], $0xC80  }
0x215: {  	[sflag:s0] =	ssyncset.done $0x0  }
0x216: {  	[sflag:s0] =	ssyncadd.s32 $0xFFFFF380  }
0x217: {  	_ =	swait.ge [sflag:s0], $0xC80  }
0x218: {  	[sflag:s0] =	ssyncset.done $0x0  }
0x219: {  	[sflag:s0] =	ssyncadd.s32 $0xFFFFF380  }
0x21a: {  	_ =	swait.ge [sflag:s0], $0xC80  }
0x21b: {  	[sflag:s0] =	ssyncset.done $0x0  }
0x21c: {  	[sflag:s0] =	ssyncadd.s32 $0xFFFFF380  }
0x21d: {  	_ =	swait.ge [sflag:s0], $0xC80  }
0x21e: {  	[sflag:s0] =	ssyncset.done $0x0  }
0x21f: {  	[sflag:s0] =	ssyncadd.s32 $0xFFFFF380  }
0x220: {  	_ =	swait.ge [sflag:s0], $0xC80  }
0x221: {  	[sflag:s0] =	ssyncset.done $0x0  }
0x222: {  	[sflag:s0] =	ssyncadd.s32 $0xFFFFF380  }
0x223: {  	_ =	swait.ge [sflag:s0], $0xC80  }
0x224: {  	[sflag:s0] =	ssyncset.done $0x0  }
0x225: {  	[sflag:s0] =	ssyncadd.s32 $0xFFFFF380  }
0x226: {  	_ =	swait.ge [sflag:s0], $0xC80  }
0x227: {  	[sflag:s0] =	ssyncset.done $0x0  }
0x228: {  	[sflag:s0] =	ssyncadd.s32 $0xFFFFF380  }
0x229: {  	_ =	swait.ge [sflag:s0], $0xC80  }
0x22a: {  	[sflag:s0] =	ssyncset.done $0x0  }
0x22b: {  	[sflag:s0] =	ssyncadd.s32 $0xFFFFF380  }
0x22c: {  	_ =	swait.ge [sflag:s0], $0xC80  }
0x22d: {  	[sflag:s0] =	ssyncset.done $0x0  }
0x22e: {  	[sflag:s0] =	ssyncadd.s32 $0xFFFFF380  }
0x22f: {  	_ =	swait.ge [sflag:s0], $0xC80  }
0x230: {  	[sflag:s0] =	ssyncset.done $0x0  }
0x231: {  	[sflag:s0] =	ssyncadd.s32 $0xFFFFF380  }
0x232: {  	[tilespmem:$0x12C00] =	vst v0  }
0x233: {  	[tilespmem:$0x13000] =	vst v0  }
0x234: {  	[tilespmem:$0x12C80] =	vst v0  }
0x235: {  	[tilespmem:$0x13080] =	vst v0  }
0x236: {  	[tilespmem:$0x12D00] =	vst v0  }
0x237: {  	[tilespmem:$0x13100] =	vst v0  }
0x238: {  	[tilespmem:$0x12D80] =	vst v0  }
0x239: {  	[tilespmem:$0x13180] =	vst v0  }
0x23a: {  	[tilespmem:$0x12E00] =	vst v0  }
0x23b: {  	[tilespmem:$0x13200] =	vst v0  }
0x23c: {  	[tilespmem:$0x12E80] =	vst v0  }
0x23d: {  	[tilespmem:$0x13280] =	vst v0  }
0x23e: {  	[tilespmem:$0x12F00] =	vst v0  }
0x23f: {  	[tilespmem:$0x13300] =	vst v0  }
0x240: {  	[tilespmem:$0x12F80] =	vst v0  }
0x241: {  	s0 =	simm.s32 $0x106C0;
	[tilespmem:$0x13380] =	vst v0  }
0x242: {  	v3 =	vld [tilespmem:s0+$0xFFFFFFC0];
	_ =	sdelay $0x4  }
0x243: {  	v3 =	vmul.u32 $0xC80, v3  }
0x244: {  	s1 =	simm.s32 $0x0  }
0x245: {  	v3 =	vadd.s32 s1, v3  }
0x246: {  	v3 =	vor.u32 v1, v3  }
0x247: {  	s3 =	simm.s32 $0x11FC0  }
0x248: {  	v4 =	vld [tilespmem:s3+$0xFFFFFFC0];
	_ =	sdelay $0x2  }
0x249: {  	v3 =	vld.idx.msk [tilespmem:v3+s2+$0x0], $0xffff;
	_ =	sdelay $0x4  }
0x24a: {  	[tilespmem:v4+s26+$0x0] =	vst.idx.add.f32.msk $0xffff, v3  }
0x24b: {  	[tilespmem:v4+s24+$0x0] =	vst.idx.add.f32.msk $0xffff, v2  }
0x24c: {  	v3 =	vld [tilespmem:s0+$0xFFFFFFD0];
	_ =	sdelay $0x4  }
0x24d: {  	s13 =	simm.s32 $0x10;
	v3 =	vmul.u32 $0xC80, v3  }
0x24e: {  	v4 =	vor.u32 s13, v1  }
0x24f: {  	v3 =	vadd.s32 v4, v3  }
0x250: {  	v4 =	vand.u32 $0x1F, v4;
	v3 =	vand.u32 $0xFFFFFF80, v3  }
0x251: {  	v3 =	vor.u32 v4, v3;
	_ =	sdelay $0x1  }
0x252: {  	v4 =	vld [tilespmem:s3+$0xFFFFFFD0];
	_ =	sdelay $0x2  }
0x253: {  	s6 =	simm.s32 $0x10740;
	v3 =	vld.idx.msk [tilespmem:v3+s2+$0x0], $0xffff  }
0x254: {  	v5 =	vld [tilespmem:s6+$0xFFFFFFC0];
	_ =	sdelay $0x3  }
0x255: {  	[tilespmem:v4+s25+$0x0] =	vst.idx.add.f32.msk $0xffff, v3  }
0x256: {  	[tilespmem:v4+s28+$0x0] =	vst.idx.add.f32.msk $0xffff, v2;
	v4 =	vmul.u32 $0xC80, v5  }
0x257: {  	s14 =	simm.s32 $0x80;
	v3 =	vld [tilespmem:s0+$0xFFFFFFE0]  }
0x258: {  	v4 =	vadd.s32 s14, v4  }
0x259: {  	v4 =	vor.u32 v1, v4  }
0x25a: {  	s1 =	simm.s32 $0x12040  }
0x25b: {  	v6 =	vld [tilespmem:s1+$0xFFFFFFC0]  }
0x25c: {  	s15 =	simm.s32 $0x20;
	v3 =	vmul.u32 $0xC80, v3  }
0x25d: {  	v5 =	vor.u32 s15, v1  }
0x25e: {  	v3 =	vadd.s32 v5, v3;
	v4 =	vld.idx.msk [tilespmem:v4+s2+$0x0], $0xffff  }
0x25f: {  	v5 =	vand.u32 $0x2F, v5;
	v3 =	vand.u32 $0xFFFFFF80, v3  }
0x260: {  	v3 =	vor.u32 v5, v3;
	_ =	sdelay $0x1  }
0x261: {  	v5 =	vld [tilespmem:s3+$0xFFFFFFE0]  }
0x262: {  	[tilespmem:v6+s26+$0x0] =	vst.idx.add.f32.msk $0xffff, v4  }
0x263: {  	[tilespmem:v6+s24+$0x0] =	vst.idx.add.f32.msk $0xffff, v2  }
0x264: {  	v3 =	vld.idx.msk [tilespmem:v3+s2+$0x0], $0xffff  }
0x265: {  	v4 =	vld [tilespmem:s6+$0xFFFFFFD0];
	_ =	sdelay $0x4  }
0x266: {  	s4 =	simm.s32 $0x90;
	[tilespmem:v5+s29+$0x0] =	vst.idx.add.f32.msk $0xffff, v3;
	v4 =	vmul.u32 $0xC80, v4  }
0x267: {  	[tilespmem:v5+s21+$0x0] =	vst.idx.add.f32.msk $0xffff, v2;
	v5 =	vor.u32 s4, v1  }
0x268: {  	v3 =	vld [tilespmem:s0+$0xFFFFFFF0];
	v4 =	vadd.s32 v5, v4  }
0x269: {  	v5 =	vand.u32 $0x1F, v5;
	v4 =	vand.u32 $0xFFFFFF80, v4  }
0x26a: {  	v4 =	vor.u32 v5, v4;
	_ =	sdelay $0x1  }
0x26b: {  	v6 =	vld [tilespmem:s1+$0xFFFFFFD0]  }
0x26c: {  	s16 =	simm.s32 $0x30;
	v3 =	vmul.u32 $0xC80, v3  }
0x26d: {  	v5 =	vor.u32 s16, v1  }
0x26e: {  	v3 =	vadd.s32 v5, v3;
	v4 =	vld.idx.msk [tilespmem:v4+s2+$0x0], $0xffff  }
0x26f: {  	v5 =	vand.u32 $0x3F, v5;
	v3 =	vand.u32 $0xFFFFFF80, v3  }
0x270: {  	s9 =	simm.s32 $0x107C0;
	v3 =	vor.u32 v5, v3  }
0x271: {  	v7 =	vld [tilespmem:s9+$0xFFFFFFC0]  }
0x272: {  	v5 =	vld [tilespmem:s3+$0xFFFFFFF0]  }
0x273: {  	[tilespmem:v6+s25+$0x0] =	vst.idx.add.f32.msk $0xffff, v4  }
0x274: {  	[tilespmem:v6+s28+$0x0] =	vst.idx.add.f32.msk $0xffff, v2  }
0x275: {  	v3 =	vld.idx.msk [tilespmem:v3+s2+$0x0], $0xffff  }
0x276: {  	v4 =	vld [tilespmem:s6+$0xFFFFFFE0];
	_ =	sdelay $0x2  }
0x277: {  	v6 =	vmul.u32 $0xC80, v7  }
0x278: {  	s17 =	simm.s32 $0x100;
	[tilespmem:v5+s8+$0x0] =	vst.idx.add.f32.msk $0xffff, v3  }
0x279: {  	s18 =	simm.s32 $0xA0;
	v3 =	vadd.s32 s17, v6;
	v4 =	vmul.u32 $0xC80, v4;
	[tilespmem:v5+s31+$0x0] =	vst.idx.add.f32.msk $0xffff, v2  }
0x27a: {  	v6 =	vor.u32 s18, v1;
	v3 =	vor.u32 v1, v3;
	v5 =	vld [tilespmem:s0+$0x0]  }
0x27b: {  	s10 =	simm.s32 $0x120C0;
	v4 =	vadd.s32 v6, v4  }
0x27c: {  	v7 =	vld [tilespmem:s10+$0xFFFFFFC0];
	v6 =	vand.u32 $0x2F, v6;
	v4 =	vand.u32 $0xFFFFFF80, v4  }
0x27d: {  	v4 =	vor.u32 v6, v4  }
0x27e: {  	v8 =	vld [tilespmem:s1+$0xFFFFFFE0]  }
0x27f: {  	s19 =	simm.s32 $0x40;
	v3 =	vld.idx.msk [tilespmem:v3+s2+$0x0], $0xffff;
	v5 =	vmul.u32 $0xC80, v5  }
0x280: {  	v6 =	vor.u32 s19, v1  }
0x281: {  	v5 =	vadd.s32 v6, v5  }
0x282: {  	v6 =	vand.u32 $0x4F, v6;
	v4 =	vld.idx.msk [tilespmem:v4+s2+$0x0], $0xffff;
	v5 =	vand.u32 $0xFFFFFF80, v5  }
0x283: {  	v5 =	vor.u32 v6, v5;
	v6 =	vld [tilespmem:s3+$0x0]  }
0x284: {  	[tilespmem:v7+s26+$0x0] =	vst.idx.add.f32.msk $0xffff, v3  }
0x285: {  	[tilespmem:v7+s24+$0x0] =	vst.idx.add.f32.msk $0xffff, v2  }
0x286: {  	v3 =	vld [tilespmem:s9+$0xFFFFFFD0]  }
0x287: {  	[tilespmem:v8+s29+$0x0] =	vst.idx.add.f32.msk $0xffff, v4  }
0x288: {  	[tilespmem:v8+s21+$0x0] =	vst.idx.add.f32.msk $0xffff, v2  }
0x289: {  	v5 =	vld.idx.msk [tilespmem:v5+s2+$0x0], $0xffff  }
0x28a: {  	v4 =	vld [tilespmem:s6+$0xFFFFFFF0];
	_ =	sdelay $0x1  }
0x28b: {  	s20 =	simm.s32 $0x110;
	v3 =	vmul.u32 $0xC80, v3  }
0x28c: {  	s11 =	simm.s32 $0x12E00;
	v7 =	vor.u32 s20, v1  }
0x28d: {  	s7 =	simm.s32 $0x13200;
	v3 =	vadd.s32 v7, v3;
	[tilespmem:v6+s11+$0x0] =	vst.idx.add.f32.msk $0xffff, v5  }
0x28e: {  	s22 =	simm.s32 $0xB0;
	v3 =	vand.u32 $0xFFFFFF80, v3;
	v5 =	vand.u32 $0x1F, v7;
	v4 =	vmul.u32 $0xC80, v4;
	[tilespmem:v6+s7+$0x0] =	vst.idx.add.f32.msk $0xffff, v2  }
0x28f: {  	v3 =	vor.u32 v5, v3;
	v6 =	vor.u32 s22, v1;
	v5 =	vld [tilespmem:s0+$0x10]  }
0x290: {  	v4 =	vadd.s32 v6, v4  }
0x291: {  	v7 =	vld [tilespmem:s10+$0xFFFFFFD0];
	v6 =	vand.u32 $0x3F, v6;
	v4 =	vand.u32 $0xFFFFFF80, v4  }
0x292: {  	v4 =	vor.u32 v6, v4  }
0x293: {  	v9 =	vld [tilespmem:s1+$0xFFFFFFF0]  }
0x294: {  	s23 =	simm.s32 $0x50;
	v3 =	vld.idx.msk [tilespmem:v3+s2+$0x0], $0xffff;
	v5 =	vmul.u32 $0xC80, v5  }
0x295: {  	v8 =	vor.u32 s23, v1  }
0x296: {  	v6 =	vld [tilespmem:s3+$0x10];
	v5 =	vadd.s32 v8, v5  }
0x297: {  	s13 =	simm.s32 $0x10840;
	v8 =	vand.u32 $0x5F, v8;
	v4 =	vld.idx.msk [tilespmem:v4+s2+$0x0], $0xffff;
	v5 =	vand.u32 $0xFFFFFF80, v5  }
0x298: {  	v5 =	vor.u32 v8, v5;
	v8 =	vld [tilespmem:s13+$0xFFFFFFC0]  }
0x299: {  	[tilespmem:v7+s25+$0x0] =	vst.idx.add.f32.msk $0xffff, v3  }
0x29a: {  	[tilespmem:v7+s28+$0x0] =	vst.idx.add.f32.msk $0xffff, v2  }
0x29b: {  	v3 =	vld [tilespmem:s9+$0xFFFFFFE0]  }
0x29c: {  	[tilespmem:v9+s8+$0x0] =	vst.idx.add.f32.msk $0xffff, v4  }
0x29d: {  	v5 =	vld.idx.msk [tilespmem:v5+s2+$0x0], $0xffff;
	v7 =	vmul.u32 $0xC80, v8  }
0x29e: {  	s5 =	simm.s32 $0x180;
	[tilespmem:v9+s31+$0x0] =	vst.idx.add.f32.msk $0xffff, v2  }
0x29f: {  	v4 =	vadd.s32 s5, v7;
	v7 =	vld [tilespmem:s6+$0x0]  }
0x2a0: {  	s12 =	simm.s32 $0x120;
	s15 =	simm.s32 $0x12140;
	v3 =	vmul.u32 $0xC80, v3;
	v4 =	vor.u32 v1, v4  }
0x2a1: {  	s30 =	simm.s32 $0x12E80;
	v9 =	vor.u32 s12, v1;
	v8 =	vld [tilespmem:s15+$0xFFFFFFC0]  }
0x2a2: {  	s14 =	simm.s32 $0x13280;
	v3 =	vadd.s32 v9, v3;
	[tilespmem:v6+s30+$0x0] =	vst.idx.add.f32.msk $0xffff, v5  }
0x2a3: {  	v3 =	vand.u32 $0xFFFFFF80, v3;
	v5 =	vand.u32 $0x2F, v9;
	[tilespmem:v6+s14+$0x0] =	vst.idx.add.f32.msk $0xffff, v2  }
0x2a4: {  	s16 =	simm.s32 $0xC0;
	v3 =	vor.u32 v5, v3;
	v5 =	vld [tilespmem:s0+$0x20];
	v6 =	vmul.u32 $0xC80, v7  }
0x2a5: {  	v7 =	vor.u32 s16, v1;
	v4 =	vld.idx.msk [tilespmem:v4+s2+$0x0], $0xffff  }
0x2a6: {  	v9 =	vld [tilespmem:s10+$0xFFFFFFE0];
	v6 =	vadd.s32 v7, v6  }
0x2a7: {  	v11 =	vld [tilespmem:s1+$0x0];
	v7 =	vand.u32 $0x4F, v7;
	v6 =	vand.u32 $0xFFFFFF80, v6  }
0x2a8: {  	v10 =	vld [tilespmem:s3+$0x20];
	v6 =	vor.u32 v7, v6  }
0x2a9: {  	s17 =	simm.s32 $0x60;
	v3 =	vld.idx.msk [tilespmem:v3+s2+$0x0], $0xffff;
	v5 =	vmul.u32 $0xC80, v5  }
0x2aa: {  	v7 =	vor.u32 s17, v1;
	[tilespmem:v8+s26+$0x0] =	vst.idx.add.f32.msk $0xffff, v4  }
0x2ab: {  	v4 =	vadd.s32 v7, v5;
	[tilespmem:v8+s24+$0x0] =	vst.idx.add.f32.msk $0xffff, v2  }
0x2ac: {  	v5 =	vand.u32 $0x6F, v7;
	v4 =	vand.u32 $0xFFFFFF80, v4;
	v7 =	vld [tilespmem:s13+$0xFFFFFFD0]  }
0x2ad: {  	v4 =	vor.u32 v5, v4;
	v5 =	vld.idx.msk [tilespmem:v6+s2+$0x0], $0xffff  }
0x2ae: {  	[tilespmem:v9+s29+$0x0] =	vst.idx.add.f32.msk $0xffff, v3  }
0x2af: {  	[tilespmem:v9+s21+$0x0] =	vst.idx.add.f32.msk $0xffff, v2  }
0x2b0: {  	v3 =	vld [tilespmem:s9+$0xFFFFFFF0];
	_ =	sdelay $0x1  }
0x2b1: {  	s18 =	simm.s32 $0x190;
	v6 =	vmul.u32 $0xC80, v7  }
0x2b2: {  	v7 =	vor.u32 s18, v1;
	v4 =	vld.idx.msk [tilespmem:v4+s2+$0x0], $0xffff  }
0x2b3: {  	[tilespmem:v11+s11+$0x0] =	vst.idx.add.f32.msk $0xffff, v5;
	v6 =	vadd.s32 v7, v6  }
0x2b4: {  	s19 =	simm.s32 $0x130;
	[tilespmem:v11+s7+$0x0] =	vst.idx.add.f32.msk $0xffff, v2;
	v5 =	vand.u32 $0xFFFFFF80, v6;
	v6 =	vand.u32 $0x1F, v7;
	v3 =	vmul.u32 $0xC80, v3  }
0x2b5: {  	v7 =	vor.u32 s19, v1;
	v5 =	vor.u32 v6, v5;
	v6 =	vld [tilespmem:s6+$0x10]  }
0x2b6: {  	s20 =	simm.s32 $0x12F00;
	v8 =	vld [tilespmem:s15+$0xFFFFFFD0];
	v3 =	vadd.s32 v7, v3  }
0x2b7: {  	[tilespmem:v10+s20+$0x0] =	vst.idx.add.f32.msk $0xffff, v4;
	v3 =	vand.u32 $0xFFFFFF80, v3;
	v4 =	vand.u32 $0x3F, v7  }
0x2b8: {  	s21 =	simm.s32 $0x13300;
	v11 =	vld [tilespmem:s1+$0x10];
	v4 =	vor.u32 v4, v3  }
0x2b9: {  	[tilespmem:v10+s21+$0x0] =	vst.idx.add.f32.msk $0xffff, v2  }
0x2ba: {  	s22 =	simm.s32 $0xD0;
	v5 =	vld.idx.msk [tilespmem:v5+s2+$0x0], $0xffff;
	v6 =	vmul.u32 $0xC80, v6  }
0x2bb: {  	v7 =	vor.u32 s22, v1;
	v10 =	vld [tilespmem:s10+$0xFFFFFFF0]  }
0x2bc: {  	v9 =	vld [tilespmem:s0+$0x30];
	v6 =	vadd.s32 v7, v6  }
0x2bd: {  	s19 =	simm.s32 $0x108C0;
	v12 =	vand.u32 $0x5F, v7;
	v6 =	vand.u32 $0xFFFFFF80, v6;
	v4 =	vld.idx.msk [tilespmem:v4+s2+$0x0], $0xffff  }
0x2be: {  	v6 =	vor.u32 v12, v6;
	v12 =	vld [tilespmem:s19+$0xFFFFFFC0]  }
0x2bf: {  	[tilespmem:v8+s25+$0x0] =	vst.idx.add.f32.msk $0xffff, v5  }
0x2c0: {  	[tilespmem:v8+s28+$0x0] =	vst.idx.add.f32.msk $0xffff, v2  }
0x2c1: {  	v9 =	vmul.u32 $0xC80, v9;
	v8 =	vld [tilespmem:s13+$0xFFFFFFE0]  }
0x2c2: {  	s23 =	simm.s32 $0x70;
	s16 =	simm.s32 $0x121C0;
	v3 =	vld [tilespmem:s3+$0x30]  }
0x2c3: {  	v7 =	vld [tilespmem:s16+$0xFFFFFFC0];
	v5 =	vadd.s32 s23, v9  }
0x2c4: {  	s4 =	simm.s32 $0x160;
	s12 =	simm.s32 $0x1A0;
	v5 =	vadd.s32 v1, v5;
	[tilespmem:v10+s8+$0x0] =	vst.idx.add.f32.msk $0xffff, v4  }
0x2c5: {  	v13 =	vor.u32 s12, v1;
	s12 =	simm.s32 $0x1E0;
	s5 =	simm.s32 $0x13180;
	s14 =	simm.s32 $0x150;
	v9 =	vld.idx.msk [tilespmem:v6+s2+$0x0], $0xffff;
	v12 =	vmul.u32 $0xC80, v12  }
0x2c6: {  	s17 =	simm.s32 $0x1D0;
	s24 =	simm.s32 $0x140;
	s18 =	simm.s32 $0x200;
	[tilespmem:v10+s31+$0x0] =	vst.idx.add.f32.msk $0xffff, v2;
	v8 =	vmul.u32 $0xC80, v8  }
0x2c7: {  	s29 =	simm.s32 $0x13100;
	s11 =	simm.s32 $0xE0;
	s7 =	simm.s32 $0x170;
	v14 =	vld [tilespmem:s9+$0x0];
	v12 =	vadd.s32 s18, v12  }
0x2c8: {  	v15 =	vand.u32 $0x2F, v13;
	s20 =	simm.s32 $0xF0;
	s22 =	simm.s32 $0x1B0;
	s21 =	simm.s32 $0x13380;
	v10 =	vld [tilespmem:s15+$0xFFFFFFE0];
	v8 =	vadd.s32 v13, v8;
	v13 =	vor.u32 v1, v12  }
0x2c9: {  	s3 =	simm.s32 $0x1F0;
	s0 =	simm.s32 $0x270;
	s25 =	simm.s32 $0x1C0;
	v6 =	vld.idx.msk [tilespmem:v5+s2+$0x0], $0xffff  }
0x2ca: {  	s23 =	simm.s32 $0x240;
	s28 =	simm.s32 $0x12D80;
	s31 =	simm.s32 $0x13280;
	[tilespmem:v11+s30+$0x0] =	vst.idx.add.f32.msk $0xffff, v9  }
0x2cb: {  	v4 =	vor.u32 s25, v1;
	s8 =	simm.s32 $0x13280;
	s25 =	simm.s32 $0x230;
	s18 =	simm.s32 $0x250;
	v5 =	vor.u32 s24, v1;
	v8 =	vand.u32 $0xFFFFFF80, v8;
	[tilespmem:v11+s31+$0x0] =	vst.idx.add.f32.msk $0xffff, v2  }
0x2cc: {  	s24 =	simm.s32 $0x20;
	v9 =	vor.u32 s23, v1;
	s23 =	simm.s32 $0x260;
	s30 =	simm.s32 $0x12F80;
	v11 =	vmul.u32 $0xC80, v14;
	v12 =	vor.u32 v15, v8;
	v8 =	vld [tilespmem:s6+$0x20]  }
.LBB2_8:
0x2cd: {  	s24 =	sadd.s32 $0x8, s24;
	v13 =	vld.idx.msk [tilespmem:v13+s2+$0x0], $0xffff  }
0x2ce: {  	p0 =	slt.u32 s24, $0x5C;
	v11 =	vadd.s32 v5, v11;
	[tilespmem:v3+s30+$0x0] =	vst.idx.add.f32.msk $0xffff, v6  }
0x2cf: {  	v6 =	vand.u32 $0xFFFFFF80, v11;
	v11 =	vand.u32 $0x4F, v5;
	[tilespmem:v3+s21+$0x0] =	vst.idx.add.f32.msk $0xffff, v2;
	v5 =	vmovc v4;
	v4 =	vmov v9  }
0x2d0: {  	v3 =	vor.u32 v11, v6;
	v6 =	vld [tilespmem:s1+$0x20]  }
0x2d1: {  	v11 =	vor.u32 s11, v1;
	s11 =	smov.u32 s4;
	s4 =	smov.u32 s12;
	s12 =	smov.u32 s23;
	v9 =	vld.idx.msk [tilespmem:v12+s2+$0x0], $0xffff;
	v8 =	vmul.u32 $0xC80, v8  }
0x2d2: {  	v12 =	vld [tilespmem:s10+$0x0]  }
0x2d3: {  	s23 =	simm.s32 $0x13000;
	[tilespmem:v7+s26+$0x0] =	vst.idx.add.f32.msk $0xffff, v13;
	v8 =	vadd.s32 v11, v8;
	v11 =	vand.u32 $0x6F, v11  }
0x2d4: {  	[tilespmem:v7+s23+$0x0] =	vst.idx.add.f32.msk $0xffff, v2;
	v7 =	vand.u32 $0xFFFFFF80, v8  }
0x2d5: {  	v8 =	vld [tilespmem:s19+$0xFFFFFFD0];
	v7 =	vor.u32 v11, v7  }
0x2d6: {  	s23 =	simm.s32 $0x12D00;
	v3 =	vld.idx.msk [tilespmem:v3+s2+$0x0], $0xffff  }
0x2d7: {  	[tilespmem:v10+s23+$0x0] =	vst.idx.add.f32.msk $0xffff, v9  }
0x2d8: {  	[tilespmem:v10+s29+$0x0] =	vst.idx.add.f32.msk $0xffff, v2  }
0x2d9: {  	v9 =	vld [tilespmem:s13+$0xFFFFFFF0]  }
0x2da: {  	s23 =	sadd.s32 $0xFFFFFFA0, s0;
	v8 =	vmul.u32 $0xC80, v8;
	v7 =	vld.idx.msk [tilespmem:v7+s2+$0x0], $0xffff  }
0x2db: {  	v11 =	vor.u32 s23, v1;
	s23 =	simm.s32 $0x12E00;
	v10 =	vld [tilespmem:s16+$0xFFFFFFD0]  }
0x2dc: {  	v8 =	vadd.s32 v11, v8;
	[tilespmem:v12+s23+$0x0] =	vst.idx.add.f32.msk $0xffff, v3;
	s23 =	simm.s32 $0x13200  }
0x2dd: {  	v3 =	vand.u32 $0xFFFFFF80, v8;
	v8 =	vand.u32 $0x1F, v11;
	[tilespmem:v12+s23+$0x0] =	vst.idx.add.f32.msk $0xffff, v2  }
0x2de: {  	v3 =	vor.u32 v8, v3;
	v8 =	vmul.u32 $0xC80, v9;
	v9 =	vld [tilespmem:s9+$0x10]  }
0x2df: {  	v11 =	vor.u32 s22, v1;
	s22 =	smov.u32 s25;
	s23 =	simm.s32 $0x12F00;
	v12 =	vld [tilespmem:s10+$0x10]  }
0x2e0: {  	v8 =	vadd.s32 v11, v8;
	[tilespmem:v6+s23+$0x0] =	vst.idx.add.f32.msk $0xffff, v7;
	s23 =	simm.s32 $0x13300  }
0x2e1: {  	v7 =	vand.u32 $0xFFFFFF80, v8;
	v8 =	vand.u32 $0x3F, v11;
	[tilespmem:v6+s23+$0x0] =	vst.idx.add.f32.msk $0xffff, v2  }
0x2e2: {  	v6 =	vor.u32 v8, v7;
	v8 =	vld [tilespmem:s6+$0x30]  }
0x2e3: {  	s6 =	smov.u32 s9;
	s9 =	smov.u32 s13;
	s13 =	smov.u32 s19  }
0x2e4: {  	v11 =	vld.idx.msk [tilespmem:v3+s2+$0x0], $0xffff;
	v7 =	vmul.u32 $0xC80, v9;
	v9 =	vor.u32 s14, v1;
	s14 =	smov.u32 s17;
	s17 =	smov.u32 s18  }
0x2e5: {  	v3 =	vld [tilespmem:s1+$0x30];
	s1 =	smov.u32 s10;
	s10 =	smov.u32 s15;
	s15 =	smov.u32 s16  }
0x2e6: {  	s16 =	sadd.s32 $0x80, s16;
	v13 =	vld [tilespmem:s10+$0xFFFFFFF0];
	v14 =	vadd.s32 v9, v7;
	v9 =	vand.u32 $0x5F, v9  }
0x2e7: {  	v7 =	vld [tilespmem:s16+$0xFFFFFFC0];
	v14 =	vand.u32 $0xFFFFFF80, v14;
	v8 =	vmul.u32 $0xC80, v8  }
0x2e8: {  	s19 =	sadd.s32 $0x80, s19;
	v6 =	vld.idx.msk [tilespmem:v6+s2+$0x0], $0xffff;
	v9 =	vor.u32 v9, v14  }
0x2e9: {  	s18 =	simm.s32 $0x12C80;
	v14 =	vld [tilespmem:s19+$0xFFFFFFC0];
	v8 =	vadd.s32 s20, v8;
	s20 =	smov.u32 s7  }
0x2ea: {  	[tilespmem:v10+s18+$0x0] =	vst.idx.add.f32.msk $0xffff, v11;
	s7 =	smov.u32 s3;
	s3 =	smov.u32 s0;
	s18 =	simm.s32 $0x13080  }
0x2eb: {  	[tilespmem:v10+s18+$0x0] =	vst.idx.add.f32.msk $0xffff, v2;
	v8 =	vadd.s32 v1, v8  }
0x2ec: {  	v10 =	vld [tilespmem:s13+$0xFFFFFFE0]  }
0x2ed: {  	v11 =	vld.idx.msk [tilespmem:v9+s2+$0x0], $0xffff  }
0x2ee: {  	s0 =	sadd.s32 $0x80, s0;
	v9 =	vmul.u32 $0xC80, v14;
	[tilespmem:v13+s28+$0x0] =	vst.idx.add.f32.msk $0xffff, v6  }
0x2ef: {  	s18 =	sadd.s32 $0xFFFFFF90, s0;
	s25 =	sadd.s32 $0xFFFFFFC0, s0;
	s23 =	sadd.s32 $0xFFFFFFD0, s0;
	[tilespmem:v13+s5+$0x0] =	vst.idx.add.f32.msk $0xffff, v2  }
0x2f0: {  	v6 =	vadd.s32 s18, v9;
	v9 =	vor.u32 s23, v1;
	s18 =	sadd.s32 $0xFFFFFFE0, s0;
	s23 =	sadd.s32 $0xFFFFFFF0, s0;
	v14 =	vld [tilespmem:s9+$0x0]  }
.Ltmp7:
0x2f1: {  	s26 =	sadd.s32 $0xFFFFFFB0, s3;
	v13 =	vor.u32 v1, v6;
	v15 =	vmul.u32 $0xC80, v10;
	v6 =	vld.idx.msk [tilespmem:v8+s2+$0x0], $0xffff;
	(pc) =	sbr.rel @p0 .LBB2_8-.Ltmp7, $4  }
0x2f2: {  	s31 =	simm.s32 $0x12E80;
	v8 =	vor.u32 s26, v1;
	s26 =	simm.s32 $0x12C00;
	v10 =	vld [tilespmem:s15+$0xFFFFFFE0]  }
0x2f3: {  	v15 =	vadd.s32 v8, v15;
	[tilespmem:v12+s31+$0x0] =	vst.idx.add.f32.msk $0xffff, v11  }
0x2f4: {  	v8 =	vand.u32 $0x2F, v8;
	v11 =	vand.u32 $0xFFFFFF80, v15;
	[tilespmem:v12+s8+$0x0] =	vst.idx.add.f32.msk $0xffff, v2  }
0x2f5: {  	v12 =	vor.u32 v8, v11;
	v11 =	vmul.u32 $0xC80, v14;
	v8 =	vld [tilespmem:s6+$0x20]  }
0x2f6: {  	_ =	sdelay $0x3  }
0x2f7: {  	v13 =	vld.idx.msk [tilespmem:v13+s2+$0x0], $0xffff;
	_ =	sdelay $0x4  }
0x2f8: {  	s5 =	simm.s32 $0x13000;
	[tilespmem:v7+s26+$0x0] =	vst.idx.add.f32.msk $0xffff, v13  }
0x2f9: {  	[tilespmem:v7+s5+$0x0] =	vst.idx.add.f32.msk $0xffff, v2  }
0x2fa: {  	v7 =	vld [tilespmem:s19+$0xFFFFFFD0];
	_ =	sdelay $0x4  }
0x2fb: {  	s24 =	sadd.s32 $0xFFFFFFA0, s0;
	v7 =	vmul.u32 $0xC80, v7  }
0x2fc: {  	v49 =	vor.u32 s24, v1  }
0x2fd: {  	v7 =	vadd.s32 v49, v7  }
0x2fe: {  	v13 =	vand.u32 $0x1F, v49;
	v7 =	vand.u32 $0xFFFFFF80, v7  }
0x2ff: {  	v7 =	vor.u32 v13, v7;
	_ =	sdelay $0x1  }
0x300: {  	v50 =	vld [tilespmem:s16+$0xFFFFFFD0];
	_ =	sdelay $0x2  }
0x301: {  	v7 =	vld.idx.msk [tilespmem:v7+s2+$0x0], $0xffff;
	_ =	sdelay $0x3  }
0x302: {  	s21 =	simm.s32 $0x12C80  }
0x303: {  	s24 =	simm.s32 $0x13080;
	[tilespmem:v50+s21+$0x0] =	vst.idx.add.f32.msk $0xffff, v7  }
0x304: {  	[tilespmem:v50+s24+$0x0] =	vst.idx.add.f32.msk $0xffff, v2  }
0x305: {  	v7 =	vld [tilespmem:s19+$0xFFFFFFE0];
	_ =	sdelay $0x4  }
0x306: {  	s8 =	sadd.s32 $0xFFFFFFB0, s0;
	v7 =	vmul.u32 $0xC80, v7  }
0x307: {  	v51 =	vor.u32 s8, v1  }
0x308: {  	v7 =	vadd.s32 v51, v7  }
0x309: {  	v13 =	vand.u32 $0x2F, v51;
	v7 =	vand.u32 $0xFFFFFF80, v7  }
0x30a: {  	v7 =	vor.u32 v13, v7  }
0x30b: {  	v12 =	vld.idx.msk [tilespmem:v12+s2+$0x0], $0xffff  }
0x30c: {  	v52 =	vld [tilespmem:s16+$0xFFFFFFE0];
	_ =	sdelay $0x2  }
0x30d: {  	s21 =	simm.s32 $0x12D00;
	v7 =	vld.idx.msk [tilespmem:v7+s2+$0x0], $0xffff  }
0x30e: {  	s8 =	simm.s32 $0x13100;
	[tilespmem:v10+s21+$0x0] =	vst.idx.add.f32.msk $0xffff, v12  }
0x30f: {  	[tilespmem:v10+s8+$0x0] =	vst.idx.add.f32.msk $0xffff, v2  }
0x310: {  	v10 =	vld [tilespmem:s13+$0xFFFFFFF0];
	_ =	sdelay $0x1  }
0x311: {  	[tilespmem:v52+s21+$0x0] =	vst.idx.add.f32.msk $0xffff, v7  }
0x312: {  	[tilespmem:v52+s8+$0x0] =	vst.idx.add.f32.msk $0xffff, v2  }
0x313: {  	v7 =	vld [tilespmem:s19+$0xFFFFFFF0]  }
0x314: {  	v10 =	vmul.u32 $0xC80, v10  }
0x315: {  	v53 =	vor.u32 s22, v1  }
0x316: {  	v10 =	vadd.s32 v53, v10  }
0x317: {  	v12 =	vand.u32 $0x3F, v53;
	v10 =	vand.u32 $0xFFFFFF80, v10  }
0x318: {  	v10 =	vor.u32 v12, v10;
	v7 =	vmul.u32 $0xC80, v7  }
0x319: {  	v54 =	vor.u32 s25, v1  }
0x31a: {  	v55 =	vld [tilespmem:s15+$0xFFFFFFF0];
	v7 =	vadd.s32 v54, v7  }
0x31b: {  	v12 =	vand.u32 $0x3F, v54;
	v7 =	vand.u32 $0xFFFFFF80, v7  }
0x31c: {  	v7 =	vor.u32 v12, v7  }
0x31d: {  	v10 =	vld.idx.msk [tilespmem:v10+s2+$0x0], $0xffff  }
0x31e: {  	v56 =	vld [tilespmem:s16+$0xFFFFFFF0];
	_ =	sdelay $0x2  }
0x31f: {  	s24 =	simm.s32 $0x12D80;
	v7 =	vld.idx.msk [tilespmem:v7+s2+$0x0], $0xffff  }
0x320: {  	s25 =	simm.s32 $0x13180;
	v11 =	vadd.s32 v5, v11;
	[tilespmem:v55+s24+$0x0] =	vst.idx.add.f32.msk $0xffff, v10  }
0x321: {  	v58 =	vand.u32 $0x4F, v5;
	v57 =	vand.u32 $0xFFFFFF80, v11;
	[tilespmem:v55+s25+$0x0] =	vst.idx.add.f32.msk $0xffff, v2  }
0x322: {  	v5 =	vor.u32 v58, v57;
	v59 =	vld [tilespmem:s13+$0x0]  }
0x323: {  	v60 =	vld [tilespmem:s10+$0x0]  }
0x324: {  	[tilespmem:v56+s24+$0x0] =	vst.idx.add.f32.msk $0xffff, v7  }
0x325: {  	[tilespmem:v56+s25+$0x0] =	vst.idx.add.f32.msk $0xffff, v2  }
0x326: {  	v7 =	vld [tilespmem:s19+$0x0]  }
0x327: {  	v5 =	vld.idx.msk [tilespmem:v5+s2+$0x0], $0xffff;
	v10 =	vmul.u32 $0xC80, v59;
	_ =	sdelay $0x1  }
0x328: {  	v10 =	vadd.s32 v4, v10  }
0x329: {  	v61 =	vand.u32 $0x4F, v4;
	v10 =	vand.u32 $0xFFFFFF80, v10  }
0x32a: {  	s21 =	simm.s32 $0x12E00;
	v4 =	vor.u32 v61, v10;
	v7 =	vmul.u32 $0xC80, v7  }
0x32b: {  	[tilespmem:v60+s21+$0x0] =	vst.idx.add.f32.msk $0xffff, v5  }
0x32c: {  	s5 =	simm.s32 $0x13200;
	v62 =	vld [tilespmem:s15+$0x0];
	v7 =	vadd.s32 v9, v7  }
0x32d: {  	v63 =	vand.u32 $0x4F, v9;
	[tilespmem:v60+s5+$0x0] =	vst.idx.add.f32.msk $0xffff, v2;
	v7 =	vand.u32 $0xFFFFFF80, v7  }
0x32e: {  	v12 =	vld [tilespmem:s9+$0x10];
	v7 =	vor.u32 v63, v7  }
0x32f: {  	v4 =	vld.idx.msk [tilespmem:v4+s2+$0x0], $0xffff  }
0x330: {  	v13 =	vld [tilespmem:s16+$0x0];
	_ =	sdelay $0x2  }
0x331: {  	v7 =	vld.idx.msk [tilespmem:v7+s2+$0x0], $0xffff  }
0x332: {  	[tilespmem:v62+s21+$0x0] =	vst.idx.add.f32.msk $0xffff, v4  }
0x333: {  	v14 =	vmul.u32 $0xC80, v12;
	[tilespmem:v62+s5+$0x0] =	vst.idx.add.f32.msk $0xffff, v2  }
0x334: {  	v15 =	vor.u32 s14, v1;
	v16 =	vld [tilespmem:s13+$0x10]  }
0x335: {  	v4 =	vadd.s32 v15, v14  }
0x336: {  	v5 =	vand.u32 $0x5F, v15;
	v4 =	vand.u32 $0xFFFFFF80, v4;
	[tilespmem:v13+s21+$0x0] =	vst.idx.add.f32.msk $0xffff, v7  }
0x337: {  	v4 =	vor.u32 v5, v4;
	[tilespmem:v13+s5+$0x0] =	vst.idx.add.f32.msk $0xffff, v2  }
0x338: {  	v17 =	vld [tilespmem:s19+$0x10]  }
0x339: {  	v18 =	vld [tilespmem:s10+$0x10];
	v19 =	vmul.u32 $0xC80, v16  }
0x33a: {  	v20 =	vor.u32 s17, v1  }
0x33b: {  	v9 =	vadd.s32 v20, v19  }
0x33c: {  	v10 =	vand.u32 $0x5F, v20;
	v4 =	vld.idx.msk [tilespmem:v4+s2+$0x0], $0xffff;
	v9 =	vand.u32 $0xFFFFFF80, v9  }
0x33d: {  	v9 =	vor.u32 v10, v9;
	v5 =	vmul.u32 $0xC80, v17  }
0x33e: {  	v21 =	vor.u32 s18, v1  }
0x33f: {  	v22 =	vld [tilespmem:s15+$0x10];
	v5 =	vadd.s32 v21, v5  }
0x340: {  	v23 =	vld [tilespmem:s1+$0x20];
	s18 =	simm.s32 $0x12E80;
	v10 =	vand.u32 $0x5F, v21;
	v5 =	vand.u32 $0xFFFFFF80, v5  }
0x341: {  	v8 =	vmul.u32 $0xC80, v8;
	[tilespmem:v18+s18+$0x0] =	vst.idx.add.f32.msk $0xffff, v4;
	v24 =	vor.u32 v10, v5  }
0x342: {  	v25 =	vor.u32 s11, v1;
	v9 =	vld.idx.msk [tilespmem:v9+s2+$0x0], $0xffff  }
0x343: {  	v8 =	vadd.s32 v25, v8;
	s21 =	simm.s32 $0x13280;
	v26 =	vld [tilespmem:s16+$0x10]  }
0x344: {  	v8 =	vand.u32 $0xFFFFFF80, v8;
	[tilespmem:v18+s21+$0x0] =	vst.idx.add.f32.msk $0xffff, v2;
	v5 =	vand.u32 $0x6F, v25  }
0x345: {  	v7 =	vld [tilespmem:s9+$0x20];
	v5 =	vor.u32 v5, v8  }
0x346: {  	v4 =	vld.idx.msk [tilespmem:v24+s2+$0x0], $0xffff  }
0x347: {  	[tilespmem:v22+s18+$0x0] =	vst.idx.add.f32.msk $0xffff, v9  }
0x348: {  	[tilespmem:v22+s21+$0x0] =	vst.idx.add.f32.msk $0xffff, v2  }
0x349: {  	v27 =	vld [tilespmem:s13+$0x20]  }
0x34a: {  	v5 =	vld.idx.msk [tilespmem:v5+s2+$0x0], $0xffff  }
0x34b: {  	v7 =	vmul.u32 $0xC80, v7;
	[tilespmem:v26+s18+$0x0] =	vst.idx.add.f32.msk $0xffff, v4  }
0x34c: {  	v28 =	vor.u32 s4, v1;
	[tilespmem:v26+s21+$0x0] =	vst.idx.add.f32.msk $0xffff, v2  }
0x34d: {  	v7 =	vadd.s32 v28, v7;
	v29 =	vld [tilespmem:s19+$0x20]  }
0x34e: {  	v7 =	vand.u32 $0xFFFFFF80, v7;
	v8 =	vmul.u32 $0xC80, v27;
	v4 =	vand.u32 $0x6F, v28  }
0x34f: {  	v30 =	vor.u32 s12, v1;
	v4 =	vor.u32 v4, v7  }
0x350: {  	v32 =	vld [tilespmem:s10+$0x20];
	v31 =	vadd.s32 v30, v8  }
0x351: {  	s22 =	simm.s32 $0x12F00;
	v36 =	vld [tilespmem:s15+$0x20];
	v10 =	vand.u32 $0x6F, v30;
	v7 =	vand.u32 $0xFFFFFF80, v31  }
0x352: {  	v35 =	vor.u32 s23, v1;
	s23 =	simm.s32 $0x13300;
	[tilespmem:v23+s22+$0x0] =	vst.idx.add.f32.msk $0xffff, v5;
	v33 =	vor.u32 v10, v7;
	v34 =	vmul.u32 $0xC80, v29  }
0x353: {  	[tilespmem:v23+s23+$0x0] =	vst.idx.add.f32.msk $0xffff, v2  }
0x354: {  	v4 =	vld.idx.msk [tilespmem:v4+s2+$0x0], $0xffff;
	v7 =	vadd.s32 v35, v34  }
0x355: {  	v9 =	vand.u32 $0x6F, v35;
	v38 =	vld [tilespmem:s16+$0x20];
	v7 =	vand.u32 $0xFFFFFF80, v7  }
0x356: {  	v37 =	vld [tilespmem:s6+$0x30];
	v7 =	vor.u32 v9, v7  }
0x357: {  	v5 =	vld.idx.msk [tilespmem:v33+s2+$0x0], $0xffff  }
0x358: {  	v44 =	vld [tilespmem:s1+$0x30]  }
0x359: {  	[tilespmem:v32+s22+$0x0] =	vst.idx.add.f32.msk $0xffff, v4  }
0x35a: {  	[tilespmem:v32+s23+$0x0] =	vst.idx.add.f32.msk $0xffff, v2  }
0x35b: {  	v39 =	vld.idx.msk [tilespmem:v7+s2+$0x0], $0xffff  }
0x35c: {  	[tilespmem:v36+s22+$0x0] =	vst.idx.add.f32.msk $0xffff, v5  }
0x35d: {  	v41 =	vmul.u32 $0xC80, v37;
	v40 =	vld [tilespmem:s9+$0x30]  }
0x35e: {  	[tilespmem:v36+s23+$0x0] =	vst.idx.add.f32.msk $0xffff, v2  }
0x35f: {  	v42 =	vadd.s32 s20, v41;
	v5 =	vld [tilespmem:s13+$0x30]  }
0x360: {  	v4 =	vadd.s32 v1, v42;
	[tilespmem:v38+s22+$0x0] =	vst.idx.add.f32.msk $0xffff, v39  }
0x361: {  	[tilespmem:v38+s23+$0x0] =	vst.idx.add.f32.msk $0xffff, v2  }
0x362: {  	v43 =	vld [tilespmem:s19+$0x30]  }
0x363: {  	v7 =	vmul.u32 $0xC80, v40;
	_ =	sdelay $0x1  }
0x364: {  	s24 =	simm.s32 $0x12F80;
	v4 =	vld.idx.msk [tilespmem:v4+s2+$0x0], $0xffff;
	v5 =	vmul.u32 $0xC80, v5;
	v7 =	vadd.s32 s7, v7  }
0x365: {  	[tilespmem:v3+s24+$0x0] =	vst.idx.add.f32.msk $0xffff, v6;
	s25 =	simm.s32 $0x13380;
	v7 =	vadd.s32 v1, v7  }
0x366: {  	[tilespmem:v3+s25+$0x0] =	vst.idx.add.f32.msk $0xffff, v2;
	v5 =	vadd.s32 s3, v5;
	v8 =	vmul.u32 $0xC80, v43  }
0x367: {  	v45 =	vld [tilespmem:s10+$0x30];
	v5 =	vadd.s32 v1, v5  }
0x368: {  	v46 =	vld [tilespmem:s15+$0x30];
	v8 =	vadd.s32 s0, v8  }
0x369: {  	[tilespmem:v44+s24+$0x0] =	vst.idx.add.f32.msk $0xffff, v4;
	v3 =	vadd.s32 v1, v8  }
0x36a: {  	v48 =	vld.idx.msk [tilespmem:v7+s2+$0x0], $0xffff  }
0x36b: {  	v47 =	vld [tilespmem:s16+$0x30]  }
0x36c: {  	v49 =	vld.idx.msk [tilespmem:v5+s2+$0x0], $0xffff  }
0x36d: {  	[tilespmem:v44+s25+$0x0] =	vst.idx.add.f32.msk $0xffff, v2  }
0x36e: {  	v3 =	vld.idx.msk [tilespmem:v3+s2+$0x0], $0xffff  }
0x36f: {  	[tilespmem:v45+s24+$0x0] =	vst.idx.add.f32.msk $0xffff, v48  }
0x370: {  	[tilespmem:v45+s25+$0x0] =	vst.idx.add.f32.msk $0xffff, v2  }
0x371: {  	[tilespmem:v46+s24+$0x0] =	vst.idx.add.f32.msk $0xffff, v49  }
0x372: {  	[tilespmem:v46+s25+$0x0] =	vst.idx.add.f32.msk $0xffff, v2  }
0x373: {  	[tilespmem:v47+s24+$0x0] =	vst.idx.add.f32.msk $0xffff, v3  }
0x374: {  	[tilespmem:v47+s25+$0x0] =	vst.idx.add.f32.msk $0xffff, v2  }
0x375: {  	v3 =	vld [tilespmem:$0x12C00]  }
0x376: {  	v4 =	vld [tilespmem:$0x13000]  }
0x377: {  	v50 =	vld [tilespmem:$0x12C80]  }
0x378: {  	v6 =	vld [tilespmem:$0x13080]  }
0x379: {  	v51 =	vld [tilespmem:$0x12D00]  }
0x37a: {  	v52 =	vld [tilespmem:$0x13100]  }
0x37b: {  	v9 =	vld [tilespmem:$0x12D80]  }
0x37c: {  	v53 =	vld [tilespmem:$0x13180];
	v3 =	vadd.f32 v50, v3  }
0x37d: {  	v54 =	vld [tilespmem:$0x12E00];
	v4 =	vadd.f32 v6, v4  }
0x37e: {  	v55 =	vld [tilespmem:$0x13200];
	v3 =	vadd.f32 v51, v3  }
0x37f: {  	v56 =	vld [tilespmem:$0x12E80];
	v4 =	vadd.f32 v52, v4  }
0x380: {  	v57 =	vld [tilespmem:$0x13280];
	v3 =	vadd.f32 v9, v3  }
0x381: {  	v58 =	vld [tilespmem:$0x12F00];
	v4 =	vadd.f32 v53, v4  }
0x382: {  	s11 =	rddreg [dreg:$0x0];
	v59 =	vld [tilespmem:$0x13300];
	v3 =	vadd.f32 v54, v3  }
0x383: {  	s12 =	rddreg [dreg:$0x1];
	v60 =	vld [tilespmem:$0x12F80];
	v4 =	vadd.f32 v55, v4  }
0x384: {  	s13 =	rddreg [dreg:$0x2];
	v61 =	vld [tilespmem:$0x13380];
	v3 =	vadd.f32 v56, v3  }
0x385: {  	v62 =	vld [tilespmem:$0x13400];
	s14 =	rddreg [dreg:$0x5];
	v4 =	vadd.f32 v57, v4  }
0x386: {  	v63 =	vld [tilespmem:$0x13480];
	s15 =	rddreg [dreg:$0x6];
	v3 =	vadd.f32 v58, v3  }
0x387: {  	s16 =	rddreg [dreg:$0x8];
	v4 =	vadd.f32 v59, v4  }
0x388: {  	s17 =	rddreg [dreg:$0x9];
	v3 =	vadd.f32 v60, v3  }
.Ltmp8:
0x389: {  	s28 =	simm.s32 $0x13080;
	s18 =	rddreg [dreg:$0xc];
	v4 =	vadd.f32 v61, v4;
	(pc) =	sbr.rel .LBB2_10-.Ltmp8, $4  }
0x38a: {  	s29 =	simm.s32 $0x12D00;
	s31 =	simm.s32 $0x13180;
	s19 =	rddreg [dreg:$0xe];
	v3 =	vadd.f32 v62, v3  }
0x38b: {  	s30 =	simm.s32 $0x12E00;
	s8 =	simm.s32 $0x12D80;
	s20 =	rddreg [dreg:$0xf];
	v4 =	vadd.f32 v63, v4  }
0x38c: {  	s5 =	simm.s32 $0x0;
	s21 =	simm.s32 $0x13100;
	s22 =	rddreg [dreg:$0x12];
	[tilespmem:$0x13400] =	vst v3  }
0x38d: {  	s24 =	simm.s32 $0x13000;
	s25 =	simm.s32 $0x12C80;
	s23 =	rddreg [dreg:$0x13];
	[tilespmem:$0x13480] =	vst v4  }
.LBB2_12:
0x38e: {  	_ =	sfence.sel $0x180000  }
0x38f: {  	[bflag:$0x0] =	sbarrier.arrive $0xFFFF  }
0x390: {  	_ =	strace $0x90000047  }
0x391: {  	s0 =	stileid.u32;
	[bflag:$0x2] =	sbarrier.arrive $0xFFFF  }
0x392: {  	p0 =	sne.s32 s0, $0x0;
	s0 =	rddreg [dreg:$0x4]  }
0x393: {  	s0 =	sadd.s32 @!p0 $0x100000, s0  }
0x394: {  	[sflag:s0] =	ssyncadd.tile.s32 @!p0 $0x1;
	_ =	shalt  }
.Lfunc_end2:
_tile_overlayer_lowered:
.L_overlay_start_2:
0x395: {  	(tag) =	ssettag $0x2  }
0x396: {  	s0 =	rddreg [dreg:$0x0];
	s2 =	stileid.u32  }
0x397: {  	s1 =	rddreg [dreg:$0x1];
	p0 =	sne.s32 s2, $0x0  }
0x398: {  	s3 =	rddreg [dreg:$0x2];
	[bflag:$0x3] =	sbarrier.arrive $0xFFFF;
	s2 =	simm.s32 @!p0 $0x1C03  }
0x399: {  	[timem:s3], [sflag:s2] =	dma.local @!p0 [hbm:s0], s1  }
0x39a: {  	s0 =	simm.s32 @!p0 $0x3  }
0x39b: {  	_ =	swait.ge @!p0 [sflag:s0], s1  }
0x39c: {  	s1 =	ssub.s32 @!p0 $0x0, s1;
	[sflag:s0] =	ssyncset.done @!p0 $0x0  }
0x39d: {  	[sflag:s0] =	ssyncadd.s32 @!p0 s1  }
0x39e: {  	[bflag:$0x3] =	sbarrier.arrive $0xFFFF  }
0x39f: {  	_ =	shalt  }

</sc_bundles>
